<compile_context>
chip_gen: v7x
topology: tpu7x:2x2x1
jax: 0.10.2.dev20260603
libtpu: 0.0.44.dev20260713+nightly
codegen_flags: <defaults>
</compile_context>

<pallas_src>
import functools

import jax
import jax.numpy as jnp
from jax.experimental import pallas as pl
from jax.experimental.pallas import tpu as pltpu
from jax.experimental.pallas import tpu_sc as plsc

_N = 4096
_K = 16
_BQ = 256
_BP = 1024
_BR = 256
_GW = 256

def _leaky(x):
    return jnp.where(x > 0, x, 0.1 * x)


def _b16(x):
    return x.astype(jnp.bfloat16).astype(jnp.float32)


def _dot16(a, w):
    return jnp.dot(a.astype(jnp.bfloat16), w.astype(jnp.bfloat16),
                   preferred_element_type=jnp.float32)



def _topk_body(xq_ref, xk_ref, idx_ref):
    b = pl.program_id(0)
    xq = xq_ref[0]
    iota = jax.lax.broadcasted_iota(jnp.int32, (_BQ, _N), 1)
    s1 = xq[:, 0:1] ** 2 + xq[:, 1:2] ** 2 + xq[:, 2:3] ** 2
    cr = None
    s2 = None
    for c in range(3):
        xkc = xk_ref[0, c:c + 1, :]
        xqc = xq[:, c:c + 1]
        t = _b16(xqc) * _b16(xkc)
        cr = t if cr is None else cr + t
        s2c = xkc * xkc
        s2 = s2c if s2 is None else s2 + s2c
    d = -2.0 * cr + s1 + s2
    off = b * _N
    for k in range(_K):
        m = jnp.min(d, axis=1, keepdims=True)
        cand = jnp.where(d == m, iota, _N)
        a = jnp.min(cand, axis=1, keepdims=True)
        idx_ref[0, :, k:k + 1] = a + off
        d = jnp.where(iota == a, jnp.float32(jnp.inf), d)


def _topk(xqt, xk):
    B = xqt.shape[0]
    return pl.pallas_call(
        _topk_body,
        grid=(B, _N // _BQ),
        in_specs=[pl.BlockSpec((1, _BQ, 3), lambda b, i: (b, i, 0)),
                  pl.BlockSpec((1, 3, _N), lambda b, i: (b, 0, 0))],
        out_specs=pl.BlockSpec((1, _BQ, _K), lambda b, i: (b, i, 0)),
        out_shape=jax.ShapeDtypeStruct((B, _N, _K), jnp.int32),
    )(xqt, xk)



def _prep_body(p1_ref, p2_ref, x1_ref, x2_ref,
               wa_ref, wb_ref, wc_ref, bias_ref, q_ref, kv_ref):
    wc = _b16(wc_ref[...])

    def xterm(x):
        xb = _b16(x)
        return (xb[:, 0:1] * wc[0:1, :] + xb[:, 1:2] * wc[1:2, :]
                + xb[:, 2:3] * wc[2:3, :])

    q = _dot16(p1_ref[0], wa_ref[...])
    q = q - xterm(x1_ref[0]) + bias_ref[...]
    kv = _dot16(p2_ref[0], wb_ref[...])
    kv = kv + xterm(x2_ref[0])
    q_ref[0] = q
    kv_ref[0] = kv


def _prep(p1t, p2t, x1t, x2t, wa, wb, wc, bias):
    B, _, D = p1t.shape
    C = wa.shape[1]
    return pl.pallas_call(
        _prep_body,
        grid=(B, _N // _BP),
        in_specs=[pl.BlockSpec((1, _BP, D), lambda b, i: (b, i, 0)),
                  pl.BlockSpec((1, _BP, D), lambda b, i: (b, i, 0)),
                  pl.BlockSpec((1, _BP, 3), lambda b, i: (b, i, 0)),
                  pl.BlockSpec((1, _BP, 3), lambda b, i: (b, i, 0)),
                  pl.BlockSpec((D, C), lambda b, i: (0, 0)),
                  pl.BlockSpec((D, C), lambda b, i: (0, 0)),
                  pl.BlockSpec((3, C), lambda b, i: (0, 0)),
                  pl.BlockSpec((1, C), lambda b, i: (0, 0))],
        out_specs=[pl.BlockSpec((1, _BP, C), lambda b, i: (b, i, 0)),
                   pl.BlockSpec((1, _BP, C), lambda b, i: (b, i, 0))],
        out_shape=[jax.ShapeDtypeStruct((B, _N, C), jnp.float32),
                   jax.ShapeDtypeStruct((B, _N, C), jnp.float32)],
    )(p1t, p2t, x1t, x2t, wa, wb, wc, bias)



def _sc_gather(table, idx_flat):
    NI = idx_flat.shape[1]
    C = table.shape[1]
    mesh = plsc.VectorSubcoreMesh(core_axis_name="core",
                                  subcore_axis_name="subcore")

    @functools.partial(
        pl.kernel,
        out_type=jax.ShapeDtypeStruct((NI, C), table.dtype),
        mesh=mesh)
    def kern(x_hbm, i_hbm, o_hbm):
        def body(i_vmem, o_vmem):
            pltpu.sync_copy(x_hbm.at[i_vmem.at[0]], o_vmem)

        pltpu.emit_pipeline(
            body,
            grid=(NI // _GW,),
            in_specs=[pl.BlockSpec((1, _GW), index_map=lambda i: (0, i))],
            out_specs=[pl.BlockSpec((_GW, C), index_map=lambda i: (i, 0))],
            core_axis_name=("core", "subcore"),
            dimension_semantics=(pltpu.PARALLEL,),
        )(i_hbm, o_hbm)

    return kern(table, idx_flat)



def _mlp_body(nl, g_ref, q_ref, *rest):
    wrefs = rest[:2 * nl]
    out_nc_ref, out_cn_ref = rest[2 * nl], rest[2 * nl + 1]
    g = g_ref[0]
    q = q_ref[0]
    C = q.shape[1]
    a = g.reshape(_BR, _K, C) + q[:, None, :]
    a = _leaky(a).reshape(_BR * _K, C)
    for i in range(nl):
        w = wrefs[2 * i][...]
        bb = wrefs[2 * i + 1][...]
        a = _dot16(a, w) + bb
        a = _leaky(a)
    r = jnp.max(a.reshape(_BR, _K, C), axis=1)
    out_nc_ref[0] = r
    out_cn_ref[0] = r.T


def _mlp(g, q, layers):
    B = q.shape[0]
    C = q.shape[2]
    nl = len(layers)
    wspecs = []
    wargs = []
    for (w, bb) in layers:
        wspecs.append(pl.BlockSpec((C, C), lambda b, i: (0, 0)))
        wspecs.append(pl.BlockSpec((1, C), lambda b, i: (0, 0)))
        wargs.extend([w, bb])
    return pl.pallas_call(
        functools.partial(_mlp_body, nl),
        grid=(B, _N // _BR),
        in_specs=[pl.BlockSpec((1, _BR * _K, C), lambda b, i: (b, i, 0)),
                  pl.BlockSpec((1, _BR, C), lambda b, i: (b, i, 0))]
                 + wspecs,
        out_specs=[pl.BlockSpec((1, _BR, C), lambda b, i: (b, i, 0)),
                   pl.BlockSpec((1, C, _BR), lambda b, i: (b, 0, i))],
        out_shape=[jax.ShapeDtypeStruct((B, _N, C), jnp.float32),
                   jax.ShapeDtypeStruct((B, C, _N), jnp.float32)],
    )(g, q, *wargs)



def _stage(p1t, p2t, x1t, x2t, idx, w0, b0, tail):
    B, _, D = p1t.shape
    wa = w0[:, :D].T
    wb = w0[:, D:2 * D].T
    wc = w0[:, 2 * D:].T
    q, kv = _prep(p1t, p2t, x1t, x2t, wa, wb, wc, b0.reshape(1, -1))
    C = wa.shape[1]
    g = _sc_gather(kv.reshape(B * _N, C), idx.reshape(1, B * _N * _K))
    layers = [(w.T, bb.reshape(1, -1)) for (w, bb) in tail]
    return _mlp(g.reshape(B, _N * _K, C), q, layers)


def kernel(pc1, pc2, feat1, feat2, W1_0, b1_0, W1_1, b1_1, W1_2, b1_2,
           W2_0, b2_0, W2_1, b2_1):
    x1t = jnp.transpose(pc1, (0, 2, 1))
    x2t = jnp.transpose(pc2, (0, 2, 1))
    p1t = jnp.transpose(feat1, (0, 2, 1))
    p2t = jnp.transpose(feat2, (0, 2, 1))

    idx12 = _topk(x1t, pc2)
    idx21 = _topk(x2t, pc1)

    tail1 = [(W1_1, b1_1), (W1_2, b1_2)]
    f1n_nc, f1n_cn = _stage(p1t, p2t, x1t, x2t, idx12, W1_0, b1_0, tail1)
    f2n_nc, f2n_cn = _stage(p2t, p1t, x2t, x1t, idx21, W1_0, b1_0, tail1)
    _, f1f_cn = _stage(f1n_nc, f2n_nc, x1t, x2t, idx12, W2_0, b2_0,
                       [(W2_1, b2_1)])
    return (f1n_cn, f2n_cn, f1f_cn)

# --- scband reference (transcript-rebuilt; emitter-appended) ---
"""Pipeline reference for scband-cross-layer-25220047962582 (READ-ONLY COPY).

The authoritative reference and input builder live on the scoring server;
editing this copy changes nothing except your own understanding.
"""

import jax, jax.numpy as jnp
import numpy as np

NSAMPLE = 16

def _gather(points, idx):
    # points: [B, N, C], idx: [B, M, K] -> [B, M, K, C]
    return jax.vmap(lambda p, i: p[i])(points, idx)

def _cross(xyz1, xyz2, points1, points2, params, nsample):
    # xyz*: [B, 3, N], points*: [B, D, N]
    x1 = jnp.transpose(xyz1, (0, 2, 1))
    x2 = jnp.transpose(xyz2, (0, 2, 1))
    p1 = jnp.transpose(points1, (0, 2, 1))
    p2 = jnp.transpose(points2, (0, 2, 1))
    dist = (-2.0 * jnp.einsum('bnc,bmc->bnm', x1, x2)
            + jnp.sum(x1 ** 2, -1)[:, :, None]
            + jnp.sum(x2 ** 2, -1)[:, None, :])
    _, knn_idx = jax.lax.top_k(-dist, nsample)  # smallest distances
    neighbor_xyz = _gather(x2, knn_idx)                      # [B, N1, K, 3]
    direction_xyz = neighbor_xyz - x1[:, :, None, :]
    gp2 = _gather(p2, knn_idx)                               # [B, N1, K, D2]
    gp1 = jnp.broadcast_to(p1[:, :, None, :], (p1.shape[0], p1.shape[1], nsample, p1.shape[2]))
    new = jnp.concatenate([gp1, gp2, direction_xyz], axis=-1)  # [B, N1, K, Ct]
    for W, b in params:
        new = jnp.einsum('bnkc,oc->bnko', new, W) + b
        new = jnp.where(new > 0, new, 0.1 * new)  # LeakyReLU(0.1)
    out = jnp.max(new, axis=2)                               # max-pool over K
    return jnp.transpose(out, (0, 2, 1))                     # [B, C_out, N1]

def setup_inputs(seed: int = 0):
    key = jax.random.key(seed)
    ks = jax.random.split(key, 16)
    B, N, C = 2, 4096, 64
    inp = {
        'pc1': jax.random.normal(ks[0], (B, 3, N), jnp.float32),
        'pc2': jax.random.normal(ks[1], (B, 3, N), jnp.float32),
        'feat1': jax.random.normal(ks[2], (B, C, N), jnp.float32),
        'feat2': jax.random.normal(ks[3], (B, C, N), jnp.float32),
    }
    dims1 = [(131, 128), (128, 128), (128, 128)]  # in_channel*2+3 = 131
    dims2 = [(259, 128), (128, 128)]              # mlp1[-1]*2+3 = 259
    i = 4
    for j, (cin, cout) in enumerate(dims1):
        inp['W1_%d' % j] = jax.random.normal(ks[i], (cout, cin), jnp.float32) * (1.0 / np.sqrt(cin)); i += 1
        inp['b1_%d' % j] = jnp.zeros((cout,), jnp.float32)
    for j, (cin, cout) in enumerate(dims2):
        inp['W2_%d' % j] = jax.random.normal(ks[i], (cout, cin), jnp.float32) * (1.0 / np.sqrt(cin)); i += 1
        inp['b2_%d' % j] = jnp.zeros((cout,), jnp.float32)
    return inp

def reference(pc1, pc2, feat1, feat2, W1_0, b1_0, W1_1, b1_1, W1_2, b1_2, W2_0, b2_0, W2_1, b2_1):
    mlp1 = [(W1_0, b1_0), (W1_1, b1_1), (W1_2, b1_2)]
    mlp2 = [(W2_0, b2_0), (W2_1, b2_1)]
    feat1_new = _cross(pc1, pc2, feat1, feat2, mlp1, NSAMPLE)
    feat2_new = _cross(pc2, pc1, feat2, feat1, mlp1, NSAMPLE)
    feat1_final = _cross(pc1, pc2, feat1_new, feat2_new, mlp2, NSAMPLE)
    return (feat1_new, feat2_new, feat1_final)

if __name__ == "__main__":
    import jax
    _d = setup_inputs()
    print(jax.jit(kernel)(*tuple(_d.values())))

</pallas_src>

<mosaic_0001>
#map = affine_map<(d0, d1) -> (0, 0)>
module attributes {stable_mosaic.version = 14 : i64} {
  func.func @kern(%arg0: i32, %arg1: i32, %arg2: memref<8192x128xf32, #tpu.memory_space<hbm>>, %arg3: memref<1x131072xi32, #tpu.memory_space<hbm>>, %arg4: memref<131072x128xf32, #tpu.memory_space<hbm>>) attributes {dimension_semantics = [#tpu.dimension_semantics<core_parallel>, #tpu.dimension_semantics<subcore_parallel>], iteration_bounds = array<i64: 2, 16>, scalar_prefetch = 0 : i64, scratch_operands = 0 : i64, tpu.core_type = #tpu.core_type<sc_vector_subcore>, window_params = [{transform_indices = #map}, {transform_indices = #map}, {transform_indices = #map}]} {
    %mul3A = arith.constant 1 : i32
    %mul3A_0 = arith.muli %arg1, %mul3A : i32
    %add3A = arith.constant 0 : i32
    %add3A_1 = arith.addi %add3A, %mul3A_0 : i32
    %mul3A_2 = arith.constant 16 : i32
    %mul3A_3 = arith.muli %arg0, %mul3A_2 : i32
    %add3A_4 = arith.addi %add3A_1, %mul3A_3 : i32
    %mul3A_5 = arith.constant 16 : i32
    %mul3A_6 = arith.muli %add3A_4, %mul3A_5 : i32
    "tpu.region"() ({
      %run_scoped3A = memref.alloca() : memref<2x1x256xi32, #tpu.memory_space<vmem>>
      %run_scoped3A_7 = tpu.sem_alloc : memref<2x!tpu.dma_semaphore, #tpu.memory_space<semaphore_mem>>
      %run_scoped3A_8 = memref.alloca() : memref<2x256x128xf32, #tpu.memory_space<vmem>>
      %run_scoped3A_9 = tpu.sem_alloc : memref<2x!tpu.dma_semaphore, #tpu.memory_space<semaphore_mem>>
      %add3A_10 = arith.constant 0 : i32
      %add3A_11 = arith.addi %add3A_10, %mul3A_6 : i32
      %select_n3A = arith.constant true
      %select_n3A_12 = arith.constant 0 : i32
      %select_n3A_13 = arith.constant -1 : i32
      %select_n3A_14 = arith.select %select_n3A, %select_n3A_13, %select_n3A_12 : i32
      %eq3A = arith.constant -1 : i32
      %eq3A_15 = arith.cmpi eq, %select_n3A_14, %eq3A : i32
      %select_n3A_16 = arith.constant 15 : i32
      %select_n3A_17 = arith.select %eq3A_15, %select_n3A_16, %select_n3A_14 : i32
      %add3A_18 = arith.addi %select_n3A_17, %mul3A_6 : i32
      %select_n3A_19 = arith.constant true
      %select_n3A_20 = arith.constant 0 : i32
      %select_n3A_21 = arith.constant 1 : i32
      %select_n3A_22 = arith.select %select_n3A_19, %select_n3A_21, %select_n3A_20 : i32
      %eq3A_23 = arith.constant 16 : i32
      %eq3A_24 = arith.cmpi eq, %select_n3A_22, %eq3A_23 : i32
      %select_n3A_25 = arith.constant 0 : i32
      %select_n3A_26 = arith.select %eq3A_24, %select_n3A_25, %select_n3A_22 : i32
      %add3A_27 = arith.addi %select_n3A_26, %mul3A_6 : i32
      %add3A_28 = arith.constant 1 : i32
      %add3A_29 = arith.addi %select_n3A_26, %add3A_28 : i32
      %select_n3A_30 = arith.constant true
      %select_n3A_31 = arith.select %select_n3A_30, %add3A_29, %select_n3A_26 : i32
      %eq3A_32 = arith.constant 16 : i32
      %eq3A_33 = arith.cmpi eq, %select_n3A_31, %eq3A_32 : i32
      %select_n3A_34 = arith.constant 0 : i32
      %select_n3A_35 = arith.select %eq3A_33, %select_n3A_34, %select_n3A_31 : i32
      %add3A_36 = arith.addi %select_n3A_35, %mul3A_6 : i32
      "tpu.trace_start"() <{level = 10 : i32, message = "ep_initialize_0"}> : () -> ()
      %rem3A = arith.constant 0 : i32
      %rem3A_37 = arith.constant 2 : i32
      %rem3A_38 = arith.remui %rem3A, %rem3A_37 : i32
      %mul3A_39 = arith.constant 256 : i32
      %mul3A_40 = arith.muli %mul3A_39, %add3A_11 : i32
      %dma_start3A = arith.constant 0 : i32
      %dma_start3A_41 = arith.constant 0 : i32
      %dma_start3A_42 = tpu.memref_slice %run_scoped3A[%rem3A_38, %dma_start3A, %dma_start3A_41] : memref<2x1x256xi32, #tpu.memory_space<vmem>> -> memref<1x1x256xi32, #tpu.memory_space<vmem>>
      %dma_start3A_43 = tpu.memref_squeeze %dma_start3A_42 : memref<1x1x256xi32, #tpu.memory_space<vmem>> -> memref<1x256xi32, #tpu.memory_space<vmem>>
      %dma_start3A_44 = arith.constant 0 : i32
      %dma_start3A_45 = tpu.memref_slice %arg3[%dma_start3A_44, %mul3A_40] : memref<1x131072xi32, #tpu.memory_space<hbm>> -> memref<1x256xi32, #tpu.memory_space<hbm>>
      %dma_start3A_46 = tpu.memref_slice %run_scoped3A_7[%rem3A_38] : memref<2x!tpu.dma_semaphore, #tpu.memory_space<semaphore_mem>> -> memref<1x!tpu.dma_semaphore, #tpu.memory_space<semaphore_mem>>
      %dma_start3A_47 = tpu.memref_squeeze %dma_start3A_46 : memref<1x!tpu.dma_semaphore, #tpu.memory_space<semaphore_mem>> -> memref<!tpu.dma_semaphore, #tpu.memory_space<semaphore_mem>>
      %dma_start3A_48 = arith.constant 0 : i32
      %dma_start3A_49 = arith.constant 0 : i32
      %dma_start3A_50 = tpu.memref_slice %run_scoped3A[%rem3A_38, %dma_start3A_48, %dma_start3A_49] : memref<2x1x256xi32, #tpu.memory_space<vmem>> -> memref<1x1x256xi32, #tpu.memory_space<vmem>>
      %dma_start3A_51 = tpu.memref_squeeze %dma_start3A_50 : memref<1x1x256xi32, #tpu.memory_space<vmem>> -> memref<1x256xi32, #tpu.memory_space<vmem>>
      %dma_start3A_52 = arith.constant 0 : i32
      %dma_start3A_53 = tpu.memref_slice %arg3[%dma_start3A_52, %mul3A_40] : memref<1x131072xi32, #tpu.memory_space<hbm>> -> memref<1x256xi32, #tpu.memory_space<hbm>>
      tpu.enqueue_dma source(%dma_start3A_53 : memref<1x256xi32, #tpu.memory_space<hbm>>) target(%dma_start3A_51 : memref<1x256xi32, #tpu.memory_space<vmem>>) target_semaphore(%dma_start3A_47 : memref<!tpu.dma_semaphore, #tpu.memory_space<semaphore_mem>>)
      %add3A_54 = arith.constant 0 : i32
      %add3A_55 = arith.constant 1 : i32
      %add3A_56 = arith.addi %add3A_54, %add3A_55 : i32
      %select_n3A_57 = arith.constant true
      %select_n3A_58 = arith.constant 0 : i32
      %select_n3A_59 = arith.select %select_n3A_57, %add3A_56, %select_n3A_58 : i32
      "tpu.trace_stop"() : () -> ()
      %scan3A = arith.constant 0 : i32
      %scan3A_60 = arith.constant 0 : i32
      %scan3A_61 = arith.constant 0 : i32
      %scan3A_62 = arith.constant 0 : i32
      %scan3A_63 = arith.constant 0 : i32
      %scan3A_64 = arith.constant 16 : i32
      %scan3A_65 = arith.addi %scan3A_63, %scan3A_64 : i32
      %scan3A_66 = arith.constant 1 : i32
      %scan3A_67:5 = scf.for %scan3A_121 = %scan3A_63 to %scan3A_65 step %scan3A_66 iter_args(%scan3A_122 = %select_n3A_59, %scan3A_123 = %scan3A, %scan3A_124 = %scan3A_60, %scan3A_125 = %scan3A_61, %scan3A_126 = %scan3A_62) -> (i32, i32, i32, i32, i32)  : i32 {
        %eq3A_127 = arith.constant 0 : i32
        %eq3A_128 = arith.cmpi eq, %scan3A_121, %eq3A_127 : i32
        %eq3A_129 = arith.constant 15 : i32
        %eq3A_130 = arith.cmpi eq, %scan3A_121, %eq3A_129 : i32
        %add3A_131 = arith.addi %scan3A_126, %mul3A_6 : i32
        %sub3A_132 = arith.constant 1 : i32
        %sub3A_133 = arith.subi %scan3A_126, %sub3A_132 : i32
        %select_n3A_134 = arith.constant true
        %select_n3A_135 = arith.select %select_n3A_134, %sub3A_133, %scan3A_126 : i32
        %eq3A_136 = arith.constant -1 : i32
        %eq3A_137 = arith.cmpi eq, %select_n3A_135, %eq3A_136 : i32
        %select_n3A_138 = arith.constant 15 : i32
        %select_n3A_139 = arith.select %eq3A_137, %select_n3A_138, %select_n3A_135 : i32
        %add3A_140 = arith.addi %select_n3A_139, %mul3A_6 : i32
        %add3A_141 = arith.constant 1 : i32
        %add3A_142 = arith.addi %scan3A_126, %add3A_141 : i32
        %select_n3A_143 = arith.constant true
        %select_n3A_144 = arith.select %select_n3A_143, %add3A_142, %scan3A_126 : i32
        %eq3A_145 = arith.constant 16 : i32
        %eq3A_146 = arith.cmpi eq, %select_n3A_144, %eq3A_145 : i32
        %select_n3A_147 = arith.constant 0 : i32
        %select_n3A_148 = arith.select %eq3A_146, %select_n3A_147, %select_n3A_144 : i32
        %add3A_149 = arith.addi %select_n3A_148, %mul3A_6 : i32
        %add3A_150 = arith.constant 1 : i32
        %add3A_151 = arith.addi %select_n3A_148, %add3A_150 : i32
        %select_n3A_152 = arith.constant true
        %select_n3A_153 = arith.select %select_n3A_152, %add3A_151, %select_n3A_148 : i32
        %eq3A_154 = arith.constant 16 : i32
        %eq3A_155 = arith.cmpi eq, %select_n3A_153, %eq3A_154 : i32
        %select_n3A_156 = arith.constant 0 : i32
        %select_n3A_157 = arith.select %eq3A_155, %select_n3A_156, %select_n3A_153 : i32
        %add3A_158 = arith.addi %select_n3A_157, %mul3A_6 : i32
        %ne3A = arith.cmpi ne, %add3A_131, %add3A_149 : i32
        %or3A = arith.constant false
        %or3A_159 = arith.ori %or3A, %ne3A : i1
        %ge3A = arith.constant 15 : i32
        %ge3A_160 = arith.cmpi sge, %scan3A_121, %ge3A : i32
        %not3A = arith.constant true
        %not3A_161 = arith.xori %ge3A_160, %not3A : i1
        %and3A = arith.andi %or3A_159, %not3A_161 : i1
        %convert_element_type3A = arith.extui %and3A : i1 to i32
        %cond3A = arith.constant 0 : i32
        %cond3A_162 = arith.cmpi ne, %convert_element_type3A, %cond3A : i32
        scf.if %cond3A_162 {
          "tpu.trace_start"() <{level = 10 : i32, message = "ep_copy_in"}> : () -> ()
          %rem3A_264 = arith.constant 2 : i32
          %rem3A_265 = arith.remui %scan3A_122, %rem3A_264 : i32
          %mul3A_266 = arith.constant 256 : i32
          %mul3A_267 = arith.muli %mul3A_266, %add3A_149 : i32
          %dma_start3A_268 = arith.constant 0 : i32
          %dma_start3A_269 = arith.constant 0 : i32
          %dma_start3A_270 = tpu.memref_slice %run_scoped3A[%rem3A_265, %dma_start3A_268, %dma_start3A_269] : memref<2x1x256xi32, #tpu.memory_space<vmem>> -> memref<1x1x256xi32, #tpu.memory_space<vmem>>
          %dma_start3A_271 = tpu.memref_squeeze %dma_start3A_270 : memref<1x1x256xi32, #tpu.memory_space<vmem>> -> memref<1x256xi32, #tpu.memory_space<vmem>>
          %dma_start3A_272 = arith.constant 0 : i32
          %dma_start3A_273 = tpu.memref_slice %arg3[%dma_start3A_272, %mul3A_267] : memref<1x131072xi32, #tpu.memory_space<hbm>> -> memref<1x256xi32, #tpu.memory_space<hbm>>
          %dma_start3A_274 = tpu.memref_slice %run_scoped3A_7[%rem3A_265] : memref<2x!tpu.dma_semaphore, #tpu.memory_space<semaphore_mem>> -> memref<1x!tpu.dma_semaphore, #tpu.memory_space<semaphore_mem>>
          %dma_start3A_275 = tpu.memref_squeeze %dma_start3A_274 : memref<1x!tpu.dma_semaphore, #tpu.memory_space<semaphore_mem>> -> memref<!tpu.dma_semaphore, #tpu.memory_space<semaphore_mem>>
          %dma_start3A_276 = arith.constant 0 : i32
          %dma_start3A_277 = arith.constant 0 : i32
          %dma_start3A_278 = tpu.memref_slice %run_scoped3A[%rem3A_265, %dma_start3A_276, %dma_start3A_277] : memref<2x1x256xi32, #tpu.memory_space<vmem>> -> memref<1x1x256xi32, #tpu.memory_space<vmem>>
          %dma_start3A_279 = tpu.memref_squeeze %dma_start3A_278 : memref<1x1x256xi32, #tpu.memory_space<vmem>> -> memref<1x256xi32, #tpu.memory_space<vmem>>
          %dma_start3A_280 = arith.constant 0 : i32
          %dma_start3A_281 = tpu.memref_slice %arg3[%dma_start3A_280, %mul3A_267] : memref<1x131072xi32, #tpu.memory_space<hbm>> -> memref<1x256xi32, #tpu.memory_space<hbm>>
          tpu.enqueue_dma source(%dma_start3A_281 : memref<1x256xi32, #tpu.memory_space<hbm>>) target(%dma_start3A_279 : memref<1x256xi32, #tpu.memory_space<vmem>>) target_semaphore(%dma_start3A_275 : memref<!tpu.dma_semaphore, #tpu.memory_space<semaphore_mem>>)
          "tpu.trace_stop"() : () -> ()
        } else {
        }
        %and3A_163 = arith.constant true
        %and3A_164 = arith.andi %and3A, %and3A_163 : i1
        %add3A_165 = arith.constant 1 : i32
        %add3A_166 = arith.addi %scan3A_122, %add3A_165 : i32
        %select_n3A_167 = arith.select %and3A_164, %add3A_166, %scan3A_122 : i32
        %ne3A_168 = arith.cmpi ne, %add3A_131, %add3A_149 : i32
        %or3A_169 = arith.constant false
        %or3A_170 = arith.ori %or3A_169, %ne3A_168 : i1
        %or3A_171 = arith.constant false
        %or3A_172 = arith.ori %or3A_170, %or3A_171 : i1
        %ge3A_173 = arith.constant 15 : i32
        %ge3A_174 = arith.cmpi sge, %scan3A_121, %ge3A_173 : i32
        %not3A_175 = arith.constant true
        %not3A_176 = arith.xori %ge3A_174, %not3A_175 : i1
        %and3A_177 = arith.andi %or3A_172, %not3A_176 : i1
        %ne3A_178 = arith.cmpi ne, %add3A_131, %add3A_140 : i32
        %or3A_179 = arith.constant false
        %or3A_180 = arith.ori %or3A_179, %ne3A_178 : i1
        %or3A_181 = arith.ori %or3A_180, %eq3A_128 : i1
        %convert_element_type3A_182 = arith.extui %or3A_181 : i1 to i32
        %cond3A_183 = arith.constant 0 : i32
        %cond3A_184 = arith.cmpi ne, %convert_element_type3A_182, %cond3A_183 : i32
        scf.if %cond3A_184 {
          "tpu.trace_start"() <{level = 10 : i32, message = "ep_wait_in"}> : () -> ()
          %mul3A_264 = arith.constant 256 : i32
          %mul3A_265 = arith.muli %mul3A_264, %add3A_131 : i32
          %rem3A_266 = arith.constant 2 : i32
          %rem3A_267 = arith.remui %scan3A_123, %rem3A_266 : i32
          %dma_wait3A_268 = arith.constant 0 : i32
          %dma_wait3A_269 = arith.constant 0 : i32
          %dma_wait3A_270 = tpu.memref_slice %run_scoped3A[%rem3A_267, %dma_wait3A_268, %dma_wait3A_269] : memref<2x1x256xi32, #tpu.memory_space<vmem>> -> memref<1x1x256xi32, #tpu.memory_space<vmem>>
          %dma_wait3A_271 = tpu.memref_squeeze %dma_wait3A_270 : memref<1x1x256xi32, #tpu.memory_space<vmem>> -> memref<1x256xi32, #tpu.memory_space<vmem>>
          %dma_wait3A_272 = arith.constant 0 : i32
          %dma_wait3A_273 = tpu.memref_slice %arg3[%dma_wait3A_272, %mul3A_265] : memref<1x131072xi32, #tpu.memory_space<hbm>> -> memref<1x256xi32, #tpu.memory_space<hbm>>
          %dma_wait3A_274 = tpu.memref_slice %run_scoped3A_7[%rem3A_267] : memref<2x!tpu.dma_semaphore, #tpu.memory_space<semaphore_mem>> -> memref<1x!tpu.dma_semaphore, #tpu.memory_space<semaphore_mem>>
          %dma_wait3A_275 = tpu.memref_squeeze %dma_wait3A_274 : memref<1x!tpu.dma_semaphore, #tpu.memory_space<semaphore_mem>> -> memref<!tpu.dma_semaphore, #tpu.memory_space<semaphore_mem>>
          %dma_wait3A_276 = arith.constant 0 : i32
          %dma_wait3A_277 = arith.constant 0 : i32
          %dma_wait3A_278 = tpu.memref_slice %run_scoped3A[%rem3A_267, %dma_wait3A_276, %dma_wait3A_277] : memref<2x1x256xi32, #tpu.memory_space<vmem>> -> memref<1x1x256xi32, #tpu.memory_space<vmem>>
          %dma_wait3A_279 = tpu.memref_squeeze %dma_wait3A_278 : memref<1x1x256xi32, #tpu.memory_space<vmem>> -> memref<1x256xi32, #tpu.memory_space<vmem>>
          %dma_wait3A_280 = arith.constant 0 : i32
          %dma_wait3A_281 = tpu.memref_slice %arg3[%dma_wait3A_280, %mul3A_265] : memref<1x131072xi32, #tpu.memory_space<hbm>> -> memref<1x256xi32, #tpu.memory_space<hbm>>
          tpu.wait_dma2 semaphore(%dma_wait3A_275 : memref<!tpu.dma_semaphore, #tpu.memory_space<semaphore_mem>>) src(%dma_wait3A_281 : memref<1x256xi32, #tpu.memory_space<hbm>>) dst(%dma_wait3A_279 : memref<1x256xi32, #tpu.memory_space<vmem>>)
          "tpu.trace_stop"() : () -> ()
        } else {
        }
        %ne3A_185 = arith.cmpi ne, %add3A_131, %add3A_140 : i32
        %or3A_186 = arith.constant false
        %or3A_187 = arith.ori %or3A_186, %ne3A_185 : i1
        %or3A_188 = arith.constant false
        %or3A_189 = arith.ori %or3A_187, %or3A_188 : i1
        %or3A_190 = arith.ori %or3A_189, %eq3A_128 : i1
        %convert_element_type3A_191 = arith.extui %or3A_190 : i1 to i32
        %cond3A_192 = arith.constant 0 : i32
        %cond3A_193 = arith.cmpi ne, %convert_element_type3A_191, %cond3A_192 : i32
        scf.if %cond3A_193 {
        } else {
        }
        %rem3A_194 = arith.constant 2 : i32
        %rem3A_195 = arith.remui %scan3A_123, %rem3A_194 : i32
        %rem3A_196 = arith.constant 2 : i32
        %rem3A_197 = arith.remui %scan3A_124, %rem3A_196 : i32
        %run_scoped3A_198 = arith.constant 0 : i32
        "tpu.trace_start"() <{level = 10 : i32, message = "ep_run_kernel"}> : () -> ()
        "tpu.region"() ({
          %run_scoped3A_264 = tpu.sem_alloc : memref<!tpu.dma_semaphore, #tpu.memory_space<semaphore_mem>>
          %dma_start3A_265 = arith.constant 0 : i32
          %dma_start3A_266 = arith.constant 0 : i32
          %dma_start3A_267 = tpu.memref_slice %run_scoped3A_8[%rem3A_197, %dma_start3A_265, %dma_start3A_266] : memref<2x256x128xf32, #tpu.memory_space<vmem>> -> memref<1x256x128xf32, #tpu.memory_space<vmem>>
          %dma_start3A_268 = tpu.memref_squeeze %dma_start3A_267 : memref<1x256x128xf32, #tpu.memory_space<vmem>> -> memref<256x128xf32, #tpu.memory_space<vmem>>
          %dma_start3A_269 = arith.constant 0 : i32
          %dma_start3A_270 = arith.constant 0 : i32
          %dma_start3A_271 = tpu.memref_slice %run_scoped3A[%rem3A_195, %dma_start3A_269, %dma_start3A_270] : memref<2x1x256xi32, #tpu.memory_space<vmem>> -> memref<1x1x256xi32, #tpu.memory_space<vmem>>
          %dma_start3A_272 = tpu.memref_squeeze %dma_start3A_271 : memref<1x1x256xi32, #tpu.memory_space<vmem>> -> memref<1x256xi32, #tpu.memory_space<vmem>>
          %dma_start3A_273 = arith.constant 0 : i32
          %dma_start3A_274 = tpu.memref_slice %dma_start3A_272[%run_scoped3A_198, %dma_start3A_273] : memref<1x256xi32, #tpu.memory_space<vmem>> -> memref<1x256xi32, #tpu.memory_space<vmem>>
          %dma_start3A_275 = tpu.memref_squeeze %dma_start3A_274 : memref<1x256xi32, #tpu.memory_space<vmem>> -> memref<256xi32, #tpu.memory_space<vmem>>
          %dma_start3A_276 = arith.constant 0 : i32
          %dma_start3A_277 = arith.constant 0 : i32
          %dma_start3A_278 = tpu.memref_slice %arg2[%dma_start3A_276, %dma_start3A_277] : memref<8192x128xf32, #tpu.memory_space<hbm>> -> memref<8192x128xf32, #tpu.memory_space<hbm>>
          tpu.enqueue_indirect_dma source(%dma_start3A_278 : memref<8192x128xf32, #tpu.memory_space<hbm>>) target(%dma_start3A_268 : memref<256x128xf32, #tpu.memory_space<vmem>>) offsets(%dma_start3A_275 : memref<256xi32, #tpu.memory_space<vmem>>) semaphore(%run_scoped3A_264 : memref<!tpu.dma_semaphore, #tpu.memory_space<semaphore_mem>>)
          %dma_wait3A_279 = arith.constant 0 : i32
          %dma_wait3A_280 = arith.constant 0 : i32
          %dma_wait3A_281 = tpu.memref_slice %run_scoped3A_8[%rem3A_197, %dma_wait3A_279, %dma_wait3A_280] : memref<2x256x128xf32, #tpu.memory_space<vmem>> -> memref<1x256x128xf32, #tpu.memory_space<vmem>>
          %dma_wait3A_282 = tpu.memref_squeeze %dma_wait3A_281 : memref<1x256x128xf32, #tpu.memory_space<vmem>> -> memref<256x128xf32, #tpu.memory_space<vmem>>
          %dma_wait3A_283 = arith.constant 0 : i32
          %dma_wait3A_284 = arith.constant 0 : i32
          %dma_wait3A_285 = tpu.memref_slice %run_scoped3A[%rem3A_195, %dma_wait3A_283, %dma_wait3A_284] : memref<2x1x256xi32, #tpu.memory_space<vmem>> -> memref<1x1x256xi32, #tpu.memory_space<vmem>>
          %dma_wait3A_286 = tpu.memref_squeeze %dma_wait3A_285 : memref<1x1x256xi32, #tpu.memory_space<vmem>> -> memref<1x256xi32, #tpu.memory_space<vmem>>
          %dma_wait3A_287 = arith.constant 0 : i32
          %dma_wait3A_288 = tpu.memref_slice %dma_wait3A_286[%run_scoped3A_198, %dma_wait3A_287] : memref<1x256xi32, #tpu.memory_space<vmem>> -> memref<1x256xi32, #tpu.memory_space<vmem>>
          %dma_wait3A_289 = tpu.memref_squeeze %dma_wait3A_288 : memref<1x256xi32, #tpu.memory_space<vmem>> -> memref<256xi32, #tpu.memory_space<vmem>>
          %dma_wait3A_290 = arith.constant 0 : i32
          %dma_wait3A_291 = arith.constant 0 : i32
          %dma_wait3A_292 = tpu.memref_slice %arg2[%dma_wait3A_290, %dma_wait3A_291] : memref<8192x128xf32, #tpu.memory_space<hbm>> -> memref<8192x128xf32, #tpu.memory_space<hbm>>
          tpu.wait_indirect_dma semaphore(%run_scoped3A_264 : memref<!tpu.dma_semaphore, #tpu.memory_space<semaphore_mem>>) src(%dma_wait3A_292 : memref<8192x128xf32, #tpu.memory_space<hbm>>) dst(%dma_wait3A_282 : memref<256x128xf32, #tpu.memory_space<vmem>>)
          tpu.yield
        }) : () -> ()
        "tpu.trace_stop"() : () -> ()
        %ne3A_199 = arith.cmpi ne, %add3A_131, %add3A_149 : i32
        %or3A_200 = arith.constant false
        %or3A_201 = arith.ori %or3A_200, %ne3A_199 : i1
        %or3A_202 = arith.ori %or3A_201, %eq3A_130 : i1
        %convert_element_type3A_203 = arith.extui %or3A_202 : i1 to i32
        %cond3A_204 = arith.constant 0 : i32
        %cond3A_205 = arith.cmpi ne, %convert_element_type3A_203, %cond3A_204 : i32
        scf.if %cond3A_205 {
        } else {
        }
        %and3A_206 = arith.constant false
        %and3A_207 = arith.andi %or3A_202, %and3A_206 : i1
        %ne3A_208 = arith.cmpi ne, %add3A_131, %add3A_149 : i32
        %or3A_209 = arith.constant false
        %or3A_210 = arith.ori %or3A_209, %ne3A_208 : i1
        %or3A_211 = arith.constant false
        %or3A_212 = arith.ori %or3A_210, %or3A_211 : i1
        %or3A_213 = arith.ori %or3A_212, %eq3A_130 : i1
        %convert_element_type3A_214 = arith.extui %or3A_213 : i1 to i32
        %cond3A_215 = arith.constant 0 : i32
        %cond3A_216 = arith.cmpi ne, %convert_element_type3A_214, %cond3A_215 : i32
        scf.if %cond3A_216 {
          "tpu.trace_start"() <{level = 10 : i32, message = "ep_copy_out"}> : () -> ()
          %rem3A_264 = arith.constant 2 : i32
          %rem3A_265 = arith.remui %scan3A_124, %rem3A_264 : i32
          %mul3A_266 = arith.constant 256 : i32
          %mul3A_267 = arith.muli %mul3A_266, %add3A_131 : i32
          %dma_start3A_268 = arith.constant 0 : i32
          %dma_start3A_269 = arith.constant 0 : i32
          %dma_start3A_270 = tpu.memref_slice %run_scoped3A_8[%rem3A_265, %dma_start3A_268, %dma_start3A_269] : memref<2x256x128xf32, #tpu.memory_space<vmem>> -> memref<1x256x128xf32, #tpu.memory_space<vmem>>
          %dma_start3A_271 = tpu.memref_squeeze %dma_start3A_270 : memref<1x256x128xf32, #tpu.memory_space<vmem>> -> memref<256x128xf32, #tpu.memory_space<vmem>>
          %dma_start3A_272 = arith.constant 0 : i32
          %dma_start3A_273 = tpu.memref_slice %arg4[%mul3A_267, %dma_start3A_272] : memref<131072x128xf32, #tpu.memory_space<hbm>> -> memref<256x128xf32, #tpu.memory_space<hbm>>
          %dma_start3A_274 = tpu.memref_slice %run_scoped3A_9[%rem3A_265] : memref<2x!tpu.dma_semaphore, #tpu.memory_space<semaphore_mem>> -> memref<1x!tpu.dma_semaphore, #tpu.memory_space<semaphore_mem>>
          %dma_start3A_275 = tpu.memref_squeeze %dma_start3A_274 : memref<1x!tpu.dma_semaphore, #tpu.memory_space<semaphore_mem>> -> memref<!tpu.dma_semaphore, #tpu.memory_space<semaphore_mem>>
          %dma_start3A_276 = arith.constant 0 : i32
          %dma_start3A_277 = tpu.memref_slice %arg4[%mul3A_267, %dma_start3A_276] : memref<131072x128xf32, #tpu.memory_space<hbm>> -> memref<256x128xf32, #tpu.memory_space<hbm>>
          %dma_start3A_278 = arith.constant 0 : i32
          %dma_start3A_279 = arith.constant 0 : i32
          %dma_start3A_280 = tpu.memref_slice %run_scoped3A_8[%rem3A_265, %dma_start3A_278, %dma_start3A_279] : memref<2x256x128xf32, #tpu.memory_space<vmem>> -> memref<1x256x128xf32, #tpu.memory_space<vmem>>
          %dma_start3A_281 = tpu.memref_squeeze %dma_start3A_280 : memref<1x256x128xf32, #tpu.memory_space<vmem>> -> memref<256x128xf32, #tpu.memory_space<vmem>>
          tpu.enqueue_dma source(%dma_start3A_281 : memref<256x128xf32, #tpu.memory_space<vmem>>) target(%dma_start3A_277 : memref<256x128xf32, #tpu.memory_space<hbm>>) target_semaphore(%dma_start3A_275 : memref<!tpu.dma_semaphore, #tpu.memory_space<semaphore_mem>>)
          "tpu.trace_stop"() : () -> ()
        } else {
        }
        %and3A_217 = arith.constant true
        %and3A_218 = arith.andi %or3A_213, %and3A_217 : i1
        %add3A_219 = arith.constant 1 : i32
        %add3A_220 = arith.addi %scan3A_124, %add3A_219 : i32
        %select_n3A_221 = arith.select %and3A_218, %add3A_220, %scan3A_124 : i32
        %ne3A_222 = arith.cmpi ne, %add3A_131, %add3A_140 : i32
        %or3A_223 = arith.constant false
        %or3A_224 = arith.ori %or3A_223, %ne3A_222 : i1
        %not3A_225 = arith.constant true
        %not3A_226 = arith.xori %eq3A_128, %not3A_225 : i1
        %and3A_227 = arith.andi %or3A_224, %not3A_226 : i1
        %convert_element_type3A_228 = arith.extui %and3A_227 : i1 to i32
        %cond3A_229 = arith.constant 0 : i32
        %cond3A_230 = arith.cmpi ne, %convert_element_type3A_228, %cond3A_229 : i32
        scf.if %cond3A_230 {
        } else {
        }
        %and3A_231 = arith.constant false
        %and3A_232 = arith.andi %and3A_227, %and3A_231 : i1
        %ne3A_233 = arith.cmpi ne, %add3A_131, %add3A_140 : i32
        %or3A_234 = arith.constant false
        %or3A_235 = arith.ori %or3A_234, %ne3A_233 : i1
        %or3A_236 = arith.constant false
        %or3A_237 = arith.ori %or3A_235, %or3A_236 : i1
        %not3A_238 = arith.constant true
        %not3A_239 = arith.xori %eq3A_128, %not3A_238 : i1
        %and3A_240 = arith.andi %or3A_237, %not3A_239 : i1
        %convert_element_type3A_241 = arith.extui %and3A_240 : i1 to i32
        %cond3A_242 = arith.constant 0 : i32
        %cond3A_243 = arith.cmpi ne, %convert_element_type3A_241, %cond3A_242 : i32
        scf.if %cond3A_243 {
          "tpu.trace_start"() <{level = 10 : i32, message = "ep_wait_out"}> : () -> ()
          %rem3A_264 = arith.constant 2 : i32
          %rem3A_265 = arith.remui %scan3A_125, %rem3A_264 : i32
          %mul3A_266 = arith.constant 256 : i32
          %mul3A_267 = arith.muli %mul3A_266, %add3A_140 : i32
          %dma_wait3A_268 = arith.constant 0 : i32
          %dma_wait3A_269 = arith.constant 0 : i32
          %dma_wait3A_270 = tpu.memref_slice %run_scoped3A_8[%rem3A_265, %dma_wait3A_268, %dma_wait3A_269] : memref<2x256x128xf32, #tpu.memory_space<vmem>> -> memref<1x256x128xf32, #tpu.memory_space<vmem>>
          %dma_wait3A_271 = tpu.memref_squeeze %dma_wait3A_270 : memref<1x256x128xf32, #tpu.memory_space<vmem>> -> memref<256x128xf32, #tpu.memory_space<vmem>>
          %dma_wait3A_272 = arith.constant 0 : i32
          %dma_wait3A_273 = tpu.memref_slice %arg4[%mul3A_267, %dma_wait3A_272] : memref<131072x128xf32, #tpu.memory_space<hbm>> -> memref<256x128xf32, #tpu.memory_space<hbm>>
          %dma_wait3A_274 = tpu.memref_slice %run_scoped3A_9[%rem3A_265] : memref<2x!tpu.dma_semaphore, #tpu.memory_space<semaphore_mem>> -> memref<1x!tpu.dma_semaphore, #tpu.memory_space<semaphore_mem>>
          %dma_wait3A_275 = tpu.memref_squeeze %dma_wait3A_274 : memref<1x!tpu.dma_semaphore, #tpu.memory_space<semaphore_mem>> -> memref<!tpu.dma_semaphore, #tpu.memory_space<semaphore_mem>>
          %dma_wait3A_276 = arith.constant 0 : i32
          %dma_wait3A_277 = tpu.memref_slice %arg4[%mul3A_267, %dma_wait3A_276] : memref<131072x128xf32, #tpu.memory_space<hbm>> -> memref<256x128xf32, #tpu.memory_space<hbm>>
          %dma_wait3A_278 = arith.constant 0 : i32
          %dma_wait3A_279 = arith.constant 0 : i32
          %dma_wait3A_280 = tpu.memref_slice %run_scoped3A_8[%rem3A_265, %dma_wait3A_278, %dma_wait3A_279] : memref<2x256x128xf32, #tpu.memory_space<vmem>> -> memref<1x256x128xf32, #tpu.memory_space<vmem>>
          %dma_wait3A_281 = tpu.memref_squeeze %dma_wait3A_280 : memref<1x256x128xf32, #tpu.memory_space<vmem>> -> memref<256x128xf32, #tpu.memory_space<vmem>>
          tpu.wait_dma2 semaphore(%dma_wait3A_275 : memref<!tpu.dma_semaphore, #tpu.memory_space<semaphore_mem>>) src(%dma_wait3A_281 : memref<256x128xf32, #tpu.memory_space<vmem>>) dst(%dma_wait3A_277 : memref<256x128xf32, #tpu.memory_space<hbm>>)
          "tpu.trace_stop"() : () -> ()
        } else {
        }
        %and3A_244 = arith.constant true
        %and3A_245 = arith.andi %and3A_240, %and3A_244 : i1
        %add3A_246 = arith.constant 1 : i32
        %add3A_247 = arith.addi %scan3A_125, %add3A_246 : i32
        %select_n3A_248 = arith.select %and3A_245, %add3A_247, %scan3A_125 : i32
        %ne3A_249 = arith.cmpi ne, %add3A_131, %add3A_149 : i32
        %or3A_250 = arith.constant false
        %or3A_251 = arith.ori %or3A_250, %ne3A_249 : i1
        %or3A_252 = arith.ori %or3A_251, %eq3A_130 : i1
        %add3A_253 = arith.constant 1 : i32
        %add3A_254 = arith.addi %scan3A_123, %add3A_253 : i32
        %select_n3A_255 = arith.select %or3A_252, %add3A_254, %scan3A_123 : i32
        %add3A_256 = arith.constant 1 : i32
        %add3A_257 = arith.addi %scan3A_126, %add3A_256 : i32
        %select_n3A_258 = arith.constant true
        %select_n3A_259 = arith.select %select_n3A_258, %add3A_257, %scan3A_126 : i32
        %eq3A_260 = arith.constant 16 : i32
        %eq3A_261 = arith.cmpi eq, %select_n3A_259, %eq3A_260 : i32
        %select_n3A_262 = arith.constant 0 : i32
        %select_n3A_263 = arith.select %eq3A_261, %select_n3A_262, %select_n3A_259 : i32
        scf.yield %select_n3A_167, %select_n3A_255, %select_n3A_221, %select_n3A_248, %select_n3A_263 : i32, i32, i32, i32, i32
      }
      %scan3A_68 = arith.constant 16 : i32
      %sub3A = arith.constant 1 : i32
      %sub3A_69 = arith.subi %scan3A_67#4, %sub3A : i32
      %select_n3A_70 = arith.constant true
      %select_n3A_71 = arith.select %select_n3A_70, %sub3A_69, %scan3A_67#4 : i32
      %eq3A_72 = arith.constant -1 : i32
      %eq3A_73 = arith.cmpi eq, %select_n3A_71, %eq3A_72 : i32
      %select_n3A_74 = arith.constant 15 : i32
      %select_n3A_75 = arith.select %eq3A_73, %select_n3A_74, %select_n3A_71 : i32
      %add3A_76 = arith.addi %select_n3A_75, %mul3A_6 : i32
      %sub3A_77 = arith.constant 1 : i32
      %sub3A_78 = arith.subi %select_n3A_75, %sub3A_77 : i32
      %select_n3A_79 = arith.constant true
      %select_n3A_80 = arith.select %select_n3A_79, %sub3A_78, %select_n3A_75 : i32
      %eq3A_81 = arith.constant -1 : i32
      %eq3A_82 = arith.cmpi eq, %select_n3A_80, %eq3A_81 : i32
      %select_n3A_83 = arith.constant 15 : i32
      %select_n3A_84 = arith.select %eq3A_82, %select_n3A_83, %select_n3A_80 : i32
      %add3A_85 = arith.addi %select_n3A_84, %mul3A_6 : i32
      %add3A_86 = arith.constant 1 : i32
      %add3A_87 = arith.addi %select_n3A_75, %add3A_86 : i32
      %select_n3A_88 = arith.constant true
      %select_n3A_89 = arith.select %select_n3A_88, %add3A_87, %select_n3A_75 : i32
      %eq3A_90 = arith.constant 16 : i32
      %eq3A_91 = arith.cmpi eq, %select_n3A_89, %eq3A_90 : i32
      %select_n3A_92 = arith.constant 0 : i32
      %select_n3A_93 = arith.select %eq3A_91, %select_n3A_92, %select_n3A_89 : i32
      %add3A_94 = arith.addi %select_n3A_93, %mul3A_6 : i32
      %add3A_95 = arith.constant 1 : i32
      %add3A_96 = arith.addi %select_n3A_93, %add3A_95 : i32
      %select_n3A_97 = arith.constant true
      %select_n3A_98 = arith.select %select_n3A_97, %add3A_96, %select_n3A_93 : i32
      %eq3A_99 = arith.constant 16 : i32
      %eq3A_100 = arith.cmpi eq, %select_n3A_98, %eq3A_99 : i32
      %select_n3A_101 = arith.constant 0 : i32
      %select_n3A_102 = arith.select %eq3A_100, %select_n3A_101, %select_n3A_98 : i32
      %add3A_103 = arith.addi %select_n3A_102, %mul3A_6 : i32
      "tpu.trace_start"() <{level = 10 : i32, message = "ep_finalize"}> : () -> ()
      %rem3A_104 = arith.constant 2 : i32
      %rem3A_105 = arith.remui %scan3A_67#3, %rem3A_104 : i32
      %mul3A_106 = arith.constant 256 : i32
      %mul3A_107 = arith.muli %mul3A_106, %add3A_76 : i32
      %dma_wait3A = arith.constant 0 : i32
      %dma_wait3A_108 = arith.constant 0 : i32
      %dma_wait3A_109 = tpu.memref_slice %run_scoped3A_8[%rem3A_105, %dma_wait3A, %dma_wait3A_108] : memref<2x256x128xf32, #tpu.memory_space<vmem>> -> memref<1x256x128xf32, #tpu.memory_space<vmem>>
      %dma_wait3A_110 = tpu.memref_squeeze %dma_wait3A_109 : memref<1x256x128xf32, #tpu.memory_space<vmem>> -> memref<256x128xf32, #tpu.memory_space<vmem>>
      %dma_wait3A_111 = arith.constant 0 : i32
      %dma_wait3A_112 = tpu.memref_slice %arg4[%mul3A_107, %dma_wait3A_111] : memref<131072x128xf32, #tpu.memory_space<hbm>> -> memref<256x128xf32, #tpu.memory_space<hbm>>
      %dma_wait3A_113 = tpu.memref_slice %run_scoped3A_9[%rem3A_105] : memref<2x!tpu.dma_semaphore, #tpu.memory_space<semaphore_mem>> -> memref<1x!tpu.dma_semaphore, #tpu.memory_space<semaphore_mem>>
      %dma_wait3A_114 = tpu.memref_squeeze %dma_wait3A_113 : memref<1x!tpu.dma_semaphore, #tpu.memory_space<semaphore_mem>> -> memref<!tpu.dma_semaphore, #tpu.memory_space<semaphore_mem>>
      %dma_wait3A_115 = arith.constant 0 : i32
      %dma_wait3A_116 = tpu.memref_slice %arg4[%mul3A_107, %dma_wait3A_115] : memref<131072x128xf32, #tpu.memory_space<hbm>> -> memref<256x128xf32, #tpu.memory_space<hbm>>
      %dma_wait3A_117 = arith.constant 0 : i32
      %dma_wait3A_118 = arith.constant 0 : i32
      %dma_wait3A_119 = tpu.memref_slice %run_scoped3A_8[%rem3A_105, %dma_wait3A_117, %dma_wait3A_118] : memref<2x256x128xf32, #tpu.memory_space<vmem>> -> memref<1x256x128xf32, #tpu.memory_space<vmem>>
      %dma_wait3A_120 = tpu.memref_squeeze %dma_wait3A_119 : memref<1x256x128xf32, #tpu.memory_space<vmem>> -> memref<256x128xf32, #tpu.memory_space<vmem>>
      tpu.wait_dma2 semaphore(%dma_wait3A_114 : memref<!tpu.dma_semaphore, #tpu.memory_space<semaphore_mem>>) src(%dma_wait3A_120 : memref<256x128xf32, #tpu.memory_space<vmem>>) dst(%dma_wait3A_116 : memref<256x128xf32, #tpu.memory_space<hbm>>)
      "tpu.trace_stop"() : () -> ()
      tpu.yield
    }) : () -> ()
    return
  }
}

#map = affine_map<(d0, d1) -> (0, 0)>
module attributes {stable_mosaic.version = 14 : i64} {
  func.func @kern(%arg0: i32, %arg1: i32, %arg2: memref<8192x128xf32, #tpu.memory_space<hbm>>, %arg3: memref<1x131072xi32, #tpu.memory_space<hbm>>, %arg4: memref<131072x128xf32, #tpu.memory_space<hbm>>) attributes {dimension_semantics = [#tpu.dimension_semantics<core_parallel>, #tpu.dimension_semantics<subcore_parallel>], iteration_bounds = array<i64: 2, 16>, scalar_prefetch = 0 : i64, scratch_operands = 0 : i64, tpu.core_type = #tpu.core_type<sc_vector_subcore>, window_params = [{transform_indices = #map}, {transform_indices = #map}, {transform_indices = #map}]} {
    %mul3A = arith.constant 1 : i32
    %mul3A_0 = arith.muli %arg1, %mul3A : i32
    %add3A = arith.constant 0 : i32
    %add3A_1 = arith.addi %add3A, %mul3A_0 : i32
    %mul3A_2 = arith.constant 16 : i32
    %mul3A_3 = arith.muli %arg0, %mul3A_2 : i32
    %add3A_4 = arith.addi %add3A_1, %mul3A_3 : i32
    %mul3A_5 = arith.constant 16 : i32
    %mul3A_6 = arith.muli %add3A_4, %mul3A_5 : i32
    "tpu.region"() ({
      %run_scoped3A = memref.alloca() : memref<2x1x256xi32, #tpu.memory_space<vmem>>
      %run_scoped3A_7 = tpu.sem_alloc : memref<2x!tpu.dma_semaphore, #tpu.memory_space<semaphore_mem>>
      %run_scoped3A_8 = memref.alloca() : memref<2x256x128xf32, #tpu.memory_space<vmem>>
      %run_scoped3A_9 = tpu.sem_alloc : memref<2x!tpu.dma_semaphore, #tpu.memory_space<semaphore_mem>>
      %add3A_10 = arith.constant 0 : i32
      %add3A_11 = arith.addi %add3A_10, %mul3A_6 : i32
      %select_n3A = arith.constant true
      %select_n3A_12 = arith.constant 0 : i32
      %select_n3A_13 = arith.constant -1 : i32
      %select_n3A_14 = arith.select %select_n3A, %select_n3A_13, %select_n3A_12 : i32
      %eq3A = arith.constant -1 : i32
      %eq3A_15 = arith.cmpi eq, %select_n3A_14, %eq3A : i32
      %select_n3A_16 = arith.constant 15 : i32
      %select_n3A_17 = arith.select %eq3A_15, %select_n3A_16, %select_n3A_14 : i32
      %add3A_18 = arith.addi %select_n3A_17, %mul3A_6 : i32
      %select_n3A_19 = arith.constant true
      %select_n3A_20 = arith.constant 0 : i32
      %select_n3A_21 = arith.constant 1 : i32
      %select_n3A_22 = arith.select %select_n3A_19, %select_n3A_21, %select_n3A_20 : i32
      %eq3A_23 = arith.constant 16 : i32
      %eq3A_24 = arith.cmpi eq, %select_n3A_22, %eq3A_23 : i32
      %select_n3A_25 = arith.constant 0 : i32
      %select_n3A_26 = arith.select %eq3A_24, %select_n3A_25, %select_n3A_22 : i32
      %add3A_27 = arith.addi %select_n3A_26, %mul3A_6 : i32
      %add3A_28 = arith.constant 1 : i32
      %add3A_29 = arith.addi %select_n3A_26, %add3A_28 : i32
      %select_n3A_30 = arith.constant true
      %select_n3A_31 = arith.select %select_n3A_30, %add3A_29, %select_n3A_26 : i32
      %eq3A_32 = arith.constant 16 : i32
      %eq3A_33 = arith.cmpi eq, %select_n3A_31, %eq3A_32 : i32
      %select_n3A_34 = arith.constant 0 : i32
      %select_n3A_35 = arith.select %eq3A_33, %select_n3A_34, %select_n3A_31 : i32
      %add3A_36 = arith.addi %select_n3A_35, %mul3A_6 : i32
      "tpu.trace_start"() <{level = 10 : i32, message = "ep_initialize_0"}> : () -> ()
      %rem3A = arith.constant 0 : i32
      %rem3A_37 = arith.constant 2 : i32
      %rem3A_38 = arith.remui %rem3A, %rem3A_37 : i32
      %mul3A_39 = arith.constant 256 : i32
      %mul3A_40 = arith.muli %mul3A_39, %add3A_11 : i32
      %dma_start3A = arith.constant 0 : i32
      %dma_start3A_41 = arith.constant 0 : i32
      %dma_start3A_42 = tpu.memref_slice %run_scoped3A[%rem3A_38, %dma_start3A, %dma_start3A_41] : memref<2x1x256xi32, #tpu.memory_space<vmem>> -> memref<1x1x256xi32, #tpu.memory_space<vmem>>
      %dma_start3A_43 = tpu.memref_squeeze %dma_start3A_42 : memref<1x1x256xi32, #tpu.memory_space<vmem>> -> memref<1x256xi32, #tpu.memory_space<vmem>>
      %dma_start3A_44 = arith.constant 0 : i32
      %dma_start3A_45 = tpu.memref_slice %arg3[%dma_start3A_44, %mul3A_40] : memref<1x131072xi32, #tpu.memory_space<hbm>> -> memref<1x256xi32, #tpu.memory_space<hbm>>
      %dma_start3A_46 = tpu.memref_slice %run_scoped3A_7[%rem3A_38] : memref<2x!tpu.dma_semaphore, #tpu.memory_space<semaphore_mem>> -> memref<1x!tpu.dma_semaphore, #tpu.memory_space<semaphore_mem>>
      %dma_start3A_47 = tpu.memref_squeeze %dma_start3A_46 : memref<1x!tpu.dma_semaphore, #tpu.memory_space<semaphore_mem>> -> memref<!tpu.dma_semaphore, #tpu.memory_space<semaphore_mem>>
      %dma_start3A_48 = arith.constant 0 : i32
      %dma_start3A_49 = arith.constant 0 : i32
      %dma_start3A_50 = tpu.memref_slice %run_scoped3A[%rem3A_38, %dma_start3A_48, %dma_start3A_49] : memref<2x1x256xi32, #tpu.memory_space<vmem>> -> memref<1x1x256xi32, #tpu.memory_space<vmem>>
      %dma_start3A_51 = tpu.memref_squeeze %dma_start3A_50 : memref<1x1x256xi32, #tpu.memory_space<vmem>> -> memref<1x256xi32, #tpu.memory_space<vmem>>
      %dma_start3A_52 = arith.constant 0 : i32
      %dma_start3A_53 = tpu.memref_slice %arg3[%dma_start3A_52, %mul3A_40] : memref<1x131072xi32, #tpu.memory_space<hbm>> -> memref<1x256xi32, #tpu.memory_space<hbm>>
      tpu.enqueue_dma source(%dma_start3A_53 : memref<1x256xi32, #tpu.memory_space<hbm>>) target(%dma_start3A_51 : memref<1x256xi32, #tpu.memory_space<vmem>>) target_semaphore(%dma_start3A_47 : memref<!tpu.dma_semaphore, #tpu.memory_space<semaphore_mem>>)
      %add3A_54 = arith.constant 0 : i32
      %add3A_55 = arith.constant 1 : i32
      %add3A_56 = arith.addi %add3A_54, %add3A_55 : i32
      %select_n3A_57 = arith.constant true
      %select_n3A_58 = arith.constant 0 : i32
      %select_n3A_59 = arith.select %select_n3A_57, %add3A_56, %select_n3A_58 : i32
      "tpu.trace_stop"() : () -> ()
      %scan3A = arith.constant 0 : i32
      %scan3A_60 = arith.constant 0 : i32
      %scan3A_61 = arith.constant 0 : i32
      %scan3A_62 = arith.constant 0 : i32
      %scan3A_63 = arith.constant 0 : i32
      %scan3A_64 = arith.constant 16 : i32
      %scan3A_65 = arith.addi %scan3A_63, %scan3A_64 : i32
      %scan3A_66 = arith.constant 1 : i32
      %scan3A_67:5 = scf.for %scan3A_121 = %scan3A_63 to %scan3A_65 step %scan3A_66 iter_args(%scan3A_122 = %select_n3A_59, %scan3A_123 = %scan3A, %scan3A_124 = %scan3A_60, %scan3A_125 = %scan3A_61, %scan3A_126 = %scan3A_62) -> (i32, i32, i32, i32, i32)  : i32 {
        %eq3A_127 = arith.constant 0 : i32
        %eq3A_128 = arith.cmpi eq, %scan3A_121, %eq3A_127 : i32
        %eq3A_129 = arith.constant 15 : i32
        %eq3A_130 = arith.cmpi eq, %scan3A_121, %eq3A_129 : i32
        %add3A_131 = arith.addi %scan3A_126, %mul3A_6 : i32
        %sub3A_132 = arith.constant 1 : i32
        %sub3A_133 = arith.subi %scan3A_126, %sub3A_132 : i32
        %select_n3A_134 = arith.constant true
        %select_n3A_135 = arith.select %select_n3A_134, %sub3A_133, %scan3A_126 : i32
        %eq3A_136 = arith.constant -1 : i32
        %eq3A_137 = arith.cmpi eq, %select_n3A_135, %eq3A_136 : i32
        %select_n3A_138 = arith.constant 15 : i32
        %select_n3A_139 = arith.select %eq3A_137, %select_n3A_138, %select_n3A_135 : i32
        %add3A_140 = arith.addi %select_n3A_139, %mul3A_6 : i32
        %add3A_141 = arith.constant 1 : i32
        %add3A_142 = arith.addi %scan3A_126, %add3A_141 : i32
        %select_n3A_143 = arith.constant true
        %select_n3A_144 = arith.select %select_n3A_143, %add3A_142, %scan3A_126 : i32
        %eq3A_145 = arith.constant 16 : i32
        %eq3A_146 = arith.cmpi eq, %select_n3A_144, %eq3A_145 : i32
        %select_n3A_147 = arith.constant 0 : i32
        %select_n3A_148 = arith.select %eq3A_146, %select_n3A_147, %select_n3A_144 : i32
        %add3A_149 = arith.addi %select_n3A_148, %mul3A_6 : i32
        %add3A_150 = arith.constant 1 : i32
        %add3A_151 = arith.addi %select_n3A_148, %add3A_150 : i32
        %select_n3A_152 = arith.constant true
        %select_n3A_153 = arith.select %select_n3A_152, %add3A_151, %select_n3A_148 : i32
        %eq3A_154 = arith.constant 16 : i32
        %eq3A_155 = arith.cmpi eq, %select_n3A_153, %eq3A_154 : i32
        %select_n3A_156 = arith.constant 0 : i32
        %select_n3A_157 = arith.select %eq3A_155, %select_n3A_156, %select_n3A_153 : i32
        %add3A_158 = arith.addi %select_n3A_157, %mul3A_6 : i32
        %ne3A = arith.cmpi ne, %add3A_131, %add3A_149 : i32
        %or3A = arith.constant false
        %or3A_159 = arith.ori %or3A, %ne3A : i1
        %ge3A = arith.constant 15 : i32
        %ge3A_160 = arith.cmpi sge, %scan3A_121, %ge3A : i32
        %not3A = arith.constant true
        %not3A_161 = arith.xori %ge3A_160, %not3A : i1
        %and3A = arith.andi %or3A_159, %not3A_161 : i1
        %convert_element_type3A = arith.extui %and3A : i1 to i32
        %cond3A = arith.constant 0 : i32
        %cond3A_162 = arith.cmpi ne, %convert_element_type3A, %cond3A : i32
        scf.if %cond3A_162 {
          "tpu.trace_start"() <{level = 10 : i32, message = "ep_copy_in"}> : () -> ()
          %rem3A_264 = arith.constant 2 : i32
          %rem3A_265 = arith.remui %scan3A_122, %rem3A_264 : i32
          %mul3A_266 = arith.constant 256 : i32
          %mul3A_267 = arith.muli %mul3A_266, %add3A_149 : i32
          %dma_start3A_268 = arith.constant 0 : i32
          %dma_start3A_269 = arith.constant 0 : i32
          %dma_start3A_270 = tpu.memref_slice %run_scoped3A[%rem3A_265, %dma_start3A_268, %dma_start3A_269] : memref<2x1x256xi32, #tpu.memory_space<vmem>> -> memref<1x1x256xi32, #tpu.memory_space<vmem>>
          %dma_start3A_271 = tpu.memref_squeeze %dma_start3A_270 : memref<1x1x256xi32, #tpu.memory_space<vmem>> -> memref<1x256xi32, #tpu.memory_space<vmem>>
          %dma_start3A_272 = arith.constant 0 : i32
          %dma_start3A_273 = tpu.memref_slice %arg3[%dma_start3A_272, %mul3A_267] : memref<1x131072xi32, #tpu.memory_space<hbm>> -> memref<1x256xi32, #tpu.memory_space<hbm>>
          %dma_start3A_274 = tpu.memref_slice %run_scoped3A_7[%rem3A_265] : memref<2x!tpu.dma_semaphore, #tpu.memory_space<semaphore_mem>> -> memref<1x!tpu.dma_semaphore, #tpu.memory_space<semaphore_mem>>
          %dma_start3A_275 = tpu.memref_squeeze %dma_start3A_274 : memref<1x!tpu.dma_semaphore, #tpu.memory_space<semaphore_mem>> -> memref<!tpu.dma_semaphore, #tpu.memory_space<semaphore_mem>>
          %dma_start3A_276 = arith.constant 0 : i32
          %dma_start3A_277 = arith.constant 0 : i32
          %dma_start3A_278 = tpu.memref_slice %run_scoped3A[%rem3A_265, %dma_start3A_276, %dma_start3A_277] : memref<2x1x256xi32, #tpu.memory_space<vmem>> -> memref<1x1x256xi32, #tpu.memory_space<vmem>>
          %dma_start3A_279 = tpu.memref_squeeze %dma_start3A_278 : memref<1x1x256xi32, #tpu.memory_space<vmem>> -> memref<1x256xi32, #tpu.memory_space<vmem>>
          %dma_start3A_280 = arith.constant 0 : i32
          %dma_start3A_281 = tpu.memref_slice %arg3[%dma_start3A_280, %mul3A_267] : memref<1x131072xi32, #tpu.memory_space<hbm>> -> memref<1x256xi32, #tpu.memory_space<hbm>>
          tpu.enqueue_dma source(%dma_start3A_281 : memref<1x256xi32, #tpu.memory_space<hbm>>) target(%dma_start3A_279 : memref<1x256xi32, #tpu.memory_space<vmem>>) target_semaphore(%dma_start3A_275 : memref<!tpu.dma_semaphore, #tpu.memory_space<semaphore_mem>>)
          "tpu.trace_stop"() : () -> ()
        } else {
        }
        %and3A_163 = arith.constant true
        %and3A_164 = arith.andi %and3A, %and3A_163 : i1
        %add3A_165 = arith.constant 1 : i32
        %add3A_166 = arith.addi %scan3A_122, %add3A_165 : i32
        %select_n3A_167 = arith.select %and3A_164, %add3A_166, %scan3A_122 : i32
        %ne3A_168 = arith.cmpi ne, %add3A_131, %add3A_149 : i32
        %or3A_169 = arith.constant false
        %or3A_170 = arith.ori %or3A_169, %ne3A_168 : i1
        %or3A_171 = arith.constant false
        %or3A_172 = arith.ori %or3A_170, %or3A_171 : i1
        %ge3A_173 = arith.constant 15 : i32
        %ge3A_174 = arith.cmpi sge, %scan3A_121, %ge3A_173 : i32
        %not3A_175 = arith.constant true
        %not3A_176 = arith.xori %ge3A_174, %not3A_175 : i1
        %and3A_177 = arith.andi %or3A_172, %not3A_176 : i1
        %ne3A_178 = arith.cmpi ne, %add3A_131, %add3A_140 : i32
        %or3A_179 = arith.constant false
        %or3A_180 = arith.ori %or3A_179, %ne3A_178 : i1
        %or3A_181 = arith.ori %or3A_180, %eq3A_128 : i1
        %convert_element_type3A_182 = arith.extui %or3A_181 : i1 to i32
        %cond3A_183 = arith.constant 0 : i32
        %cond3A_184 = arith.cmpi ne, %convert_element_type3A_182, %cond3A_183 : i32
        scf.if %cond3A_184 {
          "tpu.trace_start"() <{level = 10 : i32, message = "ep_wait_in"}> : () -> ()
          %mul3A_264 = arith.constant 256 : i32
          %mul3A_265 = arith.muli %mul3A_264, %add3A_131 : i32
          %rem3A_266 = arith.constant 2 : i32
          %rem3A_267 = arith.remui %scan3A_123, %rem3A_266 : i32
          %dma_wait3A_268 = arith.constant 0 : i32
          %dma_wait3A_269 = arith.constant 0 : i32
          %dma_wait3A_270 = tpu.memref_slice %run_scoped3A[%rem3A_267, %dma_wait3A_268, %dma_wait3A_269] : memref<2x1x256xi32, #tpu.memory_space<vmem>> -> memref<1x1x256xi32, #tpu.memory_space<vmem>>
          %dma_wait3A_271 = tpu.memref_squeeze %dma_wait3A_270 : memref<1x1x256xi32, #tpu.memory_space<vmem>> -> memref<1x256xi32, #tpu.memory_space<vmem>>
          %dma_wait3A_272 = arith.constant 0 : i32
          %dma_wait3A_273 = tpu.memref_slice %arg3[%dma_wait3A_272, %mul3A_265] : memref<1x131072xi32, #tpu.memory_space<hbm>> -> memref<1x256xi32, #tpu.memory_space<hbm>>
          %dma_wait3A_274 = tpu.memref_slice %run_scoped3A_7[%rem3A_267] : memref<2x!tpu.dma_semaphore, #tpu.memory_space<semaphore_mem>> -> memref<1x!tpu.dma_semaphore, #tpu.memory_space<semaphore_mem>>
          %dma_wait3A_275 = tpu.memref_squeeze %dma_wait3A_274 : memref<1x!tpu.dma_semaphore, #tpu.memory_space<semaphore_mem>> -> memref<!tpu.dma_semaphore, #tpu.memory_space<semaphore_mem>>
          %dma_wait3A_276 = arith.constant 0 : i32
          %dma_wait3A_277 = arith.constant 0 : i32
          %dma_wait3A_278 = tpu.memref_slice %run_scoped3A[%rem3A_267, %dma_wait3A_276, %dma_wait3A_277] : memref<2x1x256xi32, #tpu.memory_space<vmem>> -> memref<1x1x256xi32, #tpu.memory_space<vmem>>
          %dma_wait3A_279 = tpu.memref_squeeze %dma_wait3A_278 : memref<1x1x256xi32, #tpu.memory_space<vmem>> -> memref<1x256xi32, #tpu.memory_space<vmem>>
          %dma_wait3A_280 = arith.constant 0 : i32
          %dma_wait3A_281 = tpu.memref_slice %arg3[%dma_wait3A_280, %mul3A_265] : memref<1x131072xi32, #tpu.memory_space<hbm>> -> memref<1x256xi32, #tpu.memory_space<hbm>>
          tpu.wait_dma2 semaphore(%dma_wait3A_275 : memref<!tpu.dma_semaphore, #tpu.memory_space<semaphore_mem>>) src(%dma_wait3A_281 : memref<1x256xi32, #tpu.memory_space<hbm>>) dst(%dma_wait3A_279 : memref<1x256xi32, #tpu.memory_space<vmem>>)
          "tpu.trace_stop"() : () -> ()
        } else {
        }
        %ne3A_185 = arith.cmpi ne, %add3A_131, %add3A_140 : i32
        %or3A_186 = arith.constant false
        %or3A_187 = arith.ori %or3A_186, %ne3A_185 : i1
        %or3A_188 = arith.constant false
        %or3A_189 = arith.ori %or3A_187, %or3A_188 : i1
        %or3A_190 = arith.ori %or3A_189, %eq3A_128 : i1
        %convert_element_type3A_191 = arith.extui %or3A_190 : i1 to i32
        %cond3A_192 = arith.constant 0 : i32
        %cond3A_193 = arith.cmpi ne, %convert_element_type3A_191, %cond3A_192 : i32
        scf.if %cond3A_193 {
        } else {
        }
        %rem3A_194 = arith.constant 2 : i32
        %rem3A_195 = arith.remui %scan3A_123, %rem3A_194 : i32
        %rem3A_196 = arith.constant 2 : i32
        %rem3A_197 = arith.remui %scan3A_124, %rem3A_196 : i32
        %run_scoped3A_198 = arith.constant 0 : i32
        "tpu.trace_start"() <{level = 10 : i32, message = "ep_run_kernel"}> : () -> ()
        "tpu.region"() ({
          %run_scoped3A_264 = tpu.sem_alloc : memref<!tpu.dma_semaphore, #tpu.memory_space<semaphore_mem>>
          %dma_start3A_265 = arith.constant 0 : i32
          %dma_start3A_266 = arith.constant 0 : i32
          %dma_start3A_267 = tpu.memref_slice %run_scoped3A_8[%rem3A_197, %dma_start3A_265, %dma_start3A_266] : memref<2x256x128xf32, #tpu.memory_space<vmem>> -> memref<1x256x128xf32, #tpu.memory_space<vmem>>
          %dma_start3A_268 = tpu.memref_squeeze %dma_start3A_267 : memref<1x256x128xf32, #tpu.memory_space<vmem>> -> memref<256x128xf32, #tpu.memory_space<vmem>>
          %dma_start3A_269 = arith.constant 0 : i32
          %dma_start3A_270 = arith.constant 0 : i32
          %dma_start3A_271 = tpu.memref_slice %run_scoped3A[%rem3A_195, %dma_start3A_269, %dma_start3A_270] : memref<2x1x256xi32, #tpu.memory_space<vmem>> -> memref<1x1x256xi32, #tpu.memory_space<vmem>>
          %dma_start3A_272 = tpu.memref_squeeze %dma_start3A_271 : memref<1x1x256xi32, #tpu.memory_space<vmem>> -> memref<1x256xi32, #tpu.memory_space<vmem>>
          %dma_start3A_273 = arith.constant 0 : i32
          %dma_start3A_274 = tpu.memref_slice %dma_start3A_272[%run_scoped3A_198, %dma_start3A_273] : memref<1x256xi32, #tpu.memory_space<vmem>> -> memref<1x256xi32, #tpu.memory_space<vmem>>
          %dma_start3A_275 = tpu.memref_squeeze %dma_start3A_274 : memref<1x256xi32, #tpu.memory_space<vmem>> -> memref<256xi32, #tpu.memory_space<vmem>>
          %dma_start3A_276 = arith.constant 0 : i32
          %dma_start3A_277 = arith.constant 0 : i32
          %dma_start3A_278 = tpu.memref_slice %arg2[%dma_start3A_276, %dma_start3A_277] : memref<8192x128xf32, #tpu.memory_space<hbm>> -> memref<8192x128xf32, #tpu.memory_space<hbm>>
          tpu.enqueue_indirect_dma source(%dma_start3A_278 : memref<8192x128xf32, #tpu.memory_space<hbm>>) target(%dma_start3A_268 : memref<256x128xf32, #tpu.memory_space<vmem>>) offsets(%dma_start3A_275 : memref<256xi32, #tpu.memory_space<vmem>>) semaphore(%run_scoped3A_264 : memref<!tpu.dma_semaphore, #tpu.memory_space<semaphore_mem>>)
          %dma_wait3A_279 = arith.constant 0 : i32
          %dma_wait3A_280 = arith.constant 0 : i32
          %dma_wait3A_281 = tpu.memref_slice %run_scoped3A_8[%rem3A_197, %dma_wait3A_279, %dma_wait3A_280] : memref<2x256x128xf32, #tpu.memory_space<vmem>> -> memref<1x256x128xf32, #tpu.memory_space<vmem>>
          %dma_wait3A_282 = tpu.memref_squeeze %dma_wait3A_281 : memref<1x256x128xf32, #tpu.memory_space<vmem>> -> memref<256x128xf32, #tpu.memory_space<vmem>>
          %dma_wait3A_283 = arith.constant 0 : i32
          %dma_wait3A_284 = arith.constant 0 : i32
          %dma_wait3A_285 = tpu.memref_slice %run_scoped3A[%rem3A_195, %dma_wait3A_283, %dma_wait3A_284] : memref<2x1x256xi32, #tpu.memory_space<vmem>> -> memref<1x1x256xi32, #tpu.memory_space<vmem>>
          %dma_wait3A_286 = tpu.memref_squeeze %dma_wait3A_285 : memref<1x1x256xi32, #tpu.memory_space<vmem>> -> memref<1x256xi32, #tpu.memory_space<vmem>>
          %dma_wait3A_287 = arith.constant 0 : i32
          %dma_wait3A_288 = tpu.memref_slice %dma_wait3A_286[%run_scoped3A_198, %dma_wait3A_287] : memref<1x256xi32, #tpu.memory_space<vmem>> -> memref<1x256xi32, #tpu.memory_space<vmem>>
          %dma_wait3A_289 = tpu.memref_squeeze %dma_wait3A_288 : memref<1x256xi32, #tpu.memory_space<vmem>> -> memref<256xi32, #tpu.memory_space<vmem>>
          %dma_wait3A_290 = arith.constant 0 : i32
          %dma_wait3A_291 = arith.constant 0 : i32
          %dma_wait3A_292 = tpu.memref_slice %arg2[%dma_wait3A_290, %dma_wait3A_291] : memref<8192x128xf32, #tpu.memory_space<hbm>> -> memref<8192x128xf32, #tpu.memory_space<hbm>>
          tpu.wait_indirect_dma semaphore(%run_scoped3A_264 : memref<!tpu.dma_semaphore, #tpu.memory_space<semaphore_mem>>) src(%dma_wait3A_292 : memref<8192x128xf32, #tpu.memory_space<hbm>>) dst(%dma_wait3A_282 : memref<256x128xf32, #tpu.memory_space<vmem>>)
          tpu.yield
        }) : () -> ()
        "tpu.trace_stop"() : () -> ()
        %ne3A_199 = arith.cmpi ne, %add3A_131, %add3A_149 : i32
        %or3A_200 = arith.constant false
        %or3A_201 = arith.ori %or3A_200, %ne3A_199 : i1
        %or3A_202 = arith.ori %or3A_201, %eq3A_130 : i1
        %convert_element_type3A_203 = arith.extui %or3A_202 : i1 to i32
        %cond3A_204 = arith.constant 0 : i32
        %cond3A_205 = arith.cmpi ne, %convert_element_type3A_203, %cond3A_204 : i32
        scf.if %cond3A_205 {
        } else {
        }
        %and3A_206 = arith.constant false
        %and3A_207 = arith.andi %or3A_202, %and3A_206 : i1
        %ne3A_208 = arith.cmpi ne, %add3A_131, %add3A_149 : i32
        %or3A_209 = arith.constant false
        %or3A_210 = arith.ori %or3A_209, %ne3A_208 : i1
        %or3A_211 = arith.constant false
        %or3A_212 = arith.ori %or3A_210, %or3A_211 : i1
        %or3A_213 = arith.ori %or3A_212, %eq3A_130 : i1
        %convert_element_type3A_214 = arith.extui %or3A_213 : i1 to i32
        %cond3A_215 = arith.constant 0 : i32
        %cond3A_216 = arith.cmpi ne, %convert_element_type3A_214, %cond3A_215 : i32
        scf.if %cond3A_216 {
          "tpu.trace_start"() <{level = 10 : i32, message = "ep_copy_out"}> : () -> ()
          %rem3A_264 = arith.constant 2 : i32
          %rem3A_265 = arith.remui %scan3A_124, %rem3A_264 : i32
          %mul3A_266 = arith.constant 256 : i32
          %mul3A_267 = arith.muli %mul3A_266, %add3A_131 : i32
          %dma_start3A_268 = arith.constant 0 : i32
          %dma_start3A_269 = arith.constant 0 : i32
          %dma_start3A_270 = tpu.memref_slice %run_scoped3A_8[%rem3A_265, %dma_start3A_268, %dma_start3A_269] : memref<2x256x128xf32, #tpu.memory_space<vmem>> -> memref<1x256x128xf32, #tpu.memory_space<vmem>>
          %dma_start3A_271 = tpu.memref_squeeze %dma_start3A_270 : memref<1x256x128xf32, #tpu.memory_space<vmem>> -> memref<256x128xf32, #tpu.memory_space<vmem>>
          %dma_start3A_272 = arith.constant 0 : i32
          %dma_start3A_273 = tpu.memref_slice %arg4[%mul3A_267, %dma_start3A_272] : memref<131072x128xf32, #tpu.memory_space<hbm>> -> memref<256x128xf32, #tpu.memory_space<hbm>>
          %dma_start3A_274 = tpu.memref_slice %run_scoped3A_9[%rem3A_265] : memref<2x!tpu.dma_semaphore, #tpu.memory_space<semaphore_mem>> -> memref<1x!tpu.dma_semaphore, #tpu.memory_space<semaphore_mem>>
          %dma_start3A_275 = tpu.memref_squeeze %dma_start3A_274 : memref<1x!tpu.dma_semaphore, #tpu.memory_space<semaphore_mem>> -> memref<!tpu.dma_semaphore, #tpu.memory_space<semaphore_mem>>
          %dma_start3A_276 = arith.constant 0 : i32
          %dma_start3A_277 = tpu.memref_slice %arg4[%mul3A_267, %dma_start3A_276] : memref<131072x128xf32, #tpu.memory_space<hbm>> -> memref<256x128xf32, #tpu.memory_space<hbm>>
          %dma_start3A_278 = arith.constant 0 : i32
          %dma_start3A_279 = arith.constant 0 : i32
          %dma_start3A_280 = tpu.memref_slice %run_scoped3A_8[%rem3A_265, %dma_start3A_278, %dma_start3A_279] : memref<2x256x128xf32, #tpu.memory_space<vmem>> -> memref<1x256x128xf32, #tpu.memory_space<vmem>>
          %dma_start3A_281 = tpu.memref_squeeze %dma_start3A_280 : memref<1x256x128xf32, #tpu.memory_space<vmem>> -> memref<256x128xf32, #tpu.memory_space<vmem>>
          tpu.enqueue_dma source(%dma_start3A_281 : memref<256x128xf32, #tpu.memory_space<vmem>>) target(%dma_start3A_277 : memref<256x128xf32, #tpu.memory_space<hbm>>) target_semaphore(%dma_start3A_275 : memref<!tpu.dma_semaphore, #tpu.memory_space<semaphore_mem>>)
          "tpu.trace_stop"() : () -> ()
        } else {
        }
        %and3A_217 = arith.constant true
        %and3A_218 = arith.andi %or3A_213, %and3A_217 : i1
        %add3A_219 = arith.constant 1 : i32
        %add3A_220 = arith.addi %scan3A_124, %add3A_219 : i32
        %select_n3A_221 = arith.select %and3A_218, %add3A_220, %scan3A_124 : i32
        %ne3A_222 = arith.cmpi ne, %add3A_131, %add3A_140 : i32
        %or3A_223 = arith.constant false
        %or3A_224 = arith.ori %or3A_223, %ne3A_222 : i1
        %not3A_225 = arith.constant true
        %not3A_226 = arith.xori %eq3A_128, %not3A_225 : i1
        %and3A_227 = arith.andi %or3A_224, %not3A_226 : i1
        %convert_element_type3A_228 = arith.extui %and3A_227 : i1 to i32
        %cond3A_229 = arith.constant 0 : i32
        %cond3A_230 = arith.cmpi ne, %convert_element_type3A_228, %cond3A_229 : i32
        scf.if %cond3A_230 {
        } else {
        }
        %and3A_231 = arith.constant false
        %and3A_232 = arith.andi %and3A_227, %and3A_231 : i1
        %ne3A_233 = arith.cmpi ne, %add3A_131, %add3A_140 : i32
        %or3A_234 = arith.constant false
        %or3A_235 = arith.ori %or3A_234, %ne3A_233 : i1
        %or3A_236 = arith.constant false
        %or3A_237 = arith.ori %or3A_235, %or3A_236 : i1
        %not3A_238 = arith.constant true
        %not3A_239 = arith.xori %eq3A_128, %not3A_238 : i1
        %and3A_240 = arith.andi %or3A_237, %not3A_239 : i1
        %convert_element_type3A_241 = arith.extui %and3A_240 : i1 to i32
        %cond3A_242 = arith.constant 0 : i32
        %cond3A_243 = arith.cmpi ne, %convert_element_type3A_241, %cond3A_242 : i32
        scf.if %cond3A_243 {
          "tpu.trace_start"() <{level = 10 : i32, message = "ep_wait_out"}> : () -> ()
          %rem3A_264 = arith.constant 2 : i32
          %rem3A_265 = arith.remui %scan3A_125, %rem3A_264 : i32
          %mul3A_266 = arith.constant 256 : i32
          %mul3A_267 = arith.muli %mul3A_266, %add3A_140 : i32
          %dma_wait3A_268 = arith.constant 0 : i32
          %dma_wait3A_269 = arith.constant 0 : i32
          %dma_wait3A_270 = tpu.memref_slice %run_scoped3A_8[%rem3A_265, %dma_wait3A_268, %dma_wait3A_269] : memref<2x256x128xf32, #tpu.memory_space<vmem>> -> memref<1x256x128xf32, #tpu.memory_space<vmem>>
          %dma_wait3A_271 = tpu.memref_squeeze %dma_wait3A_270 : memref<1x256x128xf32, #tpu.memory_space<vmem>> -> memref<256x128xf32, #tpu.memory_space<vmem>>
          %dma_wait3A_272 = arith.constant 0 : i32
          %dma_wait3A_273 = tpu.memref_slice %arg4[%mul3A_267, %dma_wait3A_272] : memref<131072x128xf32, #tpu.memory_space<hbm>> -> memref<256x128xf32, #tpu.memory_space<hbm>>
          %dma_wait3A_274 = tpu.memref_slice %run_scoped3A_9[%rem3A_265] : memref<2x!tpu.dma_semaphore, #tpu.memory_space<semaphore_mem>> -> memref<1x!tpu.dma_semaphore, #tpu.memory_space<semaphore_mem>>
          %dma_wait3A_275 = tpu.memref_squeeze %dma_wait3A_274 : memref<1x!tpu.dma_semaphore, #tpu.memory_space<semaphore_mem>> -> memref<!tpu.dma_semaphore, #tpu.memory_space<semaphore_mem>>
          %dma_wait3A_276 = arith.constant 0 : i32
          %dma_wait3A_277 = tpu.memref_slice %arg4[%mul3A_267, %dma_wait3A_276] : memref<131072x128xf32, #tpu.memory_space<hbm>> -> memref<256x128xf32, #tpu.memory_space<hbm>>
          %dma_wait3A_278 = arith.constant 0 : i32
          %dma_wait3A_279 = arith.constant 0 : i32
          %dma_wait3A_280 = tpu.memref_slice %run_scoped3A_8[%rem3A_265, %dma_wait3A_278, %dma_wait3A_279] : memref<2x256x128xf32, #tpu.memory_space<vmem>> -> memref<1x256x128xf32, #tpu.memory_space<vmem>>
          %dma_wait3A_281 = tpu.memref_squeeze %dma_wait3A_280 : memref<1x256x128xf32, #tpu.memory_space<vmem>> -> memref<256x128xf32, #tpu.memory_space<vmem>>
          tpu.wait_dma2 semaphore(%dma_wait3A_275 : memref<!tpu.dma_semaphore, #tpu.memory_space<semaphore_mem>>) src(%dma_wait3A_281 : memref<256x128xf32, #tpu.memory_space<vmem>>) dst(%dma_wait3A_277 : memref<256x128xf32, #tpu.memory_space<hbm>>)
          "tpu.trace_stop"() : () -> ()
        } else {
        }
        %and3A_244 = arith.constant true
        %and3A_245 = arith.andi %and3A_240, %and3A_244 : i1
        %add3A_246 = arith.constant 1 : i32
        %add3A_247 = arith.addi %scan3A_125, %add3A_246 : i32
        %select_n3A_248 = arith.select %and3A_245, %add3A_247, %scan3A_125 : i32
        %ne3A_249 = arith.cmpi ne, %add3A_131, %add3A_149 : i32
        %or3A_250 = arith.constant false
        %or3A_251 = arith.ori %or3A_250, %ne3A_249 : i1
        %or3A_252 = arith.ori %or3A_251, %eq3A_130 : i1
        %add3A_253 = arith.constant 1 : i32
        %add3A_254 = arith.addi %scan3A_123, %add3A_253 : i32
        %select_n3A_255 = arith.select %or3A_252, %add3A_254, %scan3A_123 : i32
        %add3A_256 = arith.constant 1 : i32
        %add3A_257 = arith.addi %scan3A_126, %add3A_256 : i32
        %select_n3A_258 = arith.constant true
        %select_n3A_259 = arith.select %select_n3A_258, %add3A_257, %scan3A_126 : i32
        %eq3A_260 = arith.constant 16 : i32
        %eq3A_261 = arith.cmpi eq, %select_n3A_259, %eq3A_260 : i32
        %select_n3A_262 = arith.constant 0 : i32
        %select_n3A_263 = arith.select %eq3A_261, %select_n3A_262, %select_n3A_259 : i32
        scf.yield %select_n3A_167, %select_n3A_255, %select_n3A_221, %select_n3A_248, %select_n3A_263 : i32, i32, i32, i32, i32
      }
      %scan3A_68 = arith.constant 16 : i32
      %sub3A = arith.constant 1 : i32
      %sub3A_69 = arith.subi %scan3A_67#4, %sub3A : i32
      %select_n3A_70 = arith.constant true
      %select_n3A_71 = arith.select %select_n3A_70, %sub3A_69, %scan3A_67#4 : i32
      %eq3A_72 = arith.constant -1 : i32
      %eq3A_73 = arith.cmpi eq, %select_n3A_71, %eq3A_72 : i32
      %select_n3A_74 = arith.constant 15 : i32
      %select_n3A_75 = arith.select %eq3A_73, %select_n3A_74, %select_n3A_71 : i32
      %add3A_76 = arith.addi %select_n3A_75, %mul3A_6 : i32
      %sub3A_77 = arith.constant 1 : i32
      %sub3A_78 = arith.subi %select_n3A_75, %sub3A_77 : i32
      %select_n3A_79 = arith.constant true
      %select_n3A_80 = arith.select %select_n3A_79, %sub3A_78, %select_n3A_75 : i32
      %eq3A_81 = arith.constant -1 : i32
      %eq3A_82 = arith.cmpi eq, %select_n3A_80, %eq3A_81 : i32
      %select_n3A_83 = arith.constant 15 : i32
      %select_n3A_84 = arith.select %eq3A_82, %select_n3A_83, %select_n3A_80 : i32
      %add3A_85 = arith.addi %select_n3A_84, %mul3A_6 : i32
      %add3A_86 = arith.constant 1 : i32
      %add3A_87 = arith.addi %select_n3A_75, %add3A_86 : i32
      %select_n3A_88 = arith.constant true
      %select_n3A_89 = arith.select %select_n3A_88, %add3A_87, %select_n3A_75 : i32
      %eq3A_90 = arith.constant 16 : i32
      %eq3A_91 = arith.cmpi eq, %select_n3A_89, %eq3A_90 : i32
      %select_n3A_92 = arith.constant 0 : i32
      %select_n3A_93 = arith.select %eq3A_91, %select_n3A_92, %select_n3A_89 : i32
      %add3A_94 = arith.addi %select_n3A_93, %mul3A_6 : i32
      %add3A_95 = arith.constant 1 : i32
      %add3A_96 = arith.addi %select_n3A_93, %add3A_95 : i32
      %select_n3A_97 = arith.constant true
      %select_n3A_98 = arith.select %select_n3A_97, %add3A_96, %select_n3A_93 : i32
      %eq3A_99 = arith.constant 16 : i32
      %eq3A_100 = arith.cmpi eq, %select_n3A_98, %eq3A_99 : i32
      %select_n3A_101 = arith.constant 0 : i32
      %select_n3A_102 = arith.select %eq3A_100, %select_n3A_101, %select_n3A_98 : i32
      %add3A_103 = arith.addi %select_n3A_102, %mul3A_6 : i32
      "tpu.trace_start"() <{level = 10 : i32, message = "ep_finalize"}> : () -> ()
      %rem3A_104 = arith.constant 2 : i32
      %rem3A_105 = arith.remui %scan3A_67#3, %rem3A_104 : i32
      %mul3A_106 = arith.constant 256 : i32
      %mul3A_107 = arith.muli %mul3A_106, %add3A_76 : i32
      %dma_wait3A = arith.constant 0 : i32
      %dma_wait3A_108 = arith.constant 0 : i32
      %dma_wait3A_109 = tpu.memref_slice %run_scoped3A_8[%rem3A_105, %dma_wait3A, %dma_wait3A_108] : memref<2x256x128xf32, #tpu.memory_space<vmem>> -> memref<1x256x128xf32, #tpu.memory_space<vmem>>
      %dma_wait3A_110 = tpu.memref_squeeze %dma_wait3A_109 : memref<1x256x128xf32, #tpu.memory_space<vmem>> -> memref<256x128xf32, #tpu.memory_space<vmem>>
      %dma_wait3A_111 = arith.constant 0 : i32
      %dma_wait3A_112 = tpu.memref_slice %arg4[%mul3A_107, %dma_wait3A_111] : memref<131072x128xf32, #tpu.memory_space<hbm>> -> memref<256x128xf32, #tpu.memory_space<hbm>>
      %dma_wait3A_113 = tpu.memref_slice %run_scoped3A_9[%rem3A_105] : memref<2x!tpu.dma_semaphore, #tpu.memory_space<semaphore_mem>> -> memref<1x!tpu.dma_semaphore, #tpu.memory_space<semaphore_mem>>
      %dma_wait3A_114 = tpu.memref_squeeze %dma_wait3A_113 : memref<1x!tpu.dma_semaphore, #tpu.memory_space<semaphore_mem>> -> memref<!tpu.dma_semaphore, #tpu.memory_space<semaphore_mem>>
      %dma_wait3A_115 = arith.constant 0 : i32
      %dma_wait3A_116 = tpu.memref_slice %arg4[%mul3A_107, %dma_wait3A_115] : memref<131072x128xf32, #tpu.memory_space<hbm>> -> memref<256x128xf32, #tpu.memory_space<hbm>>
      %dma_wait3A_117 = arith.constant 0 : i32
      %dma_wait3A_118 = arith.constant 0 : i32
      %dma_wait3A_119 = tpu.memref_slice %run_scoped3A_8[%rem3A_105, %dma_wait3A_117, %dma_wait3A_118] : memref<2x256x128xf32, #tpu.memory_space<vmem>> -> memref<1x256x128xf32, #tpu.memory_space<vmem>>
      %dma_wait3A_120 = tpu.memref_squeeze %dma_wait3A_119 : memref<1x256x128xf32, #tpu.memory_space<vmem>> -> memref<256x128xf32, #tpu.memory_space<vmem>>
      tpu.wait_dma2 semaphore(%dma_wait3A_114 : memref<!tpu.dma_semaphore, #tpu.memory_space<semaphore_mem>>) src(%dma_wait3A_120 : memref<256x128xf32, #tpu.memory_space<vmem>>) dst(%dma_wait3A_116 : memref<256x128xf32, #tpu.memory_space<hbm>>)
      "tpu.trace_stop"() : () -> ()
      tpu.yield
    }) : () -> ()
    return
  }
}

#map = affine_map<(d0, d1) -> (0, 0)>
module attributes {stable_mosaic.version = 14 : i64} {
  func.func @kern(%arg0: i32, %arg1: i32, %arg2: memref<8192x128xf32, #tpu.memory_space<hbm>>, %arg3: memref<1x131072xi32, #tpu.memory_space<hbm>>, %arg4: memref<131072x128xf32, #tpu.memory_space<hbm>>) attributes {dimension_semantics = [#tpu.dimension_semantics<core_parallel>, #tpu.dimension_semantics<subcore_parallel>], iteration_bounds = array<i64: 2, 16>, scalar_prefetch = 0 : i64, scratch_operands = 0 : i64, tpu.core_type = #tpu.core_type<sc_vector_subcore>, window_params = [{transform_indices = #map}, {transform_indices = #map}, {transform_indices = #map}]} {
    %mul3A = arith.constant 1 : i32
    %mul3A_0 = arith.muli %arg1, %mul3A : i32
    %add3A = arith.constant 0 : i32
    %add3A_1 = arith.addi %add3A, %mul3A_0 : i32
    %mul3A_2 = arith.constant 16 : i32
    %mul3A_3 = arith.muli %arg0, %mul3A_2 : i32
    %add3A_4 = arith.addi %add3A_1, %mul3A_3 : i32
    %mul3A_5 = arith.constant 16 : i32
    %mul3A_6 = arith.muli %add3A_4, %mul3A_5 : i32
    "tpu.region"() ({
      %run_scoped3A = memref.alloca() : memref<2x1x256xi32, #tpu.memory_space<vmem>>
      %run_scoped3A_7 = tpu.sem_alloc : memref<2x!tpu.dma_semaphore, #tpu.memory_space<semaphore_mem>>
      %run_scoped3A_8 = memref.alloca() : memref<2x256x128xf32, #tpu.memory_space<vmem>>
      %run_scoped3A_9 = tpu.sem_alloc : memref<2x!tpu.dma_semaphore, #tpu.memory_space<semaphore_mem>>
      %add3A_10 = arith.constant 0 : i32
      %add3A_11 = arith.addi %add3A_10, %mul3A_6 : i32
      %select_n3A = arith.constant true
      %select_n3A_12 = arith.constant 0 : i32
      %select_n3A_13 = arith.constant -1 : i32
      %select_n3A_14 = arith.select %select_n3A, %select_n3A_13, %select_n3A_12 : i32
      %eq3A = arith.constant -1 : i32
      %eq3A_15 = arith.cmpi eq, %select_n3A_14, %eq3A : i32
      %select_n3A_16 = arith.constant 15 : i32
      %select_n3A_17 = arith.select %eq3A_15, %select_n3A_16, %select_n3A_14 : i32
      %add3A_18 = arith.addi %select_n3A_17, %mul3A_6 : i32
      %select_n3A_19 = arith.constant true
      %select_n3A_20 = arith.constant 0 : i32
      %select_n3A_21 = arith.constant 1 : i32
      %select_n3A_22 = arith.select %select_n3A_19, %select_n3A_21, %select_n3A_20 : i32
      %eq3A_23 = arith.constant 16 : i32
      %eq3A_24 = arith.cmpi eq, %select_n3A_22, %eq3A_23 : i32
      %select_n3A_25 = arith.constant 0 : i32
      %select_n3A_26 = arith.select %eq3A_24, %select_n3A_25, %select_n3A_22 : i32
      %add3A_27 = arith.addi %select_n3A_26, %mul3A_6 : i32
      %add3A_28 = arith.constant 1 : i32
      %add3A_29 = arith.addi %select_n3A_26, %add3A_28 : i32
      %select_n3A_30 = arith.constant true
      %select_n3A_31 = arith.select %select_n3A_30, %add3A_29, %select_n3A_26 : i32
      %eq3A_32 = arith.constant 16 : i32
      %eq3A_33 = arith.cmpi eq, %select_n3A_31, %eq3A_32 : i32
      %select_n3A_34 = arith.constant 0 : i32
      %select_n3A_35 = arith.select %eq3A_33, %select_n3A_34, %select_n3A_31 : i32
      %add3A_36 = arith.addi %select_n3A_35, %mul3A_6 : i32
      "tpu.trace_start"() <{level = 10 : i32, message = "ep_initialize_0"}> : () -> ()
      %rem3A = arith.constant 0 : i32
      %rem3A_37 = arith.constant 2 : i32
      %rem3A_38 = arith.remui %rem3A, %rem3A_37 : i32
      %mul3A_39 = arith.constant 256 : i32
      %mul3A_40 = arith.muli %mul3A_39, %add3A_11 : i32
      %dma_start3A = arith.constant 0 : i32
      %dma_start3A_41 = arith.constant 0 : i32
      %dma_start3A_42 = tpu.memref_slice %run_scoped3A[%rem3A_38, %dma_start3A, %dma_start3A_41] : memref<2x1x256xi32, #tpu.memory_space<vmem>> -> memref<1x1x256xi32, #tpu.memory_space<vmem>>
      %dma_start3A_43 = tpu.memref_squeeze %dma_start3A_42 : memref<1x1x256xi32, #tpu.memory_space<vmem>> -> memref<1x256xi32, #tpu.memory_space<vmem>>
      %dma_start3A_44 = arith.constant 0 : i32
      %dma_start3A_45 = tpu.memref_slice %arg3[%dma_start3A_44, %mul3A_40] : memref<1x131072xi32, #tpu.memory_space<hbm>> -> memref<1x256xi32, #tpu.memory_space<hbm>>
      %dma_start3A_46 = tpu.memref_slice %run_scoped3A_7[%rem3A_38] : memref<2x!tpu.dma_semaphore, #tpu.memory_space<semaphore_mem>> -> memref<1x!tpu.dma_semaphore, #tpu.memory_space<semaphore_mem>>
      %dma_start3A_47 = tpu.memref_squeeze %dma_start3A_46 : memref<1x!tpu.dma_semaphore, #tpu.memory_space<semaphore_mem>> -> memref<!tpu.dma_semaphore, #tpu.memory_space<semaphore_mem>>
      %dma_start3A_48 = arith.constant 0 : i32
      %dma_start3A_49 = arith.constant 0 : i32
      %dma_start3A_50 = tpu.memref_slice %run_scoped3A[%rem3A_38, %dma_start3A_48, %dma_start3A_49] : memref<2x1x256xi32, #tpu.memory_space<vmem>> -> memref<1x1x256xi32, #tpu.memory_space<vmem>>
      %dma_start3A_51 = tpu.memref_squeeze %dma_start3A_50 : memref<1x1x256xi32, #tpu.memory_space<vmem>> -> memref<1x256xi32, #tpu.memory_space<vmem>>
      %dma_start3A_52 = arith.constant 0 : i32
      %dma_start3A_53 = tpu.memref_slice %arg3[%dma_start3A_52, %mul3A_40] : memref<1x131072xi32, #tpu.memory_space<hbm>> -> memref<1x256xi32, #tpu.memory_space<hbm>>
      tpu.enqueue_dma source(%dma_start3A_53 : memref<1x256xi32, #tpu.memory_space<hbm>>) target(%dma_start3A_51 : memref<1x256xi32, #tpu.memory_space<vmem>>) target_semaphore(%dma_start3A_47 : memref<!tpu.dma_semaphore, #tpu.memory_space<semaphore_mem>>)
      %add3A_54 = arith.constant 0 : i32
      %add3A_55 = arith.constant 1 : i32
      %add3A_56 = arith.addi %add3A_54, %add3A_55 : i32
      %select_n3A_57 = arith.constant true
      %select_n3A_58 = arith.constant 0 : i32
      %select_n3A_59 = arith.select %select_n3A_57, %add3A_56, %select_n3A_58 : i32
      "tpu.trace_stop"() : () -> ()
      %scan3A = arith.constant 0 : i32
      %scan3A_60 = arith.constant 0 : i32
      %scan3A_61 = arith.constant 0 : i32
      %scan3A_62 = arith.constant 0 : i32
      %scan3A_63 = arith.constant 0 : i32
      %scan3A_64 = arith.constant 16 : i32
      %scan3A_65 = arith.addi %scan3A_63, %scan3A_64 : i32
      %scan3A_66 = arith.constant 1 : i32
      %scan3A_67:5 = scf.for %scan3A_121 = %scan3A_63 to %scan3A_65 step %scan3A_66 iter_args(%scan3A_122 = %select_n3A_59, %scan3A_123 = %scan3A, %scan3A_124 = %scan3A_60, %scan3A_125 = %scan3A_61, %scan3A_126 = %scan3A_62) -> (i32, i32, i32, i32, i32)  : i32 {
        %eq3A_127 = arith.constant 0 : i32
        %eq3A_128 = arith.cmpi eq, %scan3A_121, %eq3A_127 : i32
        %eq3A_129 = arith.constant 15 : i32
        %eq3A_130 = arith.cmpi eq, %scan3A_121, %eq3A_129 : i32
        %add3A_131 = arith.addi %scan3A_126, %mul3A_6 : i32
        %sub3A_132 = arith.constant 1 : i32
        %sub3A_133 = arith.subi %scan3A_126, %sub3A_132 : i32
        %select_n3A_134 = arith.constant true
        %select_n3A_135 = arith.select %select_n3A_134, %sub3A_133, %scan3A_126 : i32
        %eq3A_136 = arith.constant -1 : i32
        %eq3A_137 = arith.cmpi eq, %select_n3A_135, %eq3A_136 : i32
        %select_n3A_138 = arith.constant 15 : i32
        %select_n3A_139 = arith.select %eq3A_137, %select_n3A_138, %select_n3A_135 : i32
        %add3A_140 = arith.addi %select_n3A_139, %mul3A_6 : i32
        %add3A_141 = arith.constant 1 : i32
        %add3A_142 = arith.addi %scan3A_126, %add3A_141 : i32
        %select_n3A_143 = arith.constant true
        %select_n3A_144 = arith.select %select_n3A_143, %add3A_142, %scan3A_126 : i32
        %eq3A_145 = arith.constant 16 : i32
        %eq3A_146 = arith.cmpi eq, %select_n3A_144, %eq3A_145 : i32
        %select_n3A_147 = arith.constant 0 : i32
        %select_n3A_148 = arith.select %eq3A_146, %select_n3A_147, %select_n3A_144 : i32
        %add3A_149 = arith.addi %select_n3A_148, %mul3A_6 : i32
        %add3A_150 = arith.constant 1 : i32
        %add3A_151 = arith.addi %select_n3A_148, %add3A_150 : i32
        %select_n3A_152 = arith.constant true
        %select_n3A_153 = arith.select %select_n3A_152, %add3A_151, %select_n3A_148 : i32
        %eq3A_154 = arith.constant 16 : i32
        %eq3A_155 = arith.cmpi eq, %select_n3A_153, %eq3A_154 : i32
        %select_n3A_156 = arith.constant 0 : i32
        %select_n3A_157 = arith.select %eq3A_155, %select_n3A_156, %select_n3A_153 : i32
        %add3A_158 = arith.addi %select_n3A_157, %mul3A_6 : i32
        %ne3A = arith.cmpi ne, %add3A_131, %add3A_149 : i32
        %or3A = arith.constant false
        %or3A_159 = arith.ori %or3A, %ne3A : i1
        %ge3A = arith.constant 15 : i32
        %ge3A_160 = arith.cmpi sge, %scan3A_121, %ge3A : i32
        %not3A = arith.constant true
        %not3A_161 = arith.xori %ge3A_160, %not3A : i1
        %and3A = arith.andi %or3A_159, %not3A_161 : i1
        %convert_element_type3A = arith.extui %and3A : i1 to i32
        %cond3A = arith.constant 0 : i32
        %cond3A_162 = arith.cmpi ne, %convert_element_type3A, %cond3A : i32
        scf.if %cond3A_162 {
          "tpu.trace_start"() <{level = 10 : i32, message = "ep_copy_in"}> : () -> ()
          %rem3A_264 = arith.constant 2 : i32
          %rem3A_265 = arith.remui %scan3A_122, %rem3A_264 : i32
          %mul3A_266 = arith.constant 256 : i32
          %mul3A_267 = arith.muli %mul3A_266, %add3A_149 : i32
          %dma_start3A_268 = arith.constant 0 : i32
          %dma_start3A_269 = arith.constant 0 : i32
          %dma_start3A_270 = tpu.memref_slice %run_scoped3A[%rem3A_265, %dma_start3A_268, %dma_start3A_269] : memref<2x1x256xi32, #tpu.memory_space<vmem>> -> memref<1x1x256xi32, #tpu.memory_space<vmem>>
          %dma_start3A_271 = tpu.memref_squeeze %dma_start3A_270 : memref<1x1x256xi32, #tpu.memory_space<vmem>> -> memref<1x256xi32, #tpu.memory_space<vmem>>
          %dma_start3A_272 = arith.constant 0 : i32
          %dma_start3A_273 = tpu.memref_slice %arg3[%dma_start3A_272, %mul3A_267] : memref<1x131072xi32, #tpu.memory_space<hbm>> -> memref<1x256xi32, #tpu.memory_space<hbm>>
          %dma_start3A_274 = tpu.memref_slice %run_scoped3A_7[%rem3A_265] : memref<2x!tpu.dma_semaphore, #tpu.memory_space<semaphore_mem>> -> memref<1x!tpu.dma_semaphore, #tpu.memory_space<semaphore_mem>>
          %dma_start3A_275 = tpu.memref_squeeze %dma_start3A_274 : memref<1x!tpu.dma_semaphore, #tpu.memory_space<semaphore_mem>> -> memref<!tpu.dma_semaphore, #tpu.memory_space<semaphore_mem>>
          %dma_start3A_276 = arith.constant 0 : i32
          %dma_start3A_277 = arith.constant 0 : i32
          %dma_start3A_278 = tpu.memref_slice %run_scoped3A[%rem3A_265, %dma_start3A_276, %dma_start3A_277] : memref<2x1x256xi32, #tpu.memory_space<vmem>> -> memref<1x1x256xi32, #tpu.memory_space<vmem>>
          %dma_start3A_279 = tpu.memref_squeeze %dma_start3A_278 : memref<1x1x256xi32, #tpu.memory_space<vmem>> -> memref<1x256xi32, #tpu.memory_space<vmem>>
          %dma_start3A_280 = arith.constant 0 : i32
          %dma_start3A_281 = tpu.memref_slice %arg3[%dma_start3A_280, %mul3A_267] : memref<1x131072xi32, #tpu.memory_space<hbm>> -> memref<1x256xi32, #tpu.memory_space<hbm>>
          tpu.enqueue_dma source(%dma_start3A_281 : memref<1x256xi32, #tpu.memory_space<hbm>>) target(%dma_start3A_279 : memref<1x256xi32, #tpu.memory_space<vmem>>) target_semaphore(%dma_start3A_275 : memref<!tpu.dma_semaphore, #tpu.memory_space<semaphore_mem>>)
          "tpu.trace_stop"() : () -> ()
        } else {
        }
        %and3A_163 = arith.constant true
        %and3A_164 = arith.andi %and3A, %and3A_163 : i1
        %add3A_165 = arith.constant 1 : i32
        %add3A_166 = arith.addi %scan3A_122, %add3A_165 : i32
        %select_n3A_167 = arith.select %and3A_164, %add3A_166, %scan3A_122 : i32
        %ne3A_168 = arith.cmpi ne, %add3A_131, %add3A_149 : i32
        %or3A_169 = arith.constant false
        %or3A_170 = arith.ori %or3A_169, %ne3A_168 : i1
        %or3A_171 = arith.constant false
        %or3A_172 = arith.ori %or3A_170, %or3A_171 : i1
        %ge3A_173 = arith.constant 15 : i32
        %ge3A_174 = arith.cmpi sge, %scan3A_121, %ge3A_173 : i32
        %not3A_175 = arith.constant true
        %not3A_176 = arith.xori %ge3A_174, %not3A_175 : i1
        %and3A_177 = arith.andi %or3A_172, %not3A_176 : i1
        %ne3A_178 = arith.cmpi ne, %add3A_131, %add3A_140 : i32
        %or3A_179 = arith.constant false
        %or3A_180 = arith.ori %or3A_179, %ne3A_178 : i1
        %or3A_181 = arith.ori %or3A_180, %eq3A_128 : i1
        %convert_element_type3A_182 = arith.extui %or3A_181 : i1 to i32
        %cond3A_183 = arith.constant 0 : i32
        %cond3A_184 = arith.cmpi ne, %convert_element_type3A_182, %cond3A_183 : i32
        scf.if %cond3A_184 {
          "tpu.trace_start"() <{level = 10 : i32, message = "ep_wait_in"}> : () -> ()
          %mul3A_264 = arith.constant 256 : i32
          %mul3A_265 = arith.muli %mul3A_264, %add3A_131 : i32
          %rem3A_266 = arith.constant 2 : i32
          %rem3A_267 = arith.remui %scan3A_123, %rem3A_266 : i32
          %dma_wait3A_268 = arith.constant 0 : i32
          %dma_wait3A_269 = arith.constant 0 : i32
          %dma_wait3A_270 = tpu.memref_slice %run_scoped3A[%rem3A_267, %dma_wait3A_268, %dma_wait3A_269] : memref<2x1x256xi32, #tpu.memory_space<vmem>> -> memref<1x1x256xi32, #tpu.memory_space<vmem>>
          %dma_wait3A_271 = tpu.memref_squeeze %dma_wait3A_270 : memref<1x1x256xi32, #tpu.memory_space<vmem>> -> memref<1x256xi32, #tpu.memory_space<vmem>>
          %dma_wait3A_272 = arith.constant 0 : i32
          %dma_wait3A_273 = tpu.memref_slice %arg3[%dma_wait3A_272, %mul3A_265] : memref<1x131072xi32, #tpu.memory_space<hbm>> -> memref<1x256xi32, #tpu.memory_space<hbm>>
          %dma_wait3A_274 = tpu.memref_slice %run_scoped3A_7[%rem3A_267] : memref<2x!tpu.dma_semaphore, #tpu.memory_space<semaphore_mem>> -> memref<1x!tpu.dma_semaphore, #tpu.memory_space<semaphore_mem>>
          %dma_wait3A_275 = tpu.memref_squeeze %dma_wait3A_274 : memref<1x!tpu.dma_semaphore, #tpu.memory_space<semaphore_mem>> -> memref<!tpu.dma_semaphore, #tpu.memory_space<semaphore_mem>>
          %dma_wait3A_276 = arith.constant 0 : i32
          %dma_wait3A_277 = arith.constant 0 : i32
          %dma_wait3A_278 = tpu.memref_slice %run_scoped3A[%rem3A_267, %dma_wait3A_276, %dma_wait3A_277] : memref<2x1x256xi32, #tpu.memory_space<vmem>> -> memref<1x1x256xi32, #tpu.memory_space<vmem>>
          %dma_wait3A_279 = tpu.memref_squeeze %dma_wait3A_278 : memref<1x1x256xi32, #tpu.memory_space<vmem>> -> memref<1x256xi32, #tpu.memory_space<vmem>>
          %dma_wait3A_280 = arith.constant 0 : i32
          %dma_wait3A_281 = tpu.memref_slice %arg3[%dma_wait3A_280, %mul3A_265] : memref<1x131072xi32, #tpu.memory_space<hbm>> -> memref<1x256xi32, #tpu.memory_space<hbm>>
          tpu.wait_dma2 semaphore(%dma_wait3A_275 : memref<!tpu.dma_semaphore, #tpu.memory_space<semaphore_mem>>) src(%dma_wait3A_281 : memref<1x256xi32, #tpu.memory_space<hbm>>) dst(%dma_wait3A_279 : memref<1x256xi32, #tpu.memory_space<vmem>>)
          "tpu.trace_stop"() : () -> ()
        } else {
        }
        %ne3A_185 = arith.cmpi ne, %add3A_131, %add3A_140 : i32
        %or3A_186 = arith.constant false
        %or3A_187 = arith.ori %or3A_186, %ne3A_185 : i1
        %or3A_188 = arith.constant false
        %or3A_189 = arith.ori %or3A_187, %or3A_188 : i1
        %or3A_190 = arith.ori %or3A_189, %eq3A_128 : i1
        %convert_element_type3A_191 = arith.extui %or3A_190 : i1 to i32
        %cond3A_192 = arith.constant 0 : i32
        %cond3A_193 = arith.cmpi ne, %convert_element_type3A_191, %cond3A_192 : i32
        scf.if %cond3A_193 {
        } else {
        }
        %rem3A_194 = arith.constant 2 : i32
        %rem3A_195 = arith.remui %scan3A_123, %rem3A_194 : i32
        %rem3A_196 = arith.constant 2 : i32
        %rem3A_197 = arith.remui %scan3A_124, %rem3A_196 : i32
        %run_scoped3A_198 = arith.constant 0 : i32
        "tpu.trace_start"() <{level = 10 : i32, message = "ep_run_kernel"}> : () -> ()
        "tpu.region"() ({
          %run_scoped3A_264 = tpu.sem_alloc : memref<!tpu.dma_semaphore, #tpu.memory_space<semaphore_mem>>
          %dma_start3A_265 = arith.constant 0 : i32
          %dma_start3A_266 = arith.constant 0 : i32
          %dma_start3A_267 = tpu.memref_slice %run_scoped3A_8[%rem3A_197, %dma_start3A_265, %dma_start3A_266] : memref<2x256x128xf32, #tpu.memory_space<vmem>> -> memref<1x256x128xf32, #tpu.memory_space<vmem>>
          %dma_start3A_268 = tpu.memref_squeeze %dma_start3A_267 : memref<1x256x128xf32, #tpu.memory_space<vmem>> -> memref<256x128xf32, #tpu.memory_space<vmem>>
          %dma_start3A_269 = arith.constant 0 : i32
          %dma_start3A_270 = arith.constant 0 : i32
          %dma_start3A_271 = tpu.memref_slice %run_scoped3A[%rem3A_195, %dma_start3A_269, %dma_start3A_270] : memref<2x1x256xi32, #tpu.memory_space<vmem>> -> memref<1x1x256xi32, #tpu.memory_space<vmem>>
          %dma_start3A_272 = tpu.memref_squeeze %dma_start3A_271 : memref<1x1x256xi32, #tpu.memory_space<vmem>> -> memref<1x256xi32, #tpu.memory_space<vmem>>
          %dma_start3A_273 = arith.constant 0 : i32
          %dma_start3A_274 = tpu.memref_slice %dma_start3A_272[%run_scoped3A_198, %dma_start3A_273] : memref<1x256xi32, #tpu.memory_space<vmem>> -> memref<1x256xi32, #tpu.memory_space<vmem>>
          %dma_start3A_275 = tpu.memref_squeeze %dma_start3A_274 : memref<1x256xi32, #tpu.memory_space<vmem>> -> memref<256xi32, #tpu.memory_space<vmem>>
          %dma_start3A_276 = arith.constant 0 : i32
          %dma_start3A_277 = arith.constant 0 : i32
          %dma_start3A_278 = tpu.memref_slice %arg2[%dma_start3A_276, %dma_start3A_277] : memref<8192x128xf32, #tpu.memory_space<hbm>> -> memref<8192x128xf32, #tpu.memory_space<hbm>>
          tpu.enqueue_indirect_dma source(%dma_start3A_278 : memref<8192x128xf32, #tpu.memory_space<hbm>>) target(%dma_start3A_268 : memref<256x128xf32, #tpu.memory_space<vmem>>) offsets(%dma_start3A_275 : memref<256xi32, #tpu.memory_space<vmem>>) semaphore(%run_scoped3A_264 : memref<!tpu.dma_semaphore, #tpu.memory_space<semaphore_mem>>)
          %dma_wait3A_279 = arith.constant 0 : i32
          %dma_wait3A_280 = arith.constant 0 : i32
          %dma_wait3A_281 = tpu.memref_slice %run_scoped3A_8[%rem3A_197, %dma_wait3A_279, %dma_wait3A_280] : memref<2x256x128xf32, #tpu.memory_space<vmem>> -> memref<1x256x128xf32, #tpu.memory_space<vmem>>
          %dma_wait3A_282 = tpu.memref_squeeze %dma_wait3A_281 : memref<1x256x128xf32, #tpu.memory_space<vmem>> -> memref<256x128xf32, #tpu.memory_space<vmem>>
          %dma_wait3A_283 = arith.constant 0 : i32
          %dma_wait3A_284 = arith.constant 0 : i32
          %dma_wait3A_285 = tpu.memref_slice %run_scoped3A[%rem3A_195, %dma_wait3A_283, %dma_wait3A_284] : memref<2x1x256xi32, #tpu.memory_space<vmem>> -> memref<1x1x256xi32, #tpu.memory_space<vmem>>
          %dma_wait3A_286 = tpu.memref_squeeze %dma_wait3A_285 : memref<1x1x256xi32, #tpu.memory_space<vmem>> -> memref<1x256xi32, #tpu.memory_space<vmem>>
          %dma_wait3A_287 = arith.constant 0 : i32
          %dma_wait3A_288 = tpu.memref_slice %dma_wait3A_286[%run_scoped3A_198, %dma_wait3A_287] : memref<1x256xi32, #tpu.memory_space<vmem>> -> memref<1x256xi32, #tpu.memory_space<vmem>>
          %dma_wait3A_289 = tpu.memref_squeeze %dma_wait3A_288 : memref<1x256xi32, #tpu.memory_space<vmem>> -> memref<256xi32, #tpu.memory_space<vmem>>
          %dma_wait3A_290 = arith.constant 0 : i32
          %dma_wait3A_291 = arith.constant 0 : i32
          %dma_wait3A_292 = tpu.memref_slice %arg2[%dma_wait3A_290, %dma_wait3A_291] : memref<8192x128xf32, #tpu.memory_space<hbm>> -> memref<8192x128xf32, #tpu.memory_space<hbm>>
          tpu.wait_indirect_dma semaphore(%run_scoped3A_264 : memref<!tpu.dma_semaphore, #tpu.memory_space<semaphore_mem>>) src(%dma_wait3A_292 : memref<8192x128xf32, #tpu.memory_space<hbm>>) dst(%dma_wait3A_282 : memref<256x128xf32, #tpu.memory_space<vmem>>)
          tpu.yield
        }) : () -> ()
        "tpu.trace_stop"() : () -> ()
        %ne3A_199 = arith.cmpi ne, %add3A_131, %add3A_149 : i32
        %or3A_200 = arith.constant false
        %or3A_201 = arith.ori %or3A_200, %ne3A_199 : i1
        %or3A_202 = arith.ori %or3A_201, %eq3A_130 : i1
        %convert_element_type3A_203 = arith.extui %or3A_202 : i1 to i32
        %cond3A_204 = arith.constant 0 : i32
        %cond3A_205 = arith.cmpi ne, %convert_element_type3A_203, %cond3A_204 : i32
        scf.if %cond3A_205 {
        } else {
        }
        %and3A_206 = arith.constant false
        %and3A_207 = arith.andi %or3A_202, %and3A_206 : i1
        %ne3A_208 = arith.cmpi ne, %add3A_131, %add3A_149 : i32
        %or3A_209 = arith.constant false
        %or3A_210 = arith.ori %or3A_209, %ne3A_208 : i1
        %or3A_211 = arith.constant false
        %or3A_212 = arith.ori %or3A_210, %or3A_211 : i1
        %or3A_213 = arith.ori %or3A_212, %eq3A_130 : i1
        %convert_element_type3A_214 = arith.extui %or3A_213 : i1 to i32
        %cond3A_215 = arith.constant 0 : i32
        %cond3A_216 = arith.cmpi ne, %convert_element_type3A_214, %cond3A_215 : i32
        scf.if %cond3A_216 {
          "tpu.trace_start"() <{level = 10 : i32, message = "ep_copy_out"}> : () -> ()
          %rem3A_264 = arith.constant 2 : i32
          %rem3A_265 = arith.remui %scan3A_124, %rem3A_264 : i32
          %mul3A_266 = arith.constant 256 : i32
          %mul3A_267 = arith.muli %mul3A_266, %add3A_131 : i32
          %dma_start3A_268 = arith.constant 0 : i32
          %dma_start3A_269 = arith.constant 0 : i32
          %dma_start3A_270 = tpu.memref_slice %run_scoped3A_8[%rem3A_265, %dma_start3A_268, %dma_start3A_269] : memref<2x256x128xf32, #tpu.memory_space<vmem>> -> memref<1x256x128xf32, #tpu.memory_space<vmem>>
          %dma_start3A_271 = tpu.memref_squeeze %dma_start3A_270 : memref<1x256x128xf32, #tpu.memory_space<vmem>> -> memref<256x128xf32, #tpu.memory_space<vmem>>
          %dma_start3A_272 = arith.constant 0 : i32
          %dma_start3A_273 = tpu.memref_slice %arg4[%mul3A_267, %dma_start3A_272] : memref<131072x128xf32, #tpu.memory_space<hbm>> -> memref<256x128xf32, #tpu.memory_space<hbm>>
          %dma_start3A_274 = tpu.memref_slice %run_scoped3A_9[%rem3A_265] : memref<2x!tpu.dma_semaphore, #tpu.memory_space<semaphore_mem>> -> memref<1x!tpu.dma_semaphore, #tpu.memory_space<semaphore_mem>>
          %dma_start3A_275 = tpu.memref_squeeze %dma_start3A_274 : memref<1x!tpu.dma_semaphore, #tpu.memory_space<semaphore_mem>> -> memref<!tpu.dma_semaphore, #tpu.memory_space<semaphore_mem>>
          %dma_start3A_276 = arith.constant 0 : i32
          %dma_start3A_277 = tpu.memref_slice %arg4[%mul3A_267, %dma_start3A_276] : memref<131072x128xf32, #tpu.memory_space<hbm>> -> memref<256x128xf32, #tpu.memory_space<hbm>>
          %dma_start3A_278 = arith.constant 0 : i32
          %dma_start3A_279 = arith.constant 0 : i32
          %dma_start3A_280 = tpu.memref_slice %run_scoped3A_8[%rem3A_265, %dma_start3A_278, %dma_start3A_279] : memref<2x256x128xf32, #tpu.memory_space<vmem>> -> memref<1x256x128xf32, #tpu.memory_space<vmem>>
          %dma_start3A_281 = tpu.memref_squeeze %dma_start3A_280 : memref<1x256x128xf32, #tpu.memory_space<vmem>> -> memref<256x128xf32, #tpu.memory_space<vmem>>
          tpu.enqueue_dma source(%dma_start3A_281 : memref<256x128xf32, #tpu.memory_space<vmem>>) target(%dma_start3A_277 : memref<256x128xf32, #tpu.memory_space<hbm>>) target_semaphore(%dma_start3A_275 : memref<!tpu.dma_semaphore, #tpu.memory_space<semaphore_mem>>)
          "tpu.trace_stop"() : () -> ()
        } else {
        }
        %and3A_217 = arith.constant true
        %and3A_218 = arith.andi %or3A_213, %and3A_217 : i1
        %add3A_219 = arith.constant 1 : i32
        %add3A_220 = arith.addi %scan3A_124, %add3A_219 : i32
        %select_n3A_221 = arith.select %and3A_218, %add3A_220, %scan3A_124 : i32
        %ne3A_222 = arith.cmpi ne, %add3A_131, %add3A_140 : i32
        %or3A_223 = arith.constant false
        %or3A_224 = arith.ori %or3A_223, %ne3A_222 : i1
        %not3A_225 = arith.constant true
        %not3A_226 = arith.xori %eq3A_128, %not3A_225 : i1
        %and3A_227 = arith.andi %or3A_224, %not3A_226 : i1
        %convert_element_type3A_228 = arith.extui %and3A_227 : i1 to i32
        %cond3A_229 = arith.constant 0 : i32
        %cond3A_230 = arith.cmpi ne, %convert_element_type3A_228, %cond3A_229 : i32
        scf.if %cond3A_230 {
        } else {
        }
        %and3A_231 = arith.constant false
        %and3A_232 = arith.andi %and3A_227, %and3A_231 : i1
        %ne3A_233 = arith.cmpi ne, %add3A_131, %add3A_140 : i32
        %or3A_234 = arith.constant false
        %or3A_235 = arith.ori %or3A_234, %ne3A_233 : i1
        %or3A_236 = arith.constant false
        %or3A_237 = arith.ori %or3A_235, %or3A_236 : i1
        %not3A_238 = arith.constant true
        %not3A_239 = arith.xori %eq3A_128, %not3A_238 : i1
        %and3A_240 = arith.andi %or3A_237, %not3A_239 : i1
        %convert_element_type3A_241 = arith.extui %and3A_240 : i1 to i32
        %cond3A_242 = arith.constant 0 : i32
        %cond3A_243 = arith.cmpi ne, %convert_element_type3A_241, %cond3A_242 : i32
        scf.if %cond3A_243 {
          "tpu.trace_start"() <{level = 10 : i32, message = "ep_wait_out"}> : () -> ()
          %rem3A_264 = arith.constant 2 : i32
          %rem3A_265 = arith.remui %scan3A_125, %rem3A_264 : i32
          %mul3A_266 = arith.constant 256 : i32
          %mul3A_267 = arith.muli %mul3A_266, %add3A_140 : i32
          %dma_wait3A_268 = arith.constant 0 : i32
          %dma_wait3A_269 = arith.constant 0 : i32
          %dma_wait3A_270 = tpu.memref_slice %run_scoped3A_8[%rem3A_265, %dma_wait3A_268, %dma_wait3A_269] : memref<2x256x128xf32, #tpu.memory_space<vmem>> -> memref<1x256x128xf32, #tpu.memory_space<vmem>>
          %dma_wait3A_271 = tpu.memref_squeeze %dma_wait3A_270 : memref<1x256x128xf32, #tpu.memory_space<vmem>> -> memref<256x128xf32, #tpu.memory_space<vmem>>
          %dma_wait3A_272 = arith.constant 0 : i32
          %dma_wait3A_273 = tpu.memref_slice %arg4[%mul3A_267, %dma_wait3A_272] : memref<131072x128xf32, #tpu.memory_space<hbm>> -> memref<256x128xf32, #tpu.memory_space<hbm>>
          %dma_wait3A_274 = tpu.memref_slice %run_scoped3A_9[%rem3A_265] : memref<2x!tpu.dma_semaphore, #tpu.memory_space<semaphore_mem>> -> memref<1x!tpu.dma_semaphore, #tpu.memory_space<semaphore_mem>>
          %dma_wait3A_275 = tpu.memref_squeeze %dma_wait3A_274 : memref<1x!tpu.dma_semaphore, #tpu.memory_space<semaphore_mem>> -> memref<!tpu.dma_semaphore, #tpu.memory_space<semaphore_mem>>
          %dma_wait3A_276 = arith.constant 0 : i32
          %dma_wait3A_277 = tpu.memref_slice %arg4[%mul3A_267, %dma_wait3A_276] : memref<131072x128xf32, #tpu.memory_space<hbm>> -> memref<256x128xf32, #tpu.memory_space<hbm>>
          %dma_wait3A_278 = arith.constant 0 : i32
          %dma_wait3A_279 = arith.constant 0 : i32
          %dma_wait3A_280 = tpu.memref_slice %run_scoped3A_8[%rem3A_265, %dma_wait3A_278, %dma_wait3A_279] : memref<2x256x128xf32, #tpu.memory_space<vmem>> -> memref<1x256x128xf32, #tpu.memory_space<vmem>>
          %dma_wait3A_281 = tpu.memref_squeeze %dma_wait3A_280 : memref<1x256x128xf32, #tpu.memory_space<vmem>> -> memref<256x128xf32, #tpu.memory_space<vmem>>
          tpu.wait_dma2 semaphore(%dma_wait3A_275 : memref<!tpu.dma_semaphore, #tpu.memory_space<semaphore_mem>>) src(%dma_wait3A_281 : memref<256x128xf32, #tpu.memory_space<vmem>>) dst(%dma_wait3A_277 : memref<256x128xf32, #tpu.memory_space<hbm>>)
          "tpu.trace_stop"() : () -> ()
        } else {
        }
        %and3A_244 = arith.constant true
        %and3A_245 = arith.andi %and3A_240, %and3A_244 : i1
        %add3A_246 = arith.constant 1 : i32
        %add3A_247 = arith.addi %scan3A_125, %add3A_246 : i32
        %select_n3A_248 = arith.select %and3A_245, %add3A_247, %scan3A_125 : i32
        %ne3A_249 = arith.cmpi ne, %add3A_131, %add3A_149 : i32
        %or3A_250 = arith.constant false
        %or3A_251 = arith.ori %or3A_250, %ne3A_249 : i1
        %or3A_252 = arith.ori %or3A_251, %eq3A_130 : i1
        %add3A_253 = arith.constant 1 : i32
        %add3A_254 = arith.addi %scan3A_123, %add3A_253 : i32
        %select_n3A_255 = arith.select %or3A_252, %add3A_254, %scan3A_123 : i32
        %add3A_256 = arith.constant 1 : i32
        %add3A_257 = arith.addi %scan3A_126, %add3A_256 : i32
        %select_n3A_258 = arith.constant true
        %select_n3A_259 = arith.select %select_n3A_258, %add3A_257, %scan3A_126 : i32
        %eq3A_260 = arith.constant 16 : i32
        %eq3A_261 = arith.cmpi eq, %select_n3A_259, %eq3A_260 : i32
        %select_n3A_262 = arith.constant 0 : i32
        %select_n3A_263 = arith.select %eq3A_261, %select_n3A_262, %select_n3A_259 : i32
        scf.yield %select_n3A_167, %select_n3A_255, %select_n3A_221, %select_n3A_248, %select_n3A_263 : i32, i32, i32, i32, i32
      }
      %scan3A_68 = arith.constant 16 : i32
      %sub3A = arith.constant 1 : i32
      %sub3A_69 = arith.subi %scan3A_67#4, %sub3A : i32
      %select_n3A_70 = arith.constant true
      %select_n3A_71 = arith.select %select_n3A_70, %sub3A_69, %scan3A_67#4 : i32
      %eq3A_72 = arith.constant -1 : i32
      %eq3A_73 = arith.cmpi eq, %select_n3A_71, %eq3A_72 : i32
      %select_n3A_74 = arith.constant 15 : i32
      %select_n3A_75 = arith.select %eq3A_73, %select_n3A_74, %select_n3A_71 : i32
      %add3A_76 = arith.addi %select_n3A_75, %mul3A_6 : i32
      %sub3A_77 = arith.constant 1 : i32
      %sub3A_78 = arith.subi %select_n3A_75, %sub3A_77 : i32
      %select_n3A_79 = arith.constant true
      %select_n3A_80 = arith.select %select_n3A_79, %sub3A_78, %select_n3A_75 : i32
      %eq3A_81 = arith.constant -1 : i32
      %eq3A_82 = arith.cmpi eq, %select_n3A_80, %eq3A_81 : i32
      %select_n3A_83 = arith.constant 15 : i32
      %select_n3A_84 = arith.select %eq3A_82, %select_n3A_83, %select_n3A_80 : i32
      %add3A_85 = arith.addi %select_n3A_84, %mul3A_6 : i32
      %add3A_86 = arith.constant 1 : i32
      %add3A_87 = arith.addi %select_n3A_75, %add3A_86 : i32
      %select_n3A_88 = arith.constant true
      %select_n3A_89 = arith.select %select_n3A_88, %add3A_87, %select_n3A_75 : i32
      %eq3A_90 = arith.constant 16 : i32
      %eq3A_91 = arith.cmpi eq, %select_n3A_89, %eq3A_90 : i32
      %select_n3A_92 = arith.constant 0 : i32
      %select_n3A_93 = arith.select %eq3A_91, %select_n3A_92, %select_n3A_89 : i32
      %add3A_94 = arith.addi %select_n3A_93, %mul3A_6 : i32
      %add3A_95 = arith.constant 1 : i32
      %add3A_96 = arith.addi %select_n3A_93, %add3A_95 : i32
      %select_n3A_97 = arith.constant true
      %select_n3A_98 = arith.select %select_n3A_97, %add3A_96, %select_n3A_93 : i32
      %eq3A_99 = arith.constant 16 : i32
      %eq3A_100 = arith.cmpi eq, %select_n3A_98, %eq3A_99 : i32
      %select_n3A_101 = arith.constant 0 : i32
      %select_n3A_102 = arith.select %eq3A_100, %select_n3A_101, %select_n3A_98 : i32
      %add3A_103 = arith.addi %select_n3A_102, %mul3A_6 : i32
      "tpu.trace_start"() <{level = 10 : i32, message = "ep_finalize"}> : () -> ()
      %rem3A_104 = arith.constant 2 : i32
      %rem3A_105 = arith.remui %scan3A_67#3, %rem3A_104 : i32
      %mul3A_106 = arith.constant 256 : i32
      %mul3A_107 = arith.muli %mul3A_106, %add3A_76 : i32
      %dma_wait3A = arith.constant 0 : i32
      %dma_wait3A_108 = arith.constant 0 : i32
      %dma_wait3A_109 = tpu.memref_slice %run_scoped3A_8[%rem3A_105, %dma_wait3A, %dma_wait3A_108] : memref<2x256x128xf32, #tpu.memory_space<vmem>> -> memref<1x256x128xf32, #tpu.memory_space<vmem>>
      %dma_wait3A_110 = tpu.memref_squeeze %dma_wait3A_109 : memref<1x256x128xf32, #tpu.memory_space<vmem>> -> memref<256x128xf32, #tpu.memory_space<vmem>>
      %dma_wait3A_111 = arith.constant 0 : i32
      %dma_wait3A_112 = tpu.memref_slice %arg4[%mul3A_107, %dma_wait3A_111] : memref<131072x128xf32, #tpu.memory_space<hbm>> -> memref<256x128xf32, #tpu.memory_space<hbm>>
      %dma_wait3A_113 = tpu.memref_slice %run_scoped3A_9[%rem3A_105] : memref<2x!tpu.dma_semaphore, #tpu.memory_space<semaphore_mem>> -> memref<1x!tpu.dma_semaphore, #tpu.memory_space<semaphore_mem>>
      %dma_wait3A_114 = tpu.memref_squeeze %dma_wait3A_113 : memref<1x!tpu.dma_semaphore, #tpu.memory_space<semaphore_mem>> -> memref<!tpu.dma_semaphore, #tpu.memory_space<semaphore_mem>>
      %dma_wait3A_115 = arith.constant 0 : i32
      %dma_wait3A_116 = tpu.memref_slice %arg4[%mul3A_107, %dma_wait3A_115] : memref<131072x128xf32, #tpu.memory_space<hbm>> -> memref<256x128xf32, #tpu.memory_space<hbm>>
      %dma_wait3A_117 = arith.constant 0 : i32
      %dma_wait3A_118 = arith.constant 0 : i32
      %dma_wait3A_119 = tpu.memref_slice %run_scoped3A_8[%rem3A_105, %dma_wait3A_117, %dma_wait3A_118] : memref<2x256x128xf32, #tpu.memory_space<vmem>> -> memref<1x256x128xf32, #tpu.memory_space<vmem>>
      %dma_wait3A_120 = tpu.memref_squeeze %dma_wait3A_119 : memref<1x256x128xf32, #tpu.memory_space<vmem>> -> memref<256x128xf32, #tpu.memory_space<vmem>>
      tpu.wait_dma2 semaphore(%dma_wait3A_114 : memref<!tpu.dma_semaphore, #tpu.memory_space<semaphore_mem>>) src(%dma_wait3A_120 : memref<256x128xf32, #tpu.memory_space<vmem>>) dst(%dma_wait3A_116 : memref<256x128xf32, #tpu.memory_space<hbm>>)
      "tpu.trace_stop"() : () -> ()
      tpu.yield
    }) : () -> ()
    return
  }
}

module attributes {stable_mosaic.version = 14 : i64} {
  func.func @_topk_body(%arg0: i32, %arg1: i32, %arg2: memref<1x256x3xf32, #tpu.memory_space<vmem>>, %arg3: memref<1x3x4096xf32, #tpu.memory_space<vmem>>, %arg4: memref<1x256x16xi32, #tpu.memory_space<vmem>>) attributes {dimension_semantics = [#tpu.dimension_semantics<arbitrary>, #tpu.dimension_semantics<arbitrary>], iteration_bounds = array<i64: 2, 16>, scalar_prefetch = 0 : i64, scratch_operands = 0 : i64, tpu.core_type = #tpu.core_type<tc>, window_params = [{transform_indices = @transform_0, window_bounds = array<i64: 1, 256, 3>}, {transform_indices = @transform_1, window_bounds = array<i64: 1, 3, 4096>}, {transform_indices = @transform_2, window_bounds = array<i64: 1, 256, 16>}]} {
    %get3A = arith.constant 0 : index
    %get3A_0 = arith.constant 0 : index
    %get3A_1 = arith.constant 0 : index
    %get3A_2 = vector.load %arg2[%get3A, %get3A_0, %get3A_1] : memref<1x256x3xf32, #tpu.memory_space<vmem>>, vector<1x256x3xf32>
    %get3A_3 = vector.shape_cast %get3A_2 : vector<1x256x3xf32> to vector<256x3xf32>
    %iota3A = tpu.iota {dimensions = array<i32: 1>} : vector<256x4096xi32>
    %slice3A = vector.extract_strided_slice %get3A_3 {offsets = [0, 0], sizes = [256, 1], strides = [1, 1]} : vector<256x3xf32> to vector<256x1xf32>
    %integer_pow3A = arith.mulf %slice3A, %slice3A : vector<256x1xf32>
    %slice3A_4 = vector.extract_strided_slice %get3A_3 {offsets = [0, 1], sizes = [256, 1], strides = [1, 1]} : vector<256x3xf32> to vector<256x1xf32>
    %integer_pow3A_5 = arith.mulf %slice3A_4, %slice3A_4 : vector<256x1xf32>
    %add3A = arith.addf %integer_pow3A, %integer_pow3A_5 : vector<256x1xf32>
    %slice3A_6 = vector.extract_strided_slice %get3A_3 {offsets = [0, 2], sizes = [256, 1], strides = [1, 1]} : vector<256x3xf32> to vector<256x1xf32>
    %integer_pow3A_7 = arith.mulf %slice3A_6, %slice3A_6 : vector<256x1xf32>
    %add3A_8 = arith.addf %add3A, %integer_pow3A_7 : vector<256x1xf32>
    %get3A_9 = arith.constant 0 : index
    %get3A_10 = arith.constant 0 : index
    %get3A_11 = arith.constant 0 : index
    %get3A_12 = vector.load %arg3[%get3A_9, %get3A_10, %get3A_11] : memref<1x3x4096xf32, #tpu.memory_space<vmem>>, vector<1x1x4096xf32>
    %get3A_13 = vector.shape_cast %get3A_12 : vector<1x1x4096xf32> to vector<1x4096xf32>
    %slice3A_14 = vector.extract_strided_slice %get3A_3 {offsets = [0, 0], sizes = [256, 1], strides = [1, 1]} : vector<256x3xf32> to vector<256x1xf32>
    %convert_element_type3A = arith.truncf %slice3A_14 : vector<256x1xf32> to vector<256x1xbf16>
    %convert_element_type3A_15 = arith.extf %convert_element_type3A : vector<256x1xbf16> to vector<256x1xf32>
    %convert_element_type3A_16 = arith.truncf %get3A_13 : vector<1x4096xf32> to vector<1x4096xbf16>
    %convert_element_type3A_17 = arith.extf %convert_element_type3A_16 : vector<1x4096xbf16> to vector<1x4096xf32>
    %mul3A = vector.broadcast %convert_element_type3A_15 : vector<256x1xf32> to vector<256x4096xf32>
    %mul3A_18 = vector.broadcast %convert_element_type3A_17 : vector<1x4096xf32> to vector<256x4096xf32>
    %mul3A_19 = arith.mulf %mul3A, %mul3A_18 : vector<256x4096xf32>
    %mul3A_20 = arith.mulf %get3A_13, %get3A_13 : vector<1x4096xf32>
    %get3A_21 = arith.constant 0 : index
    %get3A_22 = arith.constant 1 : index
    %get3A_23 = arith.constant 0 : index
    %get3A_24 = vector.load %arg3[%get3A_21, %get3A_22, %get3A_23] : memref<1x3x4096xf32, #tpu.memory_space<vmem>>, vector<1x1x4096xf32>
    %get3A_25 = vector.shape_cast %get3A_24 : vector<1x1x4096xf32> to vector<1x4096xf32>
    %slice3A_26 = vector.extract_strided_slice %get3A_3 {offsets = [0, 1], sizes = [256, 1], strides = [1, 1]} : vector<256x3xf32> to vector<256x1xf32>
    %convert_element_type3A_27 = arith.truncf %slice3A_26 : vector<256x1xf32> to vector<256x1xbf16>
    %convert_element_type3A_28 = arith.extf %convert_element_type3A_27 : vector<256x1xbf16> to vector<256x1xf32>
    %convert_element_type3A_29 = arith.truncf %get3A_25 : vector<1x4096xf32> to vector<1x4096xbf16>
    %convert_element_type3A_30 = arith.extf %convert_element_type3A_29 : vector<1x4096xbf16> to vector<1x4096xf32>
    %mul3A_31 = vector.broadcast %convert_element_type3A_28 : vector<256x1xf32> to vector<256x4096xf32>
    %mul3A_32 = vector.broadcast %convert_element_type3A_30 : vector<1x4096xf32> to vector<256x4096xf32>
    %mul3A_33 = arith.mulf %mul3A_31, %mul3A_32 : vector<256x4096xf32>
    %add3A_34 = arith.addf %mul3A_19, %mul3A_33 : vector<256x4096xf32>
    %mul3A_35 = arith.mulf %get3A_25, %get3A_25 : vector<1x4096xf32>
    %add3A_36 = arith.addf %mul3A_20, %mul3A_35 : vector<1x4096xf32>
    %get3A_37 = arith.constant 0 : index
    %get3A_38 = arith.constant 2 : index
    %get3A_39 = arith.constant 0 : index
    %get3A_40 = vector.load %arg3[%get3A_37, %get3A_38, %get3A_39] : memref<1x3x4096xf32, #tpu.memory_space<vmem>>, vector<1x1x4096xf32>
    %get3A_41 = vector.shape_cast %get3A_40 : vector<1x1x4096xf32> to vector<1x4096xf32>
    %slice3A_42 = vector.extract_strided_slice %get3A_3 {offsets = [0, 2], sizes = [256, 1], strides = [1, 1]} : vector<256x3xf32> to vector<256x1xf32>
    %convert_element_type3A_43 = arith.truncf %slice3A_42 : vector<256x1xf32> to vector<256x1xbf16>
    %convert_element_type3A_44 = arith.extf %convert_element_type3A_43 : vector<256x1xbf16> to vector<256x1xf32>
    %convert_element_type3A_45 = arith.truncf %get3A_41 : vector<1x4096xf32> to vector<1x4096xbf16>
    %convert_element_type3A_46 = arith.extf %convert_element_type3A_45 : vector<1x4096xbf16> to vector<1x4096xf32>
    %mul3A_47 = vector.broadcast %convert_element_type3A_44 : vector<256x1xf32> to vector<256x4096xf32>
    %mul3A_48 = vector.broadcast %convert_element_type3A_46 : vector<1x4096xf32> to vector<256x4096xf32>
    %mul3A_49 = arith.mulf %mul3A_47, %mul3A_48 : vector<256x4096xf32>
    %add3A_50 = arith.addf %add3A_34, %mul3A_49 : vector<256x4096xf32>
    %mul3A_51 = arith.mulf %get3A_41, %get3A_41 : vector<1x4096xf32>
    %add3A_52 = arith.addf %add3A_36, %mul3A_51 : vector<1x4096xf32>
    %mul3A_53 = arith.constant -2.000000e+00 : f32
    %mul3A_54 = vector.broadcast %mul3A_53 : f32 to vector<256x4096xf32>
    %mul3A_55 = arith.mulf %mul3A_54, %add3A_50 : vector<256x4096xf32>
    %add3A_56 = vector.broadcast %add3A_8 : vector<256x1xf32> to vector<256x4096xf32>
    %add3A_57 = arith.addf %mul3A_55, %add3A_56 : vector<256x4096xf32>
    %add3A_58 = vector.broadcast %add3A_52 : vector<1x4096xf32> to vector<256x4096xf32>
    %add3A_59 = arith.addf %add3A_57, %add3A_58 : vector<256x4096xf32>
    %mul3A_60 = arith.constant 4096 : i32
    %mul3A_61 = arith.muli %arg0, %mul3A_60 : i32
    %reduce_min3A = arith.constant dense<0x7F800000> : vector<256xf32>
    %reduce_min3A_62 = vector.multi_reduction <minimumf>, %add3A_59, %reduce_min3A [1] : vector<256x4096xf32> to vector<256xf32>
    %broadcast_in_dim3A = vector.shape_cast %reduce_min3A_62 : vector<256xf32> to vector<256x1xf32>
    %eq3A = vector.broadcast %broadcast_in_dim3A : vector<256x1xf32> to vector<256x4096xf32>
    %eq3A_63 = arith.cmpf oeq, %add3A_59, %eq3A : vector<256x4096xf32>
    %jit3A = arith.constant 4096 : i32
    %broadcast_in_dim3A_64 = vector.broadcast %jit3A : i32 to vector<256x4096xi32>
    %select_n3A = arith.select %eq3A_63, %iota3A, %broadcast_in_dim3A_64 : vector<256x4096xi1>, vector<256x4096xi32>
    %reduce_min3A_65 = arith.constant dense<2147483647> : vector<256xi32>
    %reduce_min3A_66 = vector.multi_reduction <minsi>, %select_n3A, %reduce_min3A_65 [1] : vector<256x4096xi32> to vector<256xi32>
    %broadcast_in_dim3A_67 = vector.shape_cast %reduce_min3A_66 : vector<256xi32> to vector<256x1xi32>
    %add3A_68 = vector.broadcast %mul3A_61 : i32 to vector<256x1xi32>
    %add3A_69 = arith.addi %broadcast_in_dim3A_67, %add3A_68 : vector<256x1xi32>
    %swap3A = arith.constant 0 : index
    %swap3A_70 = arith.constant 0 : index
    %swap3A_71 = arith.constant 0 : index
    %swap3A_72 = vector.load %arg4[%swap3A, %swap3A_70, %swap3A_71] : memref<1x256x16xi32, #tpu.memory_space<vmem>>, vector<1x256x1xi32>
    %swap3A_73 = vector.shape_cast %swap3A_72 : vector<1x256x1xi32> to vector<256x1xi32>
    %swap3A_74 = vector.shape_cast %add3A_69 : vector<256x1xi32> to vector<1x256x1xi32>
    tpu.vector_store %arg4[%swap3A, %swap3A_70, %swap3A_71], %swap3A_74 {strides = array<i32>} : memref<1x256x16xi32, #tpu.memory_space<vmem>>, vector<1x256x1xi32>,
    %eq3A_75 = vector.broadcast %broadcast_in_dim3A_67 : vector<256x1xi32> to vector<256x4096xi32>
    %eq3A_76 = arith.cmpi eq, %iota3A, %eq3A_75 : vector<256x4096xi32>
    %jit3A_77 = arith.constant 0x7F800000 : f32
    %broadcast_in_dim3A_78 = vector.broadcast %jit3A_77 : f32 to vector<256x4096xf32>
    %select_n3A_79 = arith.select %eq3A_76, %broadcast_in_dim3A_78, %add3A_59 : vector<256x4096xi1>, vector<256x4096xf32>
    %reduce_min3A_80 = arith.constant dense<0x7F800000> : vector<256xf32>
    %reduce_min3A_81 = vector.multi_reduction <minimumf>, %select_n3A_79, %reduce_min3A_80 [1] : vector<256x4096xf32> to vector<256xf32>
    %broadcast_in_dim3A_82 = vector.shape_cast %reduce_min3A_81 : vector<256xf32> to vector<256x1xf32>
    %eq3A_83 = vector.broadcast %broadcast_in_dim3A_82 : vector<256x1xf32> to vector<256x4096xf32>
    %eq3A_84 = arith.cmpf oeq, %select_n3A_79, %eq3A_83 : vector<256x4096xf32>
    %jit3A_85 = arith.constant 4096 : i32
    %broadcast_in_dim3A_86 = vector.broadcast %jit3A_85 : i32 to vector<256x4096xi32>
    %select_n3A_87 = arith.select %eq3A_84, %iota3A, %broadcast_in_dim3A_86 : vector<256x4096xi1>, vector<256x4096xi32>
    %reduce_min3A_88 = arith.constant dense<2147483647> : vector<256xi32>
    %reduce_min3A_89 = vector.multi_reduction <minsi>, %select_n3A_87, %reduce_min3A_88 [1] : vector<256x4096xi32> to vector<256xi32>
    %broadcast_in_dim3A_90 = vector.shape_cast %reduce_min3A_89 : vector<256xi32> to vector<256x1xi32>
    %add3A_91 = vector.broadcast %mul3A_61 : i32 to vector<256x1xi32>
    %add3A_92 = arith.addi %broadcast_in_dim3A_90, %add3A_91 : vector<256x1xi32>
    %swap3A_93 = arith.constant 0 : index
    %swap3A_94 = arith.constant 0 : index
    %swap3A_95 = arith.constant 1 : index
    %swap3A_96 = vector.load %arg4[%swap3A_93, %swap3A_94, %swap3A_95] : memref<1x256x16xi32, #tpu.memory_space<vmem>>, vector<1x256x1xi32>
    %swap3A_97 = vector.shape_cast %swap3A_96 : vector<1x256x1xi32> to vector<256x1xi32>
    %swap3A_98 = vector.shape_cast %add3A_92 : vector<256x1xi32> to vector<1x256x1xi32>
    tpu.vector_store %arg4[%swap3A_93, %swap3A_94, %swap3A_95], %swap3A_98 {strides = array<i32>} : memref<1x256x16xi32, #tpu.memory_space<vmem>>, vector<1x256x1xi32>,
    %eq3A_99 = vector.broadcast %broadcast_in_dim3A_90 : vector<256x1xi32> to vector<256x4096xi32>
    %eq3A_100 = arith.cmpi eq, %iota3A, %eq3A_99 : vector<256x4096xi32>
    %jit3A_101 = arith.constant 0x7F800000 : f32
    %broadcast_in_dim3A_102 = vector.broadcast %jit3A_101 : f32 to vector<256x4096xf32>
    %select_n3A_103 = arith.select %eq3A_100, %broadcast_in_dim3A_102, %select_n3A_79 : vector<256x4096xi1>, vector<256x4096xf32>
    %reduce_min3A_104 = arith.constant dense<0x7F800000> : vector<256xf32>
    %reduce_min3A_105 = vector.multi_reduction <minimumf>, %select_n3A_103, %reduce_min3A_104 [1] : vector<256x4096xf32> to vector<256xf32>
    %broadcast_in_dim3A_106 = vector.shape_cast %reduce_min3A_105 : vector<256xf32> to vector<256x1xf32>
    %eq3A_107 = vector.broadcast %broadcast_in_dim3A_106 : vector<256x1xf32> to vector<256x4096xf32>
    %eq3A_108 = arith.cmpf oeq, %select_n3A_103, %eq3A_107 : vector<256x4096xf32>
    %jit3A_109 = arith.constant 4096 : i32
    %broadcast_in_dim3A_110 = vector.broadcast %jit3A_109 : i32 to vector<256x4096xi32>
    %select_n3A_111 = arith.select %eq3A_108, %iota3A, %broadcast_in_dim3A_110 : vector<256x4096xi1>, vector<256x4096xi32>
    %reduce_min3A_112 = arith.constant dense<2147483647> : vector<256xi32>
    %reduce_min3A_113 = vector.multi_reduction <minsi>, %select_n3A_111, %reduce_min3A_112 [1] : vector<256x4096xi32> to vector<256xi32>
    %broadcast_in_dim3A_114 = vector.shape_cast %reduce_min3A_113 : vector<256xi32> to vector<256x1xi32>
    %add3A_115 = vector.broadcast %mul3A_61 : i32 to vector<256x1xi32>
    %add3A_116 = arith.addi %broadcast_in_dim3A_114, %add3A_115 : vector<256x1xi32>
    %swap3A_117 = arith.constant 0 : index
    %swap3A_118 = arith.constant 0 : index
    %swap3A_119 = arith.constant 2 : index
    %swap3A_120 = vector.load %arg4[%swap3A_117, %swap3A_118, %swap3A_119] : memref<1x256x16xi32, #tpu.memory_space<vmem>>, vector<1x256x1xi32>
    %swap3A_121 = vector.shape_cast %swap3A_120 : vector<1x256x1xi32> to vector<256x1xi32>
    %swap3A_122 = vector.shape_cast %add3A_116 : vector<256x1xi32> to vector<1x256x1xi32>
    tpu.vector_store %arg4[%swap3A_117, %swap3A_118, %swap3A_119], %swap3A_122 {strides = array<i32>} : memref<1x256x16xi32, #tpu.memory_space<vmem>>, vector<1x256x1xi32>,
    %eq3A_123 = vector.broadcast %broadcast_in_dim3A_114 : vector<256x1xi32> to vector<256x4096xi32>
    %eq3A_124 = arith.cmpi eq, %iota3A, %eq3A_123 : vector<256x4096xi32>
    %jit3A_125 = arith.constant 0x7F800000 : f32
    %broadcast_in_dim3A_126 = vector.broadcast %jit3A_125 : f32 to vector<256x4096xf32>
    %select_n3A_127 = arith.select %eq3A_124, %broadcast_in_dim3A_126, %select_n3A_103 : vector<256x4096xi1>, vector<256x4096xf32>
    %reduce_min3A_128 = arith.constant dense<0x7F800000> : vector<256xf32>
    %reduce_min3A_129 = vector.multi_reduction <minimumf>, %select_n3A_127, %reduce_min3A_128 [1] : vector<256x4096xf32> to vector<256xf32>
    %broadcast_in_dim3A_130 = vector.shape_cast %reduce_min3A_129 : vector<256xf32> to vector<256x1xf32>
    %eq3A_131 = vector.broadcast %broadcast_in_dim3A_130 : vector<256x1xf32> to vector<256x4096xf32>
    %eq3A_132 = arith.cmpf oeq, %select_n3A_127, %eq3A_131 : vector<256x4096xf32>
    %jit3A_133 = arith.constant 4096 : i32
    %broadcast_in_dim3A_134 = vector.broadcast %jit3A_133 : i32 to vector<256x4096xi32>
    %select_n3A_135 = arith.select %eq3A_132, %iota3A, %broadcast_in_dim3A_134 : vector<256x4096xi1>, vector<256x4096xi32>
    %reduce_min3A_136 = arith.constant dense<2147483647> : vector<256xi32>
    %reduce_min3A_137 = vector.multi_reduction <minsi>, %select_n3A_135, %reduce_min3A_136 [1] : vector<256x4096xi32> to vector<256xi32>
    %broadcast_in_dim3A_138 = vector.shape_cast %reduce_min3A_137 : vector<256xi32> to vector<256x1xi32>
    %add3A_139 = vector.broadcast %mul3A_61 : i32 to vector<256x1xi32>
    %add3A_140 = arith.addi %broadcast_in_dim3A_138, %add3A_139 : vector<256x1xi32>
    %swap3A_141 = arith.constant 0 : index
    %swap3A_142 = arith.constant 0 : index
    %swap3A_143 = arith.constant 3 : index
    %swap3A_144 = vector.load %arg4[%swap3A_141, %swap3A_142, %swap3A_143] : memref<1x256x16xi32, #tpu.memory_space<vmem>>, vector<1x256x1xi32>
    %swap3A_145 = vector.shape_cast %swap3A_144 : vector<1x256x1xi32> to vector<256x1xi32>
    %swap3A_146 = vector.shape_cast %add3A_140 : vector<256x1xi32> to vector<1x256x1xi32>
    tpu.vector_store %arg4[%swap3A_141, %swap3A_142, %swap3A_143], %swap3A_146 {strides = array<i32>} : memref<1x256x16xi32, #tpu.memory_space<vmem>>, vector<1x256x1xi32>,
    %eq3A_147 = vector.broadcast %broadcast_in_dim3A_138 : vector<256x1xi32> to vector<256x4096xi32>
    %eq3A_148 = arith.cmpi eq, %iota3A, %eq3A_147 : vector<256x4096xi32>
    %jit3A_149 = arith.constant 0x7F800000 : f32
    %broadcast_in_dim3A_150 = vector.broadcast %jit3A_149 : f32 to vector<256x4096xf32>
    %select_n3A_151 = arith.select %eq3A_148, %broadcast_in_dim3A_150, %select_n3A_127 : vector<256x4096xi1>, vector<256x4096xf32>
    %reduce_min3A_152 = arith.constant dense<0x7F800000> : vector<256xf32>
    %reduce_min3A_153 = vector.multi_reduction <minimumf>, %select_n3A_151, %reduce_min3A_152 [1] : vector<256x4096xf32> to vector<256xf32>
    %broadcast_in_dim3A_154 = vector.shape_cast %reduce_min3A_153 : vector<256xf32> to vector<256x1xf32>
    %eq3A_155 = vector.broadcast %broadcast_in_dim3A_154 : vector<256x1xf32> to vector<256x4096xf32>
    %eq3A_156 = arith.cmpf oeq, %select_n3A_151, %eq3A_155 : vector<256x4096xf32>
    %jit3A_157 = arith.constant 4096 : i32
    %broadcast_in_dim3A_158 = vector.broadcast %jit3A_157 : i32 to vector<256x4096xi32>
    %select_n3A_159 = arith.select %eq3A_156, %iota3A, %broadcast_in_dim3A_158 : vector<256x4096xi1>, vector<256x4096xi32>
    %reduce_min3A_160 = arith.constant dense<2147483647> : vector<256xi32>
    %reduce_min3A_161 = vector.multi_reduction <minsi>, %select_n3A_159, %reduce_min3A_160 [1] : vector<256x4096xi32> to vector<256xi32>
    %broadcast_in_dim3A_162 = vector.shape_cast %reduce_min3A_161 : vector<256xi32> to vector<256x1xi32>
    %add3A_163 = vector.broadcast %mul3A_61 : i32 to vector<256x1xi32>
    %add3A_164 = arith.addi %broadcast_in_dim3A_162, %add3A_163 : vector<256x1xi32>
    %swap3A_165 = arith.constant 0 : index
    %swap3A_166 = arith.constant 0 : index
    %swap3A_167 = arith.constant 4 : index
    %swap3A_168 = vector.load %arg4[%swap3A_165, %swap3A_166, %swap3A_167] : memref<1x256x16xi32, #tpu.memory_space<vmem>>, vector<1x256x1xi32>
    %swap3A_169 = vector.shape_cast %swap3A_168 : vector<1x256x1xi32> to vector<256x1xi32>
    %swap3A_170 = vector.shape_cast %add3A_164 : vector<256x1xi32> to vector<1x256x1xi32>
    tpu.vector_store %arg4[%swap3A_165, %swap3A_166, %swap3A_167], %swap3A_170 {strides = array<i32>} : memref<1x256x16xi32, #tpu.memory_space<vmem>>, vector<1x256x1xi32>,
    %eq3A_171 = vector.broadcast %broadcast_in_dim3A_162 : vector<256x1xi32> to vector<256x4096xi32>
    %eq3A_172 = arith.cmpi eq, %iota3A, %eq3A_171 : vector<256x4096xi32>
    %jit3A_173 = arith.constant 0x7F800000 : f32
    %broadcast_in_dim3A_174 = vector.broadcast %jit3A_173 : f32 to vector<256x4096xf32>
    %select_n3A_175 = arith.select %eq3A_172, %broadcast_in_dim3A_174, %select_n3A_151 : vector<256x4096xi1>, vector<256x4096xf32>
    %reduce_min3A_176 = arith.constant dense<0x7F800000> : vector<256xf32>
    %reduce_min3A_177 = vector.multi_reduction <minimumf>, %select_n3A_175, %reduce_min3A_176 [1] : vector<256x4096xf32> to vector<256xf32>
    %broadcast_in_dim3A_178 = vector.shape_cast %reduce_min3A_177 : vector<256xf32> to vector<256x1xf32>
    %eq3A_179 = vector.broadcast %broadcast_in_dim3A_178 : vector<256x1xf32> to vector<256x4096xf32>
    %eq3A_180 = arith.cmpf oeq, %select_n3A_175, %eq3A_179 : vector<256x4096xf32>
    %jit3A_181 = arith.constant 4096 : i32
    %broadcast_in_dim3A_182 = vector.broadcast %jit3A_181 : i32 to vector<256x4096xi32>
    %select_n3A_183 = arith.select %eq3A_180, %iota3A, %broadcast_in_dim3A_182 : vector<256x4096xi1>, vector<256x4096xi32>
    %reduce_min3A_184 = arith.constant dense<2147483647> : vector<256xi32>
    %reduce_min3A_185 = vector.multi_reduction <minsi>, %select_n3A_183, %reduce_min3A_184 [1] : vector<256x4096xi32> to vector<256xi32>
    %broadcast_in_dim3A_186 = vector.shape_cast %reduce_min3A_185 : vector<256xi32> to vector<256x1xi32>
    %add3A_187 = vector.broadcast %mul3A_61 : i32 to vector<256x1xi32>
    %add3A_188 = arith.addi %broadcast_in_dim3A_186, %add3A_187 : vector<256x1xi32>
    %swap3A_189 = arith.constant 0 : index
    %swap3A_190 = arith.constant 0 : index
    %swap3A_191 = arith.constant 5 : index
    %swap3A_192 = vector.load %arg4[%swap3A_189, %swap3A_190, %swap3A_191] : memref<1x256x16xi32, #tpu.memory_space<vmem>>, vector<1x256x1xi32>
    %swap3A_193 = vector.shape_cast %swap3A_192 : vector<1x256x1xi32> to vector<256x1xi32>
    %swap3A_194 = vector.shape_cast %add3A_188 : vector<256x1xi32> to vector<1x256x1xi32>
    tpu.vector_store %arg4[%swap3A_189, %swap3A_190, %swap3A_191], %swap3A_194 {strides = array<i32>} : memref<1x256x16xi32, #tpu.memory_space<vmem>>, vector<1x256x1xi32>,
    %eq3A_195 = vector.broadcast %broadcast_in_dim3A_186 : vector<256x1xi32> to vector<256x4096xi32>
    %eq3A_196 = arith.cmpi eq, %iota3A, %eq3A_195 : vector<256x4096xi32>
    %jit3A_197 = arith.constant 0x7F800000 : f32
    %broadcast_in_dim3A_198 = vector.broadcast %jit3A_197 : f32 to vector<256x4096xf32>
    %select_n3A_199 = arith.select %eq3A_196, %broadcast_in_dim3A_198, %select_n3A_175 : vector<256x4096xi1>, vector<256x4096xf32>
    %reduce_min3A_200 = arith.constant dense<0x7F800000> : vector<256xf32>
    %reduce_min3A_201 = vector.multi_reduction <minimumf>, %select_n3A_199, %reduce_min3A_200 [1] : vector<256x4096xf32> to vector<256xf32>
    %broadcast_in_dim3A_202 = vector.shape_cast %reduce_min3A_201 : vector<256xf32> to vector<256x1xf32>
    %eq3A_203 = vector.broadcast %broadcast_in_dim3A_202 : vector<256x1xf32> to vector<256x4096xf32>
    %eq3A_204 = arith.cmpf oeq, %select_n3A_199, %eq3A_203 : vector<256x4096xf32>
    %jit3A_205 = arith.constant 4096 : i32
    %broadcast_in_dim3A_206 = vector.broadcast %jit3A_205 : i32 to vector<256x4096xi32>
    %select_n3A_207 = arith.select %eq3A_204, %iota3A, %broadcast_in_dim3A_206 : vector<256x4096xi1>, vector<256x4096xi32>
    %reduce_min3A_208 = arith.constant dense<2147483647> : vector<256xi32>
    %reduce_min3A_209 = vector.multi_reduction <minsi>, %select_n3A_207, %reduce_min3A_208 [1] : vector<256x4096xi32> to vector<256xi32>
    %broadcast_in_dim3A_210 = vector.shape_cast %reduce_min3A_209 : vector<256xi32> to vector<256x1xi32>
    %add3A_211 = vector.broadcast %mul3A_61 : i32 to vector<256x1xi32>
    %add3A_212 = arith.addi %broadcast_in_dim3A_210, %add3A_211 : vector<256x1xi32>
    %swap3A_213 = arith.constant 0 : index
    %swap3A_214 = arith.constant 0 : index
    %swap3A_215 = arith.constant 6 : index
    %swap3A_216 = vector.load %arg4[%swap3A_213, %swap3A_214, %swap3A_215] : memref<1x256x16xi32, #tpu.memory_space<vmem>>, vector<1x256x1xi32>
    %swap3A_217 = vector.shape_cast %swap3A_216 : vector<1x256x1xi32> to vector<256x1xi32>
    %swap3A_218 = vector.shape_cast %add3A_212 : vector<256x1xi32> to vector<1x256x1xi32>
    tpu.vector_store %arg4[%swap3A_213, %swap3A_214, %swap3A_215], %swap3A_218 {strides = array<i32>} : memref<1x256x16xi32, #tpu.memory_space<vmem>>, vector<1x256x1xi32>,
    %eq3A_219 = vector.broadcast %broadcast_in_dim3A_210 : vector<256x1xi32> to vector<256x4096xi32>
    %eq3A_220 = arith.cmpi eq, %iota3A, %eq3A_219 : vector<256x4096xi32>
    %jit3A_221 = arith.constant 0x7F800000 : f32
    %broadcast_in_dim3A_222 = vector.broadcast %jit3A_221 : f32 to vector<256x4096xf32>
    %select_n3A_223 = arith.select %eq3A_220, %broadcast_in_dim3A_222, %select_n3A_199 : vector<256x4096xi1>, vector<256x4096xf32>
    %reduce_min3A_224 = arith.constant dense<0x7F800000> : vector<256xf32>
    %reduce_min3A_225 = vector.multi_reduction <minimumf>, %select_n3A_223, %reduce_min3A_224 [1] : vector<256x4096xf32> to vector<256xf32>
    %broadcast_in_dim3A_226 = vector.shape_cast %reduce_min3A_225 : vector<256xf32> to vector<256x1xf32>
    %eq3A_227 = vector.broadcast %broadcast_in_dim3A_226 : vector<256x1xf32> to vector<256x4096xf32>
    %eq3A_228 = arith.cmpf oeq, %select_n3A_223, %eq3A_227 : vector<256x4096xf32>
    %jit3A_229 = arith.constant 4096 : i32
    %broadcast_in_dim3A_230 = vector.broadcast %jit3A_229 : i32 to vector<256x4096xi32>
    %select_n3A_231 = arith.select %eq3A_228, %iota3A, %broadcast_in_dim3A_230 : vector<256x4096xi1>, vector<256x4096xi32>
    %reduce_min3A_232 = arith.constant dense<2147483647> : vector<256xi32>
    %reduce_min3A_233 = vector.multi_reduction <minsi>, %select_n3A_231, %reduce_min3A_232 [1] : vector<256x4096xi32> to vector<256xi32>
    %broadcast_in_dim3A_234 = vector.shape_cast %reduce_min3A_233 : vector<256xi32> to vector<256x1xi32>
    %add3A_235 = vector.broadcast %mul3A_61 : i32 to vector<256x1xi32>
    %add3A_236 = arith.addi %broadcast_in_dim3A_234, %add3A_235 : vector<256x1xi32>
    %swap3A_237 = arith.constant 0 : index
    %swap3A_238 = arith.constant 0 : index
    %swap3A_239 = arith.constant 7 : index
    %swap3A_240 = vector.load %arg4[%swap3A_237, %swap3A_238, %swap3A_239] : memref<1x256x16xi32, #tpu.memory_space<vmem>>, vector<1x256x1xi32>
    %swap3A_241 = vector.shape_cast %swap3A_240 : vector<1x256x1xi32> to vector<256x1xi32>
    %swap3A_242 = vector.shape_cast %add3A_236 : vector<256x1xi32> to vector<1x256x1xi32>
    tpu.vector_store %arg4[%swap3A_237, %swap3A_238, %swap3A_239], %swap3A_242 {strides = array<i32>} : memref<1x256x16xi32, #tpu.memory_space<vmem>>, vector<1x256x1xi32>,
    %eq3A_243 = vector.broadcast %broadcast_in_dim3A_234 : vector<256x1xi32> to vector<256x4096xi32>
    %eq3A_244 = arith.cmpi eq, %iota3A, %eq3A_243 : vector<256x4096xi32>
    %jit3A_245 = arith.constant 0x7F800000 : f32
    %broadcast_in_dim3A_246 = vector.broadcast %jit3A_245 : f32 to vector<256x4096xf32>
    %select_n3A_247 = arith.select %eq3A_244, %broadcast_in_dim3A_246, %select_n3A_223 : vector<256x4096xi1>, vector<256x4096xf32>
    %reduce_min3A_248 = arith.constant dense<0x7F800000> : vector<256xf32>
    %reduce_min3A_249 = vector.multi_reduction <minimumf>, %select_n3A_247, %reduce_min3A_248 [1] : vector<256x4096xf32> to vector<256xf32>
    %broadcast_in_dim3A_250 = vector.shape_cast %reduce_min3A_249 : vector<256xf32> to vector<256x1xf32>
    %eq3A_251 = vector.broadcast %broadcast_in_dim3A_250 : vector<256x1xf32> to vector<256x4096xf32>
    %eq3A_252 = arith.cmpf oeq, %select_n3A_247, %eq3A_251 : vector<256x4096xf32>
    %jit3A_253 = arith.constant 4096 : i32
    %broadcast_in_dim3A_254 = vector.broadcast %jit3A_253 : i32 to vector<256x4096xi32>
    %select_n3A_255 = arith.select %eq3A_252, %iota3A, %broadcast_in_dim3A_254 : vector<256x4096xi1>, vector<256x4096xi32>
    %reduce_min3A_256 = arith.constant dense<2147483647> : vector<256xi32>
    %reduce_min3A_257 = vector.multi_reduction <minsi>, %select_n3A_255, %reduce_min3A_256 [1] : vector<256x4096xi32> to vector<256xi32>
    %broadcast_in_dim3A_258 = vector.shape_cast %reduce_min3A_257 : vector<256xi32> to vector<256x1xi32>
    %add3A_259 = vector.broadcast %mul3A_61 : i32 to vector<256x1xi32>
    %add3A_260 = arith.addi %broadcast_in_dim3A_258, %add3A_259 : vector<256x1xi32>
    %swap3A_261 = arith.constant 0 : index
    %swap3A_262 = arith.constant 0 : index
    %swap3A_263 = arith.constant 8 : index
    %swap3A_264 = vector.load %arg4[%swap3A_261, %swap3A_262, %swap3A_263] : memref<1x256x16xi32, #tpu.memory_space<vmem>>, vector<1x256x1xi32>
    %swap3A_265 = vector.shape_cast %swap3A_264 : vector<1x256x1xi32> to vector<256x1xi32>
    %swap3A_266 = vector.shape_cast %add3A_260 : vector<256x1xi32> to vector<1x256x1xi32>
    tpu.vector_store %arg4[%swap3A_261, %swap3A_262, %swap3A_263], %swap3A_266 {strides = array<i32>} : memref<1x256x16xi32, #tpu.memory_space<vmem>>, vector<1x256x1xi32>,
    %eq3A_267 = vector.broadcast %broadcast_in_dim3A_258 : vector<256x1xi32> to vector<256x4096xi32>
    %eq3A_268 = arith.cmpi eq, %iota3A, %eq3A_267 : vector<256x4096xi32>
    %jit3A_269 = arith.constant 0x7F800000 : f32
    %broadcast_in_dim3A_270 = vector.broadcast %jit3A_269 : f32 to vector<256x4096xf32>
    %select_n3A_271 = arith.select %eq3A_268, %broadcast_in_dim3A_270, %select_n3A_247 : vector<256x4096xi1>, vector<256x4096xf32>
    %reduce_min3A_272 = arith.constant dense<0x7F800000> : vector<256xf32>
    %reduce_min3A_273 = vector.multi_reduction <minimumf>, %select_n3A_271, %reduce_min3A_272 [1] : vector<256x4096xf32> to vector<256xf32>
    %broadcast_in_dim3A_274 = vector.shape_cast %reduce_min3A_273 : vector<256xf32> to vector<256x1xf32>
    %eq3A_275 = vector.broadcast %broadcast_in_dim3A_274 : vector<256x1xf32> to vector<256x4096xf32>
    %eq3A_276 = arith.cmpf oeq, %select_n3A_271, %eq3A_275 : vector<256x4096xf32>
    %jit3A_277 = arith.constant 4096 : i32
    %broadcast_in_dim3A_278 = vector.broadcast %jit3A_277 : i32 to vector<256x4096xi32>
    %select_n3A_279 = arith.select %eq3A_276, %iota3A, %broadcast_in_dim3A_278 : vector<256x4096xi1>, vector<256x4096xi32>
    %reduce_min3A_280 = arith.constant dense<2147483647> : vector<256xi32>
    %reduce_min3A_281 = vector.multi_reduction <minsi>, %select_n3A_279, %reduce_min3A_280 [1] : vector<256x4096xi32> to vector<256xi32>
    %broadcast_in_dim3A_282 = vector.shape_cast %reduce_min3A_281 : vector<256xi32> to vector<256x1xi32>
    %add3A_283 = vector.broadcast %mul3A_61 : i32 to vector<256x1xi32>
    %add3A_284 = arith.addi %broadcast_in_dim3A_282, %add3A_283 : vector<256x1xi32>
    %swap3A_285 = arith.constant 0 : index
    %swap3A_286 = arith.constant 0 : index
    %swap3A_287 = arith.constant 9 : index
    %swap3A_288 = vector.load %arg4[%swap3A_285, %swap3A_286, %swap3A_287] : memref<1x256x16xi32, #tpu.memory_space<vmem>>, vector<1x256x1xi32>
    %swap3A_289 = vector.shape_cast %swap3A_288 : vector<1x256x1xi32> to vector<256x1xi32>
    %swap3A_290 = vector.shape_cast %add3A_284 : vector<256x1xi32> to vector<1x256x1xi32>
    tpu.vector_store %arg4[%swap3A_285, %swap3A_286, %swap3A_287], %swap3A_290 {strides = array<i32>} : memref<1x256x16xi32, #tpu.memory_space<vmem>>, vector<1x256x1xi32>,
    %eq3A_291 = vector.broadcast %broadcast_in_dim3A_282 : vector<256x1xi32> to vector<256x4096xi32>
    %eq3A_292 = arith.cmpi eq, %iota3A, %eq3A_291 : vector<256x4096xi32>
    %jit3A_293 = arith.constant 0x7F800000 : f32
    %broadcast_in_dim3A_294 = vector.broadcast %jit3A_293 : f32 to vector<256x4096xf32>
    %select_n3A_295 = arith.select %eq3A_292, %broadcast_in_dim3A_294, %select_n3A_271 : vector<256x4096xi1>, vector<256x4096xf32>
    %reduce_min3A_296 = arith.constant dense<0x7F800000> : vector<256xf32>
    %reduce_min3A_297 = vector.multi_reduction <minimumf>, %select_n3A_295, %reduce_min3A_296 [1] : vector<256x4096xf32> to vector<256xf32>
    %broadcast_in_dim3A_298 = vector.shape_cast %reduce_min3A_297 : vector<256xf32> to vector<256x1xf32>
    %eq3A_299 = vector.broadcast %broadcast_in_dim3A_298 : vector<256x1xf32> to vector<256x4096xf32>
    %eq3A_300 = arith.cmpf oeq, %select_n3A_295, %eq3A_299 : vector<256x4096xf32>
    %jit3A_301 = arith.constant 4096 : i32
    %broadcast_in_dim3A_302 = vector.broadcast %jit3A_301 : i32 to vector<256x4096xi32>
    %select_n3A_303 = arith.select %eq3A_300, %iota3A, %broadcast_in_dim3A_302 : vector<256x4096xi1>, vector<256x4096xi32>
    %reduce_min3A_304 = arith.constant dense<2147483647> : vector<256xi32>
    %reduce_min3A_305 = vector.multi_reduction <minsi>, %select_n3A_303, %reduce_min3A_304 [1] : vector<256x4096xi32> to vector<256xi32>
    %broadcast_in_dim3A_306 = vector.shape_cast %reduce_min3A_305 : vector<256xi32> to vector<256x1xi32>
    %add3A_307 = vector.broadcast %mul3A_61 : i32 to vector<256x1xi32>
    %add3A_308 = arith.addi %broadcast_in_dim3A_306, %add3A_307 : vector<256x1xi32>
    %swap3A_309 = arith.constant 0 : index
    %swap3A_310 = arith.constant 0 : index
    %swap3A_311 = arith.constant 10 : index
    %swap3A_312 = vector.load %arg4[%swap3A_309, %swap3A_310, %swap3A_311] : memref<1x256x16xi32, #tpu.memory_space<vmem>>, vector<1x256x1xi32>
    %swap3A_313 = vector.shape_cast %swap3A_312 : vector<1x256x1xi32> to vector<256x1xi32>
    %swap3A_314 = vector.shape_cast %add3A_308 : vector<256x1xi32> to vector<1x256x1xi32>
    tpu.vector_store %arg4[%swap3A_309, %swap3A_310, %swap3A_311], %swap3A_314 {strides = array<i32>} : memref<1x256x16xi32, #tpu.memory_space<vmem>>, vector<1x256x1xi32>,
    %eq3A_315 = vector.broadcast %broadcast_in_dim3A_306 : vector<256x1xi32> to vector<256x4096xi32>
    %eq3A_316 = arith.cmpi eq, %iota3A, %eq3A_315 : vector<256x4096xi32>
    %jit3A_317 = arith.constant 0x7F800000 : f32
    %broadcast_in_dim3A_318 = vector.broadcast %jit3A_317 : f32 to vector<256x4096xf32>
    %select_n3A_319 = arith.select %eq3A_316, %broadcast_in_dim3A_318, %select_n3A_295 : vector<256x4096xi1>, vector<256x4096xf32>
    %reduce_min3A_320 = arith.constant dense<0x7F800000> : vector<256xf32>
    %reduce_min3A_321 = vector.multi_reduction <minimumf>, %select_n3A_319, %reduce_min3A_320 [1] : vector<256x4096xf32> to vector<256xf32>
    %broadcast_in_dim3A_322 = vector.shape_cast %reduce_min3A_321 : vector<256xf32> to vector<256x1xf32>
    %eq3A_323 = vector.broadcast %broadcast_in_dim3A_322 : vector<256x1xf32> to vector<256x4096xf32>
    %eq3A_324 = arith.cmpf oeq, %select_n3A_319, %eq3A_323 : vector<256x4096xf32>
    %jit3A_325 = arith.constant 4096 : i32
    %broadcast_in_dim3A_326 = vector.broadcast %jit3A_325 : i32 to vector<256x4096xi32>
    %select_n3A_327 = arith.select %eq3A_324, %iota3A, %broadcast_in_dim3A_326 : vector<256x4096xi1>, vector<256x4096xi32>
    %reduce_min3A_328 = arith.constant dense<2147483647> : vector<256xi32>
    %reduce_min3A_329 = vector.multi_reduction <minsi>, %select_n3A_327, %reduce_min3A_328 [1] : vector<256x4096xi32> to vector<256xi32>
    %broadcast_in_dim3A_330 = vector.shape_cast %reduce_min3A_329 : vector<256xi32> to vector<256x1xi32>
    %add3A_331 = vector.broadcast %mul3A_61 : i32 to vector<256x1xi32>
    %add3A_332 = arith.addi %broadcast_in_dim3A_330, %add3A_331 : vector<256x1xi32>
    %swap3A_333 = arith.constant 0 : index
    %swap3A_334 = arith.constant 0 : index
    %swap3A_335 = arith.constant 11 : index
    %swap3A_336 = vector.load %arg4[%swap3A_333, %swap3A_334, %swap3A_335] : memref<1x256x16xi32, #tpu.memory_space<vmem>>, vector<1x256x1xi32>
    %swap3A_337 = vector.shape_cast %swap3A_336 : vector<1x256x1xi32> to vector<256x1xi32>
    %swap3A_338 = vector.shape_cast %add3A_332 : vector<256x1xi32> to vector<1x256x1xi32>
    tpu.vector_store %arg4[%swap3A_333, %swap3A_334, %swap3A_335], %swap3A_338 {strides = array<i32>} : memref<1x256x16xi32, #tpu.memory_space<vmem>>, vector<1x256x1xi32>,
    %eq3A_339 = vector.broadcast %broadcast_in_dim3A_330 : vector<256x1xi32> to vector<256x4096xi32>
    %eq3A_340 = arith.cmpi eq, %iota3A, %eq3A_339 : vector<256x4096xi32>
    %jit3A_341 = arith.constant 0x7F800000 : f32
    %broadcast_in_dim3A_342 = vector.broadcast %jit3A_341 : f32 to vector<256x4096xf32>
    %select_n3A_343 = arith.select %eq3A_340, %broadcast_in_dim3A_342, %select_n3A_319 : vector<256x4096xi1>, vector<256x4096xf32>
    %reduce_min3A_344 = arith.constant dense<0x7F800000> : vector<256xf32>
    %reduce_min3A_345 = vector.multi_reduction <minimumf>, %select_n3A_343, %reduce_min3A_344 [1] : vector<256x4096xf32> to vector<256xf32>
    %broadcast_in_dim3A_346 = vector.shape_cast %reduce_min3A_345 : vector<256xf32> to vector<256x1xf32>
    %eq3A_347 = vector.broadcast %broadcast_in_dim3A_346 : vector<256x1xf32> to vector<256x4096xf32>
    %eq3A_348 = arith.cmpf oeq, %select_n3A_343, %eq3A_347 : vector<256x4096xf32>
    %jit3A_349 = arith.constant 4096 : i32
    %broadcast_in_dim3A_350 = vector.broadcast %jit3A_349 : i32 to vector<256x4096xi32>
    %select_n3A_351 = arith.select %eq3A_348, %iota3A, %broadcast_in_dim3A_350 : vector<256x4096xi1>, vector<256x4096xi32>
    %reduce_min3A_352 = arith.constant dense<2147483647> : vector<256xi32>
    %reduce_min3A_353 = vector.multi_reduction <minsi>, %select_n3A_351, %reduce_min3A_352 [1] : vector<256x4096xi32> to vector<256xi32>
    %broadcast_in_dim3A_354 = vector.shape_cast %reduce_min3A_353 : vector<256xi32> to vector<256x1xi32>
    %add3A_355 = vector.broadcast %mul3A_61 : i32 to vector<256x1xi32>
    %add3A_356 = arith.addi %broadcast_in_dim3A_354, %add3A_355 : vector<256x1xi32>
    %swap3A_357 = arith.constant 0 : index
    %swap3A_358 = arith.constant 0 : index
    %swap3A_359 = arith.constant 12 : index
    %swap3A_360 = vector.load %arg4[%swap3A_357, %swap3A_358, %swap3A_359] : memref<1x256x16xi32, #tpu.memory_space<vmem>>, vector<1x256x1xi32>
    %swap3A_361 = vector.shape_cast %swap3A_360 : vector<1x256x1xi32> to vector<256x1xi32>
    %swap3A_362 = vector.shape_cast %add3A_356 : vector<256x1xi32> to vector<1x256x1xi32>
    tpu.vector_store %arg4[%swap3A_357, %swap3A_358, %swap3A_359], %swap3A_362 {strides = array<i32>} : memref<1x256x16xi32, #tpu.memory_space<vmem>>, vector<1x256x1xi32>,
    %eq3A_363 = vector.broadcast %broadcast_in_dim3A_354 : vector<256x1xi32> to vector<256x4096xi32>
    %eq3A_364 = arith.cmpi eq, %iota3A, %eq3A_363 : vector<256x4096xi32>
    %jit3A_365 = arith.constant 0x7F800000 : f32
    %broadcast_in_dim3A_366 = vector.broadcast %jit3A_365 : f32 to vector<256x4096xf32>
    %select_n3A_367 = arith.select %eq3A_364, %broadcast_in_dim3A_366, %select_n3A_343 : vector<256x4096xi1>, vector<256x4096xf32>
    %reduce_min3A_368 = arith.constant dense<0x7F800000> : vector<256xf32>
    %reduce_min3A_369 = vector.multi_reduction <minimumf>, %select_n3A_367, %reduce_min3A_368 [1] : vector<256x4096xf32> to vector<256xf32>
    %broadcast_in_dim3A_370 = vector.shape_cast %reduce_min3A_369 : vector<256xf32> to vector<256x1xf32>
    %eq3A_371 = vector.broadcast %broadcast_in_dim3A_370 : vector<256x1xf32> to vector<256x4096xf32>
    %eq3A_372 = arith.cmpf oeq, %select_n3A_367, %eq3A_371 : vector<256x4096xf32>
    %jit3A_373 = arith.constant 4096 : i32
    %broadcast_in_dim3A_374 = vector.broadcast %jit3A_373 : i32 to vector<256x4096xi32>
    %select_n3A_375 = arith.select %eq3A_372, %iota3A, %broadcast_in_dim3A_374 : vector<256x4096xi1>, vector<256x4096xi32>
    %reduce_min3A_376 = arith.constant dense<2147483647> : vector<256xi32>
    %reduce_min3A_377 = vector.multi_reduction <minsi>, %select_n3A_375, %reduce_min3A_376 [1] : vector<256x4096xi32> to vector<256xi32>
    %broadcast_in_dim3A_378 = vector.shape_cast %reduce_min3A_377 : vector<256xi32> to vector<256x1xi32>
    %add3A_379 = vector.broadcast %mul3A_61 : i32 to vector<256x1xi32>
    %add3A_380 = arith.addi %broadcast_in_dim3A_378, %add3A_379 : vector<256x1xi32>
    %swap3A_381 = arith.constant 0 : index
    %swap3A_382 = arith.constant 0 : index
    %swap3A_383 = arith.constant 13 : index
    %swap3A_384 = vector.load %arg4[%swap3A_381, %swap3A_382, %swap3A_383] : memref<1x256x16xi32, #tpu.memory_space<vmem>>, vector<1x256x1xi32>
    %swap3A_385 = vector.shape_cast %swap3A_384 : vector<1x256x1xi32> to vector<256x1xi32>
    %swap3A_386 = vector.shape_cast %add3A_380 : vector<256x1xi32> to vector<1x256x1xi32>
    tpu.vector_store %arg4[%swap3A_381, %swap3A_382, %swap3A_383], %swap3A_386 {strides = array<i32>} : memref<1x256x16xi32, #tpu.memory_space<vmem>>, vector<1x256x1xi32>,
    %eq3A_387 = vector.broadcast %broadcast_in_dim3A_378 : vector<256x1xi32> to vector<256x4096xi32>
    %eq3A_388 = arith.cmpi eq, %iota3A, %eq3A_387 : vector<256x4096xi32>
    %jit3A_389 = arith.constant 0x7F800000 : f32
    %broadcast_in_dim3A_390 = vector.broadcast %jit3A_389 : f32 to vector<256x4096xf32>
    %select_n3A_391 = arith.select %eq3A_388, %broadcast_in_dim3A_390, %select_n3A_367 : vector<256x4096xi1>, vector<256x4096xf32>
    %reduce_min3A_392 = arith.constant dense<0x7F800000> : vector<256xf32>
    %reduce_min3A_393 = vector.multi_reduction <minimumf>, %select_n3A_391, %reduce_min3A_392 [1] : vector<256x4096xf32> to vector<256xf32>
    %broadcast_in_dim3A_394 = vector.shape_cast %reduce_min3A_393 : vector<256xf32> to vector<256x1xf32>
    %eq3A_395 = vector.broadcast %broadcast_in_dim3A_394 : vector<256x1xf32> to vector<256x4096xf32>
    %eq3A_396 = arith.cmpf oeq, %select_n3A_391, %eq3A_395 : vector<256x4096xf32>
    %jit3A_397 = arith.constant 4096 : i32
    %broadcast_in_dim3A_398 = vector.broadcast %jit3A_397 : i32 to vector<256x4096xi32>
    %select_n3A_399 = arith.select %eq3A_396, %iota3A, %broadcast_in_dim3A_398 : vector<256x4096xi1>, vector<256x4096xi32>
    %reduce_min3A_400 = arith.constant dense<2147483647> : vector<256xi32>
    %reduce_min3A_401 = vector.multi_reduction <minsi>, %select_n3A_399, %reduce_min3A_400 [1] : vector<256x4096xi32> to vector<256xi32>
    %broadcast_in_dim3A_402 = vector.shape_cast %reduce_min3A_401 : vector<256xi32> to vector<256x1xi32>
    %add3A_403 = vector.broadcast %mul3A_61 : i32 to vector<256x1xi32>
    %add3A_404 = arith.addi %broadcast_in_dim3A_402, %add3A_403 : vector<256x1xi32>
    %swap3A_405 = arith.constant 0 : index
    %swap3A_406 = arith.constant 0 : index
    %swap3A_407 = arith.constant 14 : index
    %swap3A_408 = vector.load %arg4[%swap3A_405, %swap3A_406, %swap3A_407] : memref<1x256x16xi32, #tpu.memory_space<vmem>>, vector<1x256x1xi32>
    %swap3A_409 = vector.shape_cast %swap3A_408 : vector<1x256x1xi32> to vector<256x1xi32>
    %swap3A_410 = vector.shape_cast %add3A_404 : vector<256x1xi32> to vector<1x256x1xi32>
    tpu.vector_store %arg4[%swap3A_405, %swap3A_406, %swap3A_407], %swap3A_410 {strides = array<i32>} : memref<1x256x16xi32, #tpu.memory_space<vmem>>, vector<1x256x1xi32>,
    %eq3A_411 = vector.broadcast %broadcast_in_dim3A_402 : vector<256x1xi32> to vector<256x4096xi32>
    %eq3A_412 = arith.cmpi eq, %iota3A, %eq3A_411 : vector<256x4096xi32>
    %jit3A_413 = arith.constant 0x7F800000 : f32
    %broadcast_in_dim3A_414 = vector.broadcast %jit3A_413 : f32 to vector<256x4096xf32>
    %select_n3A_415 = arith.select %eq3A_412, %broadcast_in_dim3A_414, %select_n3A_391 : vector<256x4096xi1>, vector<256x4096xf32>
    %reduce_min3A_416 = arith.constant dense<0x7F800000> : vector<256xf32>
    %reduce_min3A_417 = vector.multi_reduction <minimumf>, %select_n3A_415, %reduce_min3A_416 [1] : vector<256x4096xf32> to vector<256xf32>
    %broadcast_in_dim3A_418 = vector.shape_cast %reduce_min3A_417 : vector<256xf32> to vector<256x1xf32>
    %eq3A_419 = vector.broadcast %broadcast_in_dim3A_418 : vector<256x1xf32> to vector<256x4096xf32>
    %eq3A_420 = arith.cmpf oeq, %select_n3A_415, %eq3A_419 : vector<256x4096xf32>
    %jit3A_421 = arith.constant 4096 : i32
    %broadcast_in_dim3A_422 = vector.broadcast %jit3A_421 : i32 to vector<256x4096xi32>
    %select_n3A_423 = arith.select %eq3A_420, %iota3A, %broadcast_in_dim3A_422 : vector<256x4096xi1>, vector<256x4096xi32>
    %reduce_min3A_424 = arith.constant dense<2147483647> : vector<256xi32>
    %reduce_min3A_425 = vector.multi_reduction <minsi>, %select_n3A_423, %reduce_min3A_424 [1] : vector<256x4096xi32> to vector<256xi32>
    %broadcast_in_dim3A_426 = vector.shape_cast %reduce_min3A_425 : vector<256xi32> to vector<256x1xi32>
    %add3A_427 = vector.broadcast %mul3A_61 : i32 to vector<256x1xi32>
    %add3A_428 = arith.addi %broadcast_in_dim3A_426, %add3A_427 : vector<256x1xi32>
    %swap3A_429 = arith.constant 0 : index
    %swap3A_430 = arith.constant 0 : index
    %swap3A_431 = arith.constant 15 : index
    %swap3A_432 = vector.load %arg4[%swap3A_429, %swap3A_430, %swap3A_431] : memref<1x256x16xi32, #tpu.memory_space<vmem>>, vector<1x256x1xi32>
    %swap3A_433 = vector.shape_cast %swap3A_432 : vector<1x256x1xi32> to vector<256x1xi32>
    %swap3A_434 = vector.shape_cast %add3A_428 : vector<256x1xi32> to vector<1x256x1xi32>
    tpu.vector_store %arg4[%swap3A_429, %swap3A_430, %swap3A_431], %swap3A_434 {strides = array<i32>} : memref<1x256x16xi32, #tpu.memory_space<vmem>>, vector<1x256x1xi32>,
    return
  }
  func.func @transform_0(%arg0: i32, %arg1: i32) -> (i32, i32, i32) {
    %c0_i32 = arith.constant 0 : i32
    %c0_i32_0 = arith.constant 0 : i32
    return %arg0, %arg1, %c0_i32 : i32, i32, i32
  }
  func.func @transform_1(%arg0: i32, %arg1: i32) -> (i32, i32, i32) {
    %c0_i32 = arith.constant 0 : i32
    %c0_i32_0 = arith.constant 0 : i32
    %c0_i32_1 = arith.constant 0 : i32
    return %arg0, %c0_i32, %c0_i32_0 : i32, i32, i32
  }
  func.func @transform_2(%arg0: i32, %arg1: i32) -> (i32, i32, i32) {
    %c0_i32 = arith.constant 0 : i32
    %c0_i32_0 = arith.constant 0 : i32
    return %arg0, %arg1, %c0_i32 : i32, i32, i32
  }
}

module attributes {stable_mosaic.version = 14 : i64} {
  func.func @_prep_body(%arg0: i32, %arg1: i32, %arg2: memref<1x1024x64xf32, #tpu.memory_space<vmem>>, %arg3: memref<1x1024x64xf32, #tpu.memory_space<vmem>>, %arg4: memref<1x1024x3xf32, #tpu.memory_space<vmem>>, %arg5: memref<1x1024x3xf32, #tpu.memory_space<vmem>>, %arg6: memref<64x128xf32, #tpu.memory_space<vmem>>, %arg7: memref<64x128xf32, #tpu.memory_space<vmem>>, %arg8: memref<3x128xf32, #tpu.memory_space<vmem>>, %arg9: memref<1x128xf32, #tpu.memory_space<vmem>>, %arg10: memref<1x1024x128xf32, #tpu.memory_space<vmem>>, %arg11: memref<1x1024x128xf32, #tpu.memory_space<vmem>>) attributes {dimension_semantics = [#tpu.dimension_semantics<arbitrary>, #tpu.dimension_semantics<arbitrary>], iteration_bounds = array<i64: 2, 4>, scalar_prefetch = 0 : i64, scratch_operands = 0 : i64, tpu.core_type = #tpu.core_type<tc>, window_params = [{transform_indices = @transform_0, window_bounds = array<i64: 1, 1024, 64>}, {transform_indices = @transform_1, window_bounds = array<i64: 1, 1024, 64>}, {transform_indices = @transform_2, window_bounds = array<i64: 1, 1024, 3>}, {transform_indices = @transform_3, window_bounds = array<i64: 1, 1024, 3>}, {pipeline_mode = #tpu.pipeline_mode<synchronous>, transform_indices = @transform_4, window_bounds = array<i64: 64, 128>}, {pipeline_mode = #tpu.pipeline_mode<synchronous>, transform_indices = @transform_5, window_bounds = array<i64: 64, 128>}, {pipeline_mode = #tpu.pipeline_mode<synchronous>, transform_indices = @transform_6, window_bounds = array<i64: 3, 128>}, {pipeline_mode = #tpu.pipeline_mode<synchronous>, transform_indices = @transform_7, window_bounds = array<i64: 1, 128>}, {transform_indices = @transform_8, window_bounds = array<i64: 1, 1024, 128>}, {transform_indices = @transform_9, window_bounds = array<i64: 1, 1024, 128>}]} {
    %get3A = arith.constant 0 : index
    %get3A_0 = arith.constant 0 : index
    %get3A_1 = vector.load %arg8[%get3A, %get3A_0] : memref<3x128xf32, #tpu.memory_space<vmem>>, vector<3x128xf32>
    %convert_element_type3A = arith.truncf %get3A_1 : vector<3x128xf32> to vector<3x128xbf16>
    %convert_element_type3A_2 = arith.extf %convert_element_type3A : vector<3x128xbf16> to vector<3x128xf32>
    %get3A_3 = arith.constant 0 : index
    %get3A_4 = arith.constant 0 : index
    %get3A_5 = arith.constant 0 : index
    %get3A_6 = vector.load %arg2[%get3A_3, %get3A_4, %get3A_5] : memref<1x1024x64xf32, #tpu.memory_space<vmem>>, vector<1x1024x64xf32>
    %get3A_7 = vector.shape_cast %get3A_6 : vector<1x1024x64xf32> to vector<1024x64xf32>
    %get3A_8 = arith.constant 0 : index
    %get3A_9 = arith.constant 0 : index
    %get3A_10 = vector.load %arg6[%get3A_8, %get3A_9] : memref<64x128xf32, #tpu.memory_space<vmem>>, vector<64x128xf32>
    %convert_element_type3A_11 = arith.truncf %get3A_7 : vector<1024x64xf32> to vector<1024x64xbf16>
    %convert_element_type3A_12 = arith.truncf %get3A_10 : vector<64x128xf32> to vector<64x128xbf16>
    %dot_general3A = arith.constant dense<0.000000e+00> : vector<1024x128xf32>
    %dot_general3A_13 = tpu.matmul %convert_element_type3A_11, %convert_element_type3A_12, %dot_general3A {dimension_numbers = #tpu.dot_dimension_numbers<[1], [0], [0], [1], [0, 0, 1, 1], [], []>, transpose_lhs_hint = false} : vector<1024x64xbf16>, vector<64x128xbf16>, vector<1024x128xf32> -> vector<1024x128xf32>
    %get3A_14 = arith.constant 0 : index
    %get3A_15 = arith.constant 0 : index
    %get3A_16 = arith.constant 0 : index
    %get3A_17 = vector.load %arg4[%get3A_14, %get3A_15, %get3A_16] : memref<1x1024x3xf32, #tpu.memory_space<vmem>>, vector<1x1024x3xf32>
    %get3A_18 = vector.shape_cast %get3A_17 : vector<1x1024x3xf32> to vector<1024x3xf32>
    %convert_element_type3A_19 = arith.truncf %get3A_18 : vector<1024x3xf32> to vector<1024x3xbf16>
    %convert_element_type3A_20 = arith.extf %convert_element_type3A_19 : vector<1024x3xbf16> to vector<1024x3xf32>
    %slice3A = vector.extract_strided_slice %convert_element_type3A_20 {offsets = [0, 0], sizes = [1024, 1], strides = [1, 1]} : vector<1024x3xf32> to vector<1024x1xf32>
    %slice3A_21 = vector.extract_strided_slice %convert_element_type3A_2 {offsets = [0, 0], sizes = [1, 128], strides = [1, 1]} : vector<3x128xf32> to vector<1x128xf32>
    %mul3A = vector.broadcast %slice3A : vector<1024x1xf32> to vector<1024x128xf32>
    %mul3A_22 = vector.broadcast %slice3A_21 : vector<1x128xf32> to vector<1024x128xf32>
    %mul3A_23 = arith.mulf %mul3A, %mul3A_22 : vector<1024x128xf32>
    %slice3A_24 = vector.extract_strided_slice %convert_element_type3A_20 {offsets = [0, 1], sizes = [1024, 1], strides = [1, 1]} : vector<1024x3xf32> to vector<1024x1xf32>
    %slice3A_25 = vector.extract_strided_slice %convert_element_type3A_2 {offsets = [1, 0], sizes = [1, 128], strides = [1, 1]} : vector<3x128xf32> to vector<1x128xf32>
    %mul3A_26 = vector.broadcast %slice3A_24 : vector<1024x1xf32> to vector<1024x128xf32>
    %mul3A_27 = vector.broadcast %slice3A_25 : vector<1x128xf32> to vector<1024x128xf32>
    %mul3A_28 = arith.mulf %mul3A_26, %mul3A_27 : vector<1024x128xf32>
    %add3A = arith.addf %mul3A_23, %mul3A_28 : vector<1024x128xf32>
    %slice3A_29 = vector.extract_strided_slice %convert_element_type3A_20 {offsets = [0, 2], sizes = [1024, 1], strides = [1, 1]} : vector<1024x3xf32> to vector<1024x1xf32>
    %slice3A_30 = vector.extract_strided_slice %convert_element_type3A_2 {offsets = [2, 0], sizes = [1, 128], strides = [1, 1]} : vector<3x128xf32> to vector<1x128xf32>
    %mul3A_31 = vector.broadcast %slice3A_29 : vector<1024x1xf32> to vector<1024x128xf32>
    %mul3A_32 = vector.broadcast %slice3A_30 : vector<1x128xf32> to vector<1024x128xf32>
    %mul3A_33 = arith.mulf %mul3A_31, %mul3A_32 : vector<1024x128xf32>
    %add3A_34 = arith.addf %add3A, %mul3A_33 : vector<1024x128xf32>
    %sub3A = arith.subf %dot_general3A_13, %add3A_34 : vector<1024x128xf32>
    %get3A_35 = arith.constant 0 : index
    %get3A_36 = arith.constant 0 : index
    %get3A_37 = vector.load %arg9[%get3A_35, %get3A_36] : memref<1x128xf32, #tpu.memory_space<vmem>>, vector<1x128xf32>
    %add3A_38 = vector.broadcast %get3A_37 : vector<1x128xf32> to vector<1024x128xf32>
    %add3A_39 = arith.addf %sub3A, %add3A_38 : vector<1024x128xf32>
    %get3A_40 = arith.constant 0 : index
    %get3A_41 = arith.constant 0 : index
    %get3A_42 = arith.constant 0 : index
    %get3A_43 = vector.load %arg3[%get3A_40, %get3A_41, %get3A_42] : memref<1x1024x64xf32, #tpu.memory_space<vmem>>, vector<1x1024x64xf32>
    %get3A_44 = vector.shape_cast %get3A_43 : vector<1x1024x64xf32> to vector<1024x64xf32>
    %get3A_45 = arith.constant 0 : index
    %get3A_46 = arith.constant 0 : index
    %get3A_47 = vector.load %arg7[%get3A_45, %get3A_46] : memref<64x128xf32, #tpu.memory_space<vmem>>, vector<64x128xf32>
    %convert_element_type3A_48 = arith.truncf %get3A_44 : vector<1024x64xf32> to vector<1024x64xbf16>
    %convert_element_type3A_49 = arith.truncf %get3A_47 : vector<64x128xf32> to vector<64x128xbf16>
    %dot_general3A_50 = arith.constant dense<0.000000e+00> : vector<1024x128xf32>
    %dot_general3A_51 = tpu.matmul %convert_element_type3A_48, %convert_element_type3A_49, %dot_general3A_50 {dimension_numbers = #tpu.dot_dimension_numbers<[1], [0], [0], [1], [0, 0, 1, 1], [], []>, transpose_lhs_hint = false} : vector<1024x64xbf16>, vector<64x128xbf16>, vector<1024x128xf32> -> vector<1024x128xf32>
    %get3A_52 = arith.constant 0 : index
    %get3A_53 = arith.constant 0 : index
    %get3A_54 = arith.constant 0 : index
    %get3A_55 = vector.load %arg5[%get3A_52, %get3A_53, %get3A_54] : memref<1x1024x3xf32, #tpu.memory_space<vmem>>, vector<1x1024x3xf32>
    %get3A_56 = vector.shape_cast %get3A_55 : vector<1x1024x3xf32> to vector<1024x3xf32>
    %convert_element_type3A_57 = arith.truncf %get3A_56 : vector<1024x3xf32> to vector<1024x3xbf16>
    %convert_element_type3A_58 = arith.extf %convert_element_type3A_57 : vector<1024x3xbf16> to vector<1024x3xf32>
    %slice3A_59 = vector.extract_strided_slice %convert_element_type3A_58 {offsets = [0, 0], sizes = [1024, 1], strides = [1, 1]} : vector<1024x3xf32> to vector<1024x1xf32>
    %slice3A_60 = vector.extract_strided_slice %convert_element_type3A_2 {offsets = [0, 0], sizes = [1, 128], strides = [1, 1]} : vector<3x128xf32> to vector<1x128xf32>
    %mul3A_61 = vector.broadcast %slice3A_59 : vector<1024x1xf32> to vector<1024x128xf32>
    %mul3A_62 = vector.broadcast %slice3A_60 : vector<1x128xf32> to vector<1024x128xf32>
    %mul3A_63 = arith.mulf %mul3A_61, %mul3A_62 : vector<1024x128xf32>
    %slice3A_64 = vector.extract_strided_slice %convert_element_type3A_58 {offsets = [0, 1], sizes = [1024, 1], strides = [1, 1]} : vector<1024x3xf32> to vector<1024x1xf32>
    %slice3A_65 = vector.extract_strided_slice %convert_element_type3A_2 {offsets = [1, 0], sizes = [1, 128], strides = [1, 1]} : vector<3x128xf32> to vector<1x128xf32>
    %mul3A_66 = vector.broadcast %slice3A_64 : vector<1024x1xf32> to vector<1024x128xf32>
    %mul3A_67 = vector.broadcast %slice3A_65 : vector<1x128xf32> to vector<1024x128xf32>
    %mul3A_68 = arith.mulf %mul3A_66, %mul3A_67 : vector<1024x128xf32>
    %add3A_69 = arith.addf %mul3A_63, %mul3A_68 : vector<1024x128xf32>
    %slice3A_70 = vector.extract_strided_slice %convert_element_type3A_58 {offsets = [0, 2], sizes = [1024, 1], strides = [1, 1]} : vector<1024x3xf32> to vector<1024x1xf32>
    %slice3A_71 = vector.extract_strided_slice %convert_element_type3A_2 {offsets = [2, 0], sizes = [1, 128], strides = [1, 1]} : vector<3x128xf32> to vector<1x128xf32>
    %mul3A_72 = vector.broadcast %slice3A_70 : vector<1024x1xf32> to vector<1024x128xf32>
    %mul3A_73 = vector.broadcast %slice3A_71 : vector<1x128xf32> to vector<1024x128xf32>
    %mul3A_74 = arith.mulf %mul3A_72, %mul3A_73 : vector<1024x128xf32>
    %add3A_75 = arith.addf %add3A_69, %mul3A_74 : vector<1024x128xf32>
    %add3A_76 = arith.addf %dot_general3A_51, %add3A_75 : vector<1024x128xf32>
    %swap3A = arith.constant 0 : index
    %swap3A_77 = arith.constant 0 : index
    %swap3A_78 = arith.constant 0 : index
    %swap3A_79 = vector.load %arg10[%swap3A, %swap3A_77, %swap3A_78] : memref<1x1024x128xf32, #tpu.memory_space<vmem>>, vector<1x1024x128xf32>
    %swap3A_80 = vector.shape_cast %swap3A_79 : vector<1x1024x128xf32> to vector<1024x128xf32>
    %swap3A_81 = vector.shape_cast %add3A_39 : vector<1024x128xf32> to vector<1x1024x128xf32>
    tpu.vector_store %arg10[%swap3A, %swap3A_77, %swap3A_78], %swap3A_81 {strides = array<i32>} : memref<1x1024x128xf32, #tpu.memory_space<vmem>>, vector<1x1024x128xf32>,
    %swap3A_82 = arith.constant 0 : index
    %swap3A_83 = arith.constant 0 : index
    %swap3A_84 = arith.constant 0 : index
    %swap3A_85 = vector.load %arg11[%swap3A_82, %swap3A_83, %swap3A_84] : memref<1x1024x128xf32, #tpu.memory_space<vmem>>, vector<1x1024x128xf32>
    %swap3A_86 = vector.shape_cast %swap3A_85 : vector<1x1024x128xf32> to vector<1024x128xf32>
    %swap3A_87 = vector.shape_cast %add3A_76 : vector<1024x128xf32> to vector<1x1024x128xf32>
    tpu.vector_store %arg11[%swap3A_82, %swap3A_83, %swap3A_84], %swap3A_87 {strides = array<i32>} : memref<1x1024x128xf32, #tpu.memory_space<vmem>>, vector<1x1024x128xf32>,
    return
  }
  func.func @transform_0(%arg0: i32, %arg1: i32) -> (i32, i32, i32) {
    %c0_i32 = arith.constant 0 : i32
    %c0_i32_0 = arith.constant 0 : i32
    return %arg0, %arg1, %c0_i32 : i32, i32, i32
  }
  func.func @transform_1(%arg0: i32, %arg1: i32) -> (i32, i32, i32) {
    %c0_i32 = arith.constant 0 : i32
    %c0_i32_0 = arith.constant 0 : i32
    return %arg0, %arg1, %c0_i32 : i32, i32, i32
  }
  func.func @transform_2(%arg0: i32, %arg1: i32) -> (i32, i32, i32) {
    %c0_i32 = arith.constant 0 : i32
    %c0_i32_0 = arith.constant 0 : i32
    return %arg0, %arg1, %c0_i32 : i32, i32, i32
  }
  func.func @transform_3(%arg0: i32, %arg1: i32) -> (i32, i32, i32) {
    %c0_i32 = arith.constant 0 : i32
    %c0_i32_0 = arith.constant 0 : i32
    return %arg0, %arg1, %c0_i32 : i32, i32, i32
  }
  func.func @transform_4(%arg0: i32, %arg1: i32) -> (i32, i32) {
    %c0_i32 = arith.constant 0 : i32
    %c0_i32_0 = arith.constant 0 : i32
    %c0_i32_1 = arith.constant 0 : i32
    return %c0_i32, %c0_i32_0 : i32, i32
  }
  func.func @transform_5(%arg0: i32, %arg1: i32) -> (i32, i32) {
    %c0_i32 = arith.constant 0 : i32
    %c0_i32_0 = arith.constant 0 : i32
    %c0_i32_1 = arith.constant 0 : i32
    return %c0_i32, %c0_i32_0 : i32, i32
  }
  func.func @transform_6(%arg0: i32, %arg1: i32) -> (i32, i32) {
    %c0_i32 = arith.constant 0 : i32
    %c0_i32_0 = arith.constant 0 : i32
    %c0_i32_1 = arith.constant 0 : i32
    return %c0_i32, %c0_i32_0 : i32, i32
  }
  func.func @transform_7(%arg0: i32, %arg1: i32) -> (i32, i32) {
    %c0_i32 = arith.constant 0 : i32
    %c0_i32_0 = arith.constant 0 : i32
    %c0_i32_1 = arith.constant 0 : i32
    return %c0_i32, %c0_i32_0 : i32, i32
  }
  func.func @transform_8(%arg0: i32, %arg1: i32) -> (i32, i32, i32) {
    %c0_i32 = arith.constant 0 : i32
    %c0_i32_0 = arith.constant 0 : i32
    return %arg0, %arg1, %c0_i32 : i32, i32, i32
  }
  func.func @transform_9(%arg0: i32, %arg1: i32) -> (i32, i32, i32) {
    %c0_i32 = arith.constant 0 : i32
    %c0_i32_0 = arith.constant 0 : i32
    return %arg0, %arg1, %c0_i32 : i32, i32, i32
  }
}

module attributes {stable_mosaic.version = 14 : i64} {
  func.func @_mlp_body(%arg0: i32, %arg1: i32, %arg2: memref<1x4096x128xf32, #tpu.memory_space<vmem>>, %arg3: memref<1x256x128xf32, #tpu.memory_space<vmem>>, %arg4: memref<128x128xf32, #tpu.memory_space<vmem>>, %arg5: memref<1x128xf32, #tpu.memory_space<vmem>>, %arg6: memref<128x128xf32, #tpu.memory_space<vmem>>, %arg7: memref<1x128xf32, #tpu.memory_space<vmem>>, %arg8: memref<1x256x128xf32, #tpu.memory_space<vmem>>, %arg9: memref<1x128x256xf32, #tpu.memory_space<vmem>>) attributes {dimension_semantics = [#tpu.dimension_semantics<arbitrary>, #tpu.dimension_semantics<arbitrary>], iteration_bounds = array<i64: 2, 16>, scalar_prefetch = 0 : i64, scratch_operands = 0 : i64, tpu.core_type = #tpu.core_type<tc>, window_params = [{transform_indices = @transform_0, window_bounds = array<i64: 1, 4096, 128>}, {transform_indices = @transform_1, window_bounds = array<i64: 1, 256, 128>}, {pipeline_mode = #tpu.pipeline_mode<synchronous>, transform_indices = @transform_2, window_bounds = array<i64: 128, 128>}, {pipeline_mode = #tpu.pipeline_mode<synchronous>, transform_indices = @transform_3, window_bounds = array<i64: 1, 128>}, {pipeline_mode = #tpu.pipeline_mode<synchronous>, transform_indices = @transform_4, window_bounds = array<i64: 128, 128>}, {pipeline_mode = #tpu.pipeline_mode<synchronous>, transform_indices = @transform_5, window_bounds = array<i64: 1, 128>}, {transform_indices = @transform_6, window_bounds = array<i64: 1, 256, 128>}, {transform_indices = @transform_7, window_bounds = array<i64: 1, 128, 256>}]} {
    %get3A = arith.constant 0 : index
    %get3A_0 = arith.constant 0 : index
    %get3A_1 = arith.constant 0 : index
    %get3A_2 = vector.load %arg2[%get3A, %get3A_0, %get3A_1] : memref<1x4096x128xf32, #tpu.memory_space<vmem>>, vector<1x4096x128xf32>
    %get3A_3 = vector.shape_cast %get3A_2 : vector<1x4096x128xf32> to vector<4096x128xf32>
    %get3A_4 = arith.constant 0 : index
    %get3A_5 = arith.constant 0 : index
    %get3A_6 = arith.constant 0 : index
    %get3A_7 = vector.load %arg3[%get3A_4, %get3A_5, %get3A_6] : memref<1x256x128xf32, #tpu.memory_space<vmem>>, vector<1x256x128xf32>
    %get3A_8 = vector.shape_cast %get3A_7 : vector<1x256x128xf32> to vector<256x128xf32>
    %reshape3A = vector.shape_cast %get3A_3 : vector<4096x128xf32> to vector<256x16x128xf32>
    %broadcast_in_dim3A = vector.shape_cast %get3A_8 : vector<256x128xf32> to vector<256x1x128xf32>
    %add3A = vector.broadcast %broadcast_in_dim3A : vector<256x1x128xf32> to vector<256x16x128xf32>
    %add3A_9 = arith.addf %reshape3A, %add3A : vector<256x16x128xf32>
    %gt3A = arith.constant 0.000000e+00 : f32
    %gt3A_10 = vector.broadcast %gt3A : f32 to vector<256x16x128xf32>
    %gt3A_11 = arith.cmpf ogt, %add3A_9, %gt3A_10 : vector<256x16x128xf32>
    %mul3A = arith.constant 1.000000e-01 : f32
    %mul3A_12 = vector.broadcast %mul3A : f32 to vector<256x16x128xf32>
    %mul3A_13 = arith.mulf %mul3A_12, %add3A_9 : vector<256x16x128xf32>
    %select_n3A = arith.select %gt3A_11, %add3A_9, %mul3A_13 : vector<256x16x128xi1>, vector<256x16x128xf32>
    %reshape3A_14 = vector.shape_cast %select_n3A : vector<256x16x128xf32> to vector<4096x128xf32>
    %get3A_15 = arith.constant 0 : index
    %get3A_16 = arith.constant 0 : index
    %get3A_17 = vector.load %arg4[%get3A_15, %get3A_16] : memref<128x128xf32, #tpu.memory_space<vmem>>, vector<128x128xf32>
    %get3A_18 = arith.constant 0 : index
    %get3A_19 = arith.constant 0 : index
    %get3A_20 = vector.load %arg5[%get3A_18, %get3A_19] : memref<1x128xf32, #tpu.memory_space<vmem>>, vector<1x128xf32>
    %convert_element_type3A = arith.truncf %reshape3A_14 : vector<4096x128xf32> to vector<4096x128xbf16>
    %convert_element_type3A_21 = arith.truncf %get3A_17 : vector<128x128xf32> to vector<128x128xbf16>
    %dot_general3A = arith.constant dense<0.000000e+00> : vector<4096x128xf32>
    %dot_general3A_22 = tpu.matmul %convert_element_type3A, %convert_element_type3A_21, %dot_general3A {dimension_numbers = #tpu.dot_dimension_numbers<[1], [0], [0], [1], [0, 0, 1, 1], [], []>, transpose_lhs_hint = false} : vector<4096x128xbf16>, vector<128x128xbf16>, vector<4096x128xf32> -> vector<4096x128xf32>
    %add3A_23 = vector.broadcast %get3A_20 : vector<1x128xf32> to vector<4096x128xf32>
    %add3A_24 = arith.addf %dot_general3A_22, %add3A_23 : vector<4096x128xf32>
    %gt3A_25 = arith.constant 0.000000e+00 : f32
    %gt3A_26 = vector.broadcast %gt3A_25 : f32 to vector<4096x128xf32>
    %gt3A_27 = arith.cmpf ogt, %add3A_24, %gt3A_26 : vector<4096x128xf32>
    %mul3A_28 = arith.constant 1.000000e-01 : f32
    %mul3A_29 = vector.broadcast %mul3A_28 : f32 to vector<4096x128xf32>
    %mul3A_30 = arith.mulf %mul3A_29, %add3A_24 : vector<4096x128xf32>
    %select_n3A_31 = arith.select %gt3A_27, %add3A_24, %mul3A_30 : vector<4096x128xi1>, vector<4096x128xf32>
    %get3A_32 = arith.constant 0 : index
    %get3A_33 = arith.constant 0 : index
    %get3A_34 = vector.load %arg6[%get3A_32, %get3A_33] : memref<128x128xf32, #tpu.memory_space<vmem>>, vector<128x128xf32>
    %get3A_35 = arith.constant 0 : index
    %get3A_36 = arith.constant 0 : index
    %get3A_37 = vector.load %arg7[%get3A_35, %get3A_36] : memref<1x128xf32, #tpu.memory_space<vmem>>, vector<1x128xf32>
    %convert_element_type3A_38 = arith.truncf %select_n3A_31 : vector<4096x128xf32> to vector<4096x128xbf16>
    %convert_element_type3A_39 = arith.truncf %get3A_34 : vector<128x128xf32> to vector<128x128xbf16>
    %dot_general3A_40 = arith.constant dense<0.000000e+00> : vector<4096x128xf32>
    %dot_general3A_41 = tpu.matmul %convert_element_type3A_38, %convert_element_type3A_39, %dot_general3A_40 {dimension_numbers = #tpu.dot_dimension_numbers<[1], [0], [0], [1], [0, 0, 1, 1], [], []>, transpose_lhs_hint = false} : vector<4096x128xbf16>, vector<128x128xbf16>, vector<4096x128xf32> -> vector<4096x128xf32>
    %add3A_42 = vector.broadcast %get3A_37 : vector<1x128xf32> to vector<4096x128xf32>
    %add3A_43 = arith.addf %dot_general3A_41, %add3A_42 : vector<4096x128xf32>
    %gt3A_44 = arith.constant 0.000000e+00 : f32
    %gt3A_45 = vector.broadcast %gt3A_44 : f32 to vector<4096x128xf32>
    %gt3A_46 = arith.cmpf ogt, %add3A_43, %gt3A_45 : vector<4096x128xf32>
    %mul3A_47 = arith.constant 1.000000e-01 : f32
    %mul3A_48 = vector.broadcast %mul3A_47 : f32 to vector<4096x128xf32>
    %mul3A_49 = arith.mulf %mul3A_48, %add3A_43 : vector<4096x128xf32>
    %select_n3A_50 = arith.select %gt3A_46, %add3A_43, %mul3A_49 : vector<4096x128xi1>, vector<4096x128xf32>
    %reshape3A_51 = vector.shape_cast %select_n3A_50 : vector<4096x128xf32> to vector<256x16x128xf32>
    %reduce_max3A = arith.constant dense<0xFF800000> : vector<256x128xf32>
    %reduce_max3A_52 = vector.multi_reduction <maximumf>, %reshape3A_51, %reduce_max3A [1] : vector<256x16x128xf32> to vector<256x128xf32>
    %swap3A = arith.constant 0 : index
    %swap3A_53 = arith.constant 0 : index
    %swap3A_54 = arith.constant 0 : index
    %swap3A_55 = vector.load %arg8[%swap3A, %swap3A_53, %swap3A_54] : memref<1x256x128xf32, #tpu.memory_space<vmem>>, vector<1x256x128xf32>
    %swap3A_56 = vector.shape_cast %swap3A_55 : vector<1x256x128xf32> to vector<256x128xf32>
    %swap3A_57 = vector.shape_cast %reduce_max3A_52 : vector<256x128xf32> to vector<1x256x128xf32>
    tpu.vector_store %arg8[%swap3A, %swap3A_53, %swap3A_54], %swap3A_57 {strides = array<i32>} : memref<1x256x128xf32, #tpu.memory_space<vmem>>, vector<1x256x128xf32>,
    %transpose3A = tpu.transpose %reduce_max3A_52, [1, 0] : vector<256x128xf32> -> vector<128x256xf32>
    %swap3A_58 = arith.constant 0 : index
    %swap3A_59 = arith.constant 0 : index
    %swap3A_60 = arith.constant 0 : index
    %swap3A_61 = vector.load %arg9[%swap3A_58, %swap3A_59, %swap3A_60] : memref<1x128x256xf32, #tpu.memory_space<vmem>>, vector<1x128x256xf32>
    %swap3A_62 = vector.shape_cast %swap3A_61 : vector<1x128x256xf32> to vector<128x256xf32>
    %swap3A_63 = vector.shape_cast %transpose3A : vector<128x256xf32> to vector<1x128x256xf32>
    tpu.vector_store %arg9[%swap3A_58, %swap3A_59, %swap3A_60], %swap3A_63 {strides = array<i32>} : memref<1x128x256xf32, #tpu.memory_space<vmem>>, vector<1x128x256xf32>,
    return
  }
  func.func @transform_0(%arg0: i32, %arg1: i32) -> (i32, i32, i32) {
    %c0_i32 = arith.constant 0 : i32
    %c0_i32_0 = arith.constant 0 : i32
    return %arg0, %arg1, %c0_i32 : i32, i32, i32
  }
  func.func @transform_1(%arg0: i32, %arg1: i32) -> (i32, i32, i32) {
    %c0_i32 = arith.constant 0 : i32
    %c0_i32_0 = arith.constant 0 : i32
    return %arg0, %arg1, %c0_i32 : i32, i32, i32
  }
  func.func @transform_2(%arg0: i32, %arg1: i32) -> (i32, i32) {
    %c0_i32 = arith.constant 0 : i32
    %c0_i32_0 = arith.constant 0 : i32
    %c0_i32_1 = arith.constant 0 : i32
    return %c0_i32, %c0_i32_0 : i32, i32
  }
  func.func @transform_3(%arg0: i32, %arg1: i32) -> (i32, i32) {
    %c0_i32 = arith.constant 0 : i32
    %c0_i32_0 = arith.constant 0 : i32
    %c0_i32_1 = arith.constant 0 : i32
    return %c0_i32, %c0_i32_0 : i32, i32
  }
  func.func @transform_4(%arg0: i32, %arg1: i32) -> (i32, i32) {
    %c0_i32 = arith.constant 0 : i32
    %c0_i32_0 = arith.constant 0 : i32
    %c0_i32_1 = arith.constant 0 : i32
    return %c0_i32, %c0_i32_0 : i32, i32
  }
  func.func @transform_5(%arg0: i32, %arg1: i32) -> (i32, i32) {
    %c0_i32 = arith.constant 0 : i32
    %c0_i32_0 = arith.constant 0 : i32
    %c0_i32_1 = arith.constant 0 : i32
    return %c0_i32, %c0_i32_0 : i32, i32
  }
  func.func @transform_6(%arg0: i32, %arg1: i32) -> (i32, i32, i32) {
    %c0_i32 = arith.constant 0 : i32
    %c0_i32_0 = arith.constant 0 : i32
    return %arg0, %arg1, %c0_i32 : i32, i32, i32
  }
  func.func @transform_7(%arg0: i32, %arg1: i32) -> (i32, i32, i32) {
    %c0_i32 = arith.constant 0 : i32
    %c0_i32_0 = arith.constant 0 : i32
    return %arg0, %c0_i32, %arg1 : i32, i32, i32
  }
}

module attributes {stable_mosaic.version = 14 : i64} {
  func.func @_prep_body(%arg0: i32, %arg1: i32, %arg2: memref<1x1024x128xf32, #tpu.memory_space<vmem>>, %arg3: memref<1x1024x128xf32, #tpu.memory_space<vmem>>, %arg4: memref<1x1024x3xf32, #tpu.memory_space<vmem>>, %arg5: memref<1x1024x3xf32, #tpu.memory_space<vmem>>, %arg6: memref<128x128xf32, #tpu.memory_space<vmem>>, %arg7: memref<128x128xf32, #tpu.memory_space<vmem>>, %arg8: memref<3x128xf32, #tpu.memory_space<vmem>>, %arg9: memref<1x128xf32, #tpu.memory_space<vmem>>, %arg10: memref<1x1024x128xf32, #tpu.memory_space<vmem>>, %arg11: memref<1x1024x128xf32, #tpu.memory_space<vmem>>) attributes {dimension_semantics = [#tpu.dimension_semantics<arbitrary>, #tpu.dimension_semantics<arbitrary>], iteration_bounds = array<i64: 2, 4>, scalar_prefetch = 0 : i64, scratch_operands = 0 : i64, tpu.core_type = #tpu.core_type<tc>, window_params = [{transform_indices = @transform_0, window_bounds = array<i64: 1, 1024, 128>}, {transform_indices = @transform_1, window_bounds = array<i64: 1, 1024, 128>}, {transform_indices = @transform_2, window_bounds = array<i64: 1, 1024, 3>}, {transform_indices = @transform_3, window_bounds = array<i64: 1, 1024, 3>}, {pipeline_mode = #tpu.pipeline_mode<synchronous>, transform_indices = @transform_4, window_bounds = array<i64: 128, 128>}, {pipeline_mode = #tpu.pipeline_mode<synchronous>, transform_indices = @transform_5, window_bounds = array<i64: 128, 128>}, {pipeline_mode = #tpu.pipeline_mode<synchronous>, transform_indices = @transform_6, window_bounds = array<i64: 3, 128>}, {pipeline_mode = #tpu.pipeline_mode<synchronous>, transform_indices = @transform_7, window_bounds = array<i64: 1, 128>}, {transform_indices = @transform_8, window_bounds = array<i64: 1, 1024, 128>}, {transform_indices = @transform_9, window_bounds = array<i64: 1, 1024, 128>}]} {
    %get3A = arith.constant 0 : index
    %get3A_0 = arith.constant 0 : index
    %get3A_1 = vector.load %arg8[%get3A, %get3A_0] : memref<3x128xf32, #tpu.memory_space<vmem>>, vector<3x128xf32>
    %convert_element_type3A = arith.truncf %get3A_1 : vector<3x128xf32> to vector<3x128xbf16>
    %convert_element_type3A_2 = arith.extf %convert_element_type3A : vector<3x128xbf16> to vector<3x128xf32>
    %get3A_3 = arith.constant 0 : index
    %get3A_4 = arith.constant 0 : index
    %get3A_5 = arith.constant 0 : index
    %get3A_6 = vector.load %arg2[%get3A_3, %get3A_4, %get3A_5] : memref<1x1024x128xf32, #tpu.memory_space<vmem>>, vector<1x1024x128xf32>
    %get3A_7 = vector.shape_cast %get3A_6 : vector<1x1024x128xf32> to vector<1024x128xf32>
    %get3A_8 = arith.constant 0 : index
    %get3A_9 = arith.constant 0 : index
    %get3A_10 = vector.load %arg6[%get3A_8, %get3A_9] : memref<128x128xf32, #tpu.memory_space<vmem>>, vector<128x128xf32>
    %convert_element_type3A_11 = arith.truncf %get3A_7 : vector<1024x128xf32> to vector<1024x128xbf16>
    %convert_element_type3A_12 = arith.truncf %get3A_10 : vector<128x128xf32> to vector<128x128xbf16>
    %dot_general3A = arith.constant dense<0.000000e+00> : vector<1024x128xf32>
    %dot_general3A_13 = tpu.matmul %convert_element_type3A_11, %convert_element_type3A_12, %dot_general3A {dimension_numbers = #tpu.dot_dimension_numbers<[1], [0], [0], [1], [0, 0, 1, 1], [], []>, transpose_lhs_hint = false} : vector<1024x128xbf16>, vector<128x128xbf16>, vector<1024x128xf32> -> vector<1024x128xf32>
    %get3A_14 = arith.constant 0 : index
    %get3A_15 = arith.constant 0 : index
    %get3A_16 = arith.constant 0 : index
    %get3A_17 = vector.load %arg4[%get3A_14, %get3A_15, %get3A_16] : memref<1x1024x3xf32, #tpu.memory_space<vmem>>, vector<1x1024x3xf32>
    %get3A_18 = vector.shape_cast %get3A_17 : vector<1x1024x3xf32> to vector<1024x3xf32>
    %convert_element_type3A_19 = arith.truncf %get3A_18 : vector<1024x3xf32> to vector<1024x3xbf16>
    %convert_element_type3A_20 = arith.extf %convert_element_type3A_19 : vector<1024x3xbf16> to vector<1024x3xf32>
    %slice3A = vector.extract_strided_slice %convert_element_type3A_20 {offsets = [0, 0], sizes = [1024, 1], strides = [1, 1]} : vector<1024x3xf32> to vector<1024x1xf32>
    %slice3A_21 = vector.extract_strided_slice %convert_element_type3A_2 {offsets = [0, 0], sizes = [1, 128], strides = [1, 1]} : vector<3x128xf32> to vector<1x128xf32>
    %mul3A = vector.broadcast %slice3A : vector<1024x1xf32> to vector<1024x128xf32>
    %mul3A_22 = vector.broadcast %slice3A_21 : vector<1x128xf32> to vector<1024x128xf32>
    %mul3A_23 = arith.mulf %mul3A, %mul3A_22 : vector<1024x128xf32>
    %slice3A_24 = vector.extract_strided_slice %convert_element_type3A_20 {offsets = [0, 1], sizes = [1024, 1], strides = [1, 1]} : vector<1024x3xf32> to vector<1024x1xf32>
    %slice3A_25 = vector.extract_strided_slice %convert_element_type3A_2 {offsets = [1, 0], sizes = [1, 128], strides = [1, 1]} : vector<3x128xf32> to vector<1x128xf32>
    %mul3A_26 = vector.broadcast %slice3A_24 : vector<1024x1xf32> to vector<1024x128xf32>
    %mul3A_27 = vector.broadcast %slice3A_25 : vector<1x128xf32> to vector<1024x128xf32>
    %mul3A_28 = arith.mulf %mul3A_26, %mul3A_27 : vector<1024x128xf32>
    %add3A = arith.addf %mul3A_23, %mul3A_28 : vector<1024x128xf32>
    %slice3A_29 = vector.extract_strided_slice %convert_element_type3A_20 {offsets = [0, 2], sizes = [1024, 1], strides = [1, 1]} : vector<1024x3xf32> to vector<1024x1xf32>
    %slice3A_30 = vector.extract_strided_slice %convert_element_type3A_2 {offsets = [2, 0], sizes = [1, 128], strides = [1, 1]} : vector<3x128xf32> to vector<1x128xf32>
    %mul3A_31 = vector.broadcast %slice3A_29 : vector<1024x1xf32> to vector<1024x128xf32>
    %mul3A_32 = vector.broadcast %slice3A_30 : vector<1x128xf32> to vector<1024x128xf32>
    %mul3A_33 = arith.mulf %mul3A_31, %mul3A_32 : vector<1024x128xf32>
    %add3A_34 = arith.addf %add3A, %mul3A_33 : vector<1024x128xf32>
    %sub3A = arith.subf %dot_general3A_13, %add3A_34 : vector<1024x128xf32>
    %get3A_35 = arith.constant 0 : index
    %get3A_36 = arith.constant 0 : index
    %get3A_37 = vector.load %arg9[%get3A_35, %get3A_36] : memref<1x128xf32, #tpu.memory_space<vmem>>, vector<1x128xf32>
    %add3A_38 = vector.broadcast %get3A_37 : vector<1x128xf32> to vector<1024x128xf32>
    %add3A_39 = arith.addf %sub3A, %add3A_38 : vector<1024x128xf32>
    %get3A_40 = arith.constant 0 : index
    %get3A_41 = arith.constant 0 : index
    %get3A_42 = arith.constant 0 : index
    %get3A_43 = vector.load %arg3[%get3A_40, %get3A_41, %get3A_42] : memref<1x1024x128xf32, #tpu.memory_space<vmem>>, vector<1x1024x128xf32>
    %get3A_44 = vector.shape_cast %get3A_43 : vector<1x1024x128xf32> to vector<1024x128xf32>
    %get3A_45 = arith.constant 0 : index
    %get3A_46 = arith.constant 0 : index
    %get3A_47 = vector.load %arg7[%get3A_45, %get3A_46] : memref<128x128xf32, #tpu.memory_space<vmem>>, vector<128x128xf32>
    %convert_element_type3A_48 = arith.truncf %get3A_44 : vector<1024x128xf32> to vector<1024x128xbf16>
    %convert_element_type3A_49 = arith.truncf %get3A_47 : vector<128x128xf32> to vector<128x128xbf16>
    %dot_general3A_50 = arith.constant dense<0.000000e+00> : vector<1024x128xf32>
    %dot_general3A_51 = tpu.matmul %convert_element_type3A_48, %convert_element_type3A_49, %dot_general3A_50 {dimension_numbers = #tpu.dot_dimension_numbers<[1], [0], [0], [1], [0, 0, 1, 1], [], []>, transpose_lhs_hint = false} : vector<1024x128xbf16>, vector<128x128xbf16>, vector<1024x128xf32> -> vector<1024x128xf32>
    %get3A_52 = arith.constant 0 : index
    %get3A_53 = arith.constant 0 : index
    %get3A_54 = arith.constant 0 : index
    %get3A_55 = vector.load %arg5[%get3A_52, %get3A_53, %get3A_54] : memref<1x1024x3xf32, #tpu.memory_space<vmem>>, vector<1x1024x3xf32>
    %get3A_56 = vector.shape_cast %get3A_55 : vector<1x1024x3xf32> to vector<1024x3xf32>
    %convert_element_type3A_57 = arith.truncf %get3A_56 : vector<1024x3xf32> to vector<1024x3xbf16>
    %convert_element_type3A_58 = arith.extf %convert_element_type3A_57 : vector<1024x3xbf16> to vector<1024x3xf32>
    %slice3A_59 = vector.extract_strided_slice %convert_element_type3A_58 {offsets = [0, 0], sizes = [1024, 1], strides = [1, 1]} : vector<1024x3xf32> to vector<1024x1xf32>
    %slice3A_60 = vector.extract_strided_slice %convert_element_type3A_2 {offsets = [0, 0], sizes = [1, 128], strides = [1, 1]} : vector<3x128xf32> to vector<1x128xf32>
    %mul3A_61 = vector.broadcast %slice3A_59 : vector<1024x1xf32> to vector<1024x128xf32>
    %mul3A_62 = vector.broadcast %slice3A_60 : vector<1x128xf32> to vector<1024x128xf32>
    %mul3A_63 = arith.mulf %mul3A_61, %mul3A_62 : vector<1024x128xf32>
    %slice3A_64 = vector.extract_strided_slice %convert_element_type3A_58 {offsets = [0, 1], sizes = [1024, 1], strides = [1, 1]} : vector<1024x3xf32> to vector<1024x1xf32>
    %slice3A_65 = vector.extract_strided_slice %convert_element_type3A_2 {offsets = [1, 0], sizes = [1, 128], strides = [1, 1]} : vector<3x128xf32> to vector<1x128xf32>
    %mul3A_66 = vector.broadcast %slice3A_64 : vector<1024x1xf32> to vector<1024x128xf32>
    %mul3A_67 = vector.broadcast %slice3A_65 : vector<1x128xf32> to vector<1024x128xf32>
    %mul3A_68 = arith.mulf %mul3A_66, %mul3A_67 : vector<1024x128xf32>
    %add3A_69 = arith.addf %mul3A_63, %mul3A_68 : vector<1024x128xf32>
    %slice3A_70 = vector.extract_strided_slice %convert_element_type3A_58 {offsets = [0, 2], sizes = [1024, 1], strides = [1, 1]} : vector<1024x3xf32> to vector<1024x1xf32>
    %slice3A_71 = vector.extract_strided_slice %convert_element_type3A_2 {offsets = [2, 0], sizes = [1, 128], strides = [1, 1]} : vector<3x128xf32> to vector<1x128xf32>
    %mul3A_72 = vector.broadcast %slice3A_70 : vector<1024x1xf32> to vector<1024x128xf32>
    %mul3A_73 = vector.broadcast %slice3A_71 : vector<1x128xf32> to vector<1024x128xf32>
    %mul3A_74 = arith.mulf %mul3A_72, %mul3A_73 : vector<1024x128xf32>
    %add3A_75 = arith.addf %add3A_69, %mul3A_74 : vector<1024x128xf32>
    %add3A_76 = arith.addf %dot_general3A_51, %add3A_75 : vector<1024x128xf32>
    %swap3A = arith.constant 0 : index
    %swap3A_77 = arith.constant 0 : index
    %swap3A_78 = arith.constant 0 : index
    %swap3A_79 = vector.load %arg10[%swap3A, %swap3A_77, %swap3A_78] : memref<1x1024x128xf32, #tpu.memory_space<vmem>>, vector<1x1024x128xf32>
    %swap3A_80 = vector.shape_cast %swap3A_79 : vector<1x1024x128xf32> to vector<1024x128xf32>
    %swap3A_81 = vector.shape_cast %add3A_39 : vector<1024x128xf32> to vector<1x1024x128xf32>
    tpu.vector_store %arg10[%swap3A, %swap3A_77, %swap3A_78], %swap3A_81 {strides = array<i32>} : memref<1x1024x128xf32, #tpu.memory_space<vmem>>, vector<1x1024x128xf32>,
    %swap3A_82 = arith.constant 0 : index
    %swap3A_83 = arith.constant 0 : index
    %swap3A_84 = arith.constant 0 : index
    %swap3A_85 = vector.load %arg11[%swap3A_82, %swap3A_83, %swap3A_84] : memref<1x1024x128xf32, #tpu.memory_space<vmem>>, vector<1x1024x128xf32>
    %swap3A_86 = vector.shape_cast %swap3A_85 : vector<1x1024x128xf32> to vector<1024x128xf32>
    %swap3A_87 = vector.shape_cast %add3A_76 : vector<1024x128xf32> to vector<1x1024x128xf32>
    tpu.vector_store %arg11[%swap3A_82, %swap3A_83, %swap3A_84], %swap3A_87 {strides = array<i32>} : memref<1x1024x128xf32, #tpu.memory_space<vmem>>, vector<1x1024x128xf32>,
    return
  }
  func.func @transform_0(%arg0: i32, %arg1: i32) -> (i32, i32, i32) {
    %c0_i32 = arith.constant 0 : i32
    %c0_i32_0 = arith.constant 0 : i32
    return %arg0, %arg1, %c0_i32 : i32, i32, i32
  }
  func.func @transform_1(%arg0: i32, %arg1: i32) -> (i32, i32, i32) {
    %c0_i32 = arith.constant 0 : i32
    %c0_i32_0 = arith.constant 0 : i32
    return %arg0, %arg1, %c0_i32 : i32, i32, i32
  }
  func.func @transform_2(%arg0: i32, %arg1: i32) -> (i32, i32, i32) {
    %c0_i32 = arith.constant 0 : i32
    %c0_i32_0 = arith.constant 0 : i32
    return %arg0, %arg1, %c0_i32 : i32, i32, i32
  }
  func.func @transform_3(%arg0: i32, %arg1: i32) -> (i32, i32, i32) {
    %c0_i32 = arith.constant 0 : i32
    %c0_i32_0 = arith.constant 0 : i32
    return %arg0, %arg1, %c0_i32 : i32, i32, i32
  }
  func.func @transform_4(%arg0: i32, %arg1: i32) -> (i32, i32) {
    %c0_i32 = arith.constant 0 : i32
    %c0_i32_0 = arith.constant 0 : i32
    %c0_i32_1 = arith.constant 0 : i32
    return %c0_i32, %c0_i32_0 : i32, i32
  }
  func.func @transform_5(%arg0: i32, %arg1: i32) -> (i32, i32) {
    %c0_i32 = arith.constant 0 : i32
    %c0_i32_0 = arith.constant 0 : i32
    %c0_i32_1 = arith.constant 0 : i32
    return %c0_i32, %c0_i32_0 : i32, i32
  }
  func.func @transform_6(%arg0: i32, %arg1: i32) -> (i32, i32) {
    %c0_i32 = arith.constant 0 : i32
    %c0_i32_0 = arith.constant 0 : i32
    %c0_i32_1 = arith.constant 0 : i32
    return %c0_i32, %c0_i32_0 : i32, i32
  }
  func.func @transform_7(%arg0: i32, %arg1: i32) -> (i32, i32) {
    %c0_i32 = arith.constant 0 : i32
    %c0_i32_0 = arith.constant 0 : i32
    %c0_i32_1 = arith.constant 0 : i32
    return %c0_i32, %c0_i32_0 : i32, i32
  }
  func.func @transform_8(%arg0: i32, %arg1: i32) -> (i32, i32, i32) {
    %c0_i32 = arith.constant 0 : i32
    %c0_i32_0 = arith.constant 0 : i32
    return %arg0, %arg1, %c0_i32 : i32, i32, i32
  }
  func.func @transform_9(%arg0: i32, %arg1: i32) -> (i32, i32, i32) {
    %c0_i32 = arith.constant 0 : i32
    %c0_i32_0 = arith.constant 0 : i32
    return %arg0, %arg1, %c0_i32 : i32, i32, i32
  }
}

module attributes {stable_mosaic.version = 14 : i64} {
  func.func @_mlp_body(%arg0: i32, %arg1: i32, %arg2: memref<1x4096x128xf32, #tpu.memory_space<vmem>>, %arg3: memref<1x256x128xf32, #tpu.memory_space<vmem>>, %arg4: memref<128x128xf32, #tpu.memory_space<vmem>>, %arg5: memref<1x128xf32, #tpu.memory_space<vmem>>, %arg6: memref<1x256x128xf32, #tpu.memory_space<vmem>>, %arg7: memref<1x128x256xf32, #tpu.memory_space<vmem>>) attributes {dimension_semantics = [#tpu.dimension_semantics<arbitrary>, #tpu.dimension_semantics<arbitrary>], iteration_bounds = array<i64: 2, 16>, scalar_prefetch = 0 : i64, scratch_operands = 0 : i64, tpu.core_type = #tpu.core_type<tc>, window_params = [{transform_indices = @transform_0, window_bounds = array<i64: 1, 4096, 128>}, {transform_indices = @transform_1, window_bounds = array<i64: 1, 256, 128>}, {pipeline_mode = #tpu.pipeline_mode<synchronous>, transform_indices = @transform_2, window_bounds = array<i64: 128, 128>}, {pipeline_mode = #tpu.pipeline_mode<synchronous>, transform_indices = @transform_3, window_bounds = array<i64: 1, 128>}, {transform_indices = @transform_4, window_bounds = array<i64: 1, 256, 128>}, {transform_indices = @transform_5, window_bounds = array<i64: 1, 128, 256>}]} {
    %get3A = arith.constant 0 : index
    %get3A_0 = arith.constant 0 : index
    %get3A_1 = arith.constant 0 : index
    %get3A_2 = vector.load %arg2[%get3A, %get3A_0, %get3A_1] : memref<1x4096x128xf32, #tpu.memory_space<vmem>>, vector<1x4096x128xf32>
    %get3A_3 = vector.shape_cast %get3A_2 : vector<1x4096x128xf32> to vector<4096x128xf32>
    %get3A_4 = arith.constant 0 : index
    %get3A_5 = arith.constant 0 : index
    %get3A_6 = arith.constant 0 : index
    %get3A_7 = vector.load %arg3[%get3A_4, %get3A_5, %get3A_6] : memref<1x256x128xf32, #tpu.memory_space<vmem>>, vector<1x256x128xf32>
    %get3A_8 = vector.shape_cast %get3A_7 : vector<1x256x128xf32> to vector<256x128xf32>
    %reshape3A = vector.shape_cast %get3A_3 : vector<4096x128xf32> to vector<256x16x128xf32>
    %broadcast_in_dim3A = vector.shape_cast %get3A_8 : vector<256x128xf32> to vector<256x1x128xf32>
    %add3A = vector.broadcast %broadcast_in_dim3A : vector<256x1x128xf32> to vector<256x16x128xf32>
    %add3A_9 = arith.addf %reshape3A, %add3A : vector<256x16x128xf32>
    %gt3A = arith.constant 0.000000e+00 : f32
    %gt3A_10 = vector.broadcast %gt3A : f32 to vector<256x16x128xf32>
    %gt3A_11 = arith.cmpf ogt, %add3A_9, %gt3A_10 : vector<256x16x128xf32>
    %mul3A = arith.constant 1.000000e-01 : f32
    %mul3A_12 = vector.broadcast %mul3A : f32 to vector<256x16x128xf32>
    %mul3A_13 = arith.mulf %mul3A_12, %add3A_9 : vector<256x16x128xf32>
    %select_n3A = arith.select %gt3A_11, %add3A_9, %mul3A_13 : vector<256x16x128xi1>, vector<256x16x128xf32>
    %reshape3A_14 = vector.shape_cast %select_n3A : vector<256x16x128xf32> to vector<4096x128xf32>
    %get3A_15 = arith.constant 0 : index
    %get3A_16 = arith.constant 0 : index
    %get3A_17 = vector.load %arg4[%get3A_15, %get3A_16] : memref<128x128xf32, #tpu.memory_space<vmem>>, vector<128x128xf32>
    %get3A_18 = arith.constant 0 : index
    %get3A_19 = arith.constant 0 : index
    %get3A_20 = vector.load %arg5[%get3A_18, %get3A_19] : memref<1x128xf32, #tpu.memory_space<vmem>>, vector<1x128xf32>
    %convert_element_type3A = arith.truncf %reshape3A_14 : vector<4096x128xf32> to vector<4096x128xbf16>
    %convert_element_type3A_21 = arith.truncf %get3A_17 : vector<128x128xf32> to vector<128x128xbf16>
    %dot_general3A = arith.constant dense<0.000000e+00> : vector<4096x128xf32>
    %dot_general3A_22 = tpu.matmul %convert_element_type3A, %convert_element_type3A_21, %dot_general3A {dimension_numbers = #tpu.dot_dimension_numbers<[1], [0], [0], [1], [0, 0, 1, 1], [], []>, transpose_lhs_hint = false} : vector<4096x128xbf16>, vector<128x128xbf16>, vector<4096x128xf32> -> vector<4096x128xf32>
    %add3A_23 = vector.broadcast %get3A_20 : vector<1x128xf32> to vector<4096x128xf32>
    %add3A_24 = arith.addf %dot_general3A_22, %add3A_23 : vector<4096x128xf32>
    %gt3A_25 = arith.constant 0.000000e+00 : f32
    %gt3A_26 = vector.broadcast %gt3A_25 : f32 to vector<4096x128xf32>
    %gt3A_27 = arith.cmpf ogt, %add3A_24, %gt3A_26 : vector<4096x128xf32>
    %mul3A_28 = arith.constant 1.000000e-01 : f32
    %mul3A_29 = vector.broadcast %mul3A_28 : f32 to vector<4096x128xf32>
    %mul3A_30 = arith.mulf %mul3A_29, %add3A_24 : vector<4096x128xf32>
    %select_n3A_31 = arith.select %gt3A_27, %add3A_24, %mul3A_30 : vector<4096x128xi1>, vector<4096x128xf32>
    %reshape3A_32 = vector.shape_cast %select_n3A_31 : vector<4096x128xf32> to vector<256x16x128xf32>
    %reduce_max3A = arith.constant dense<0xFF800000> : vector<256x128xf32>
    %reduce_max3A_33 = vector.multi_reduction <maximumf>, %reshape3A_32, %reduce_max3A [1] : vector<256x16x128xf32> to vector<256x128xf32>
    %swap3A = arith.constant 0 : index
    %swap3A_34 = arith.constant 0 : index
    %swap3A_35 = arith.constant 0 : index
    %swap3A_36 = vector.load %arg6[%swap3A, %swap3A_34, %swap3A_35] : memref<1x256x128xf32, #tpu.memory_space<vmem>>, vector<1x256x128xf32>
    %swap3A_37 = vector.shape_cast %swap3A_36 : vector<1x256x128xf32> to vector<256x128xf32>
    %swap3A_38 = vector.shape_cast %reduce_max3A_33 : vector<256x128xf32> to vector<1x256x128xf32>
    tpu.vector_store %arg6[%swap3A, %swap3A_34, %swap3A_35], %swap3A_38 {strides = array<i32>} : memref<1x256x128xf32, #tpu.memory_space<vmem>>, vector<1x256x128xf32>,
    %transpose3A = tpu.transpose %reduce_max3A_33, [1, 0] : vector<256x128xf32> -> vector<128x256xf32>
    %swap3A_39 = arith.constant 0 : index
    %swap3A_40 = arith.constant 0 : index
    %swap3A_41 = arith.constant 0 : index
    %swap3A_42 = vector.load %arg7[%swap3A_39, %swap3A_40, %swap3A_41] : memref<1x128x256xf32, #tpu.memory_space<vmem>>, vector<1x128x256xf32>
    %swap3A_43 = vector.shape_cast %swap3A_42 : vector<1x128x256xf32> to vector<128x256xf32>
    %swap3A_44 = vector.shape_cast %transpose3A : vector<128x256xf32> to vector<1x128x256xf32>
    tpu.vector_store %arg7[%swap3A_39, %swap3A_40, %swap3A_41], %swap3A_44 {strides = array<i32>} : memref<1x128x256xf32, #tpu.memory_space<vmem>>, vector<1x128x256xf32>,
    return
  }
  func.func @transform_0(%arg0: i32, %arg1: i32) -> (i32, i32, i32) {
    %c0_i32 = arith.constant 0 : i32
    %c0_i32_0 = arith.constant 0 : i32
    return %arg0, %arg1, %c0_i32 : i32, i32, i32
  }
  func.func @transform_1(%arg0: i32, %arg1: i32) -> (i32, i32, i32) {
    %c0_i32 = arith.constant 0 : i32
    %c0_i32_0 = arith.constant 0 : i32
    return %arg0, %arg1, %c0_i32 : i32, i32, i32
  }
  func.func @transform_2(%arg0: i32, %arg1: i32) -> (i32, i32) {
    %c0_i32 = arith.constant 0 : i32
    %c0_i32_0 = arith.constant 0 : i32
    %c0_i32_1 = arith.constant 0 : i32
    return %c0_i32, %c0_i32_0 : i32, i32
  }
  func.func @transform_3(%arg0: i32, %arg1: i32) -> (i32, i32) {
    %c0_i32 = arith.constant 0 : i32
    %c0_i32_0 = arith.constant 0 : i32
    %c0_i32_1 = arith.constant 0 : i32
    return %c0_i32, %c0_i32_0 : i32, i32
  }
  func.func @transform_4(%arg0: i32, %arg1: i32) -> (i32, i32, i32) {
    %c0_i32 = arith.constant 0 : i32
    %c0_i32_0 = arith.constant 0 : i32
    return %arg0, %arg1, %c0_i32 : i32, i32, i32
  }
  func.func @transform_5(%arg0: i32, %arg1: i32) -> (i32, i32, i32) {
    %c0_i32 = arith.constant 0 : i32
    %c0_i32_0 = arith.constant 0 : i32
    return %arg0, %c0_i32, %arg1 : i32, i32, i32
  }
}

</mosaic_0001>

<sc_bundles>
// kernel: kernel.13.cloned.1.call-start
scs
__scs_entry_jumppad:
0x0: {  	(pc) =	sbr.rel $0x88, $3  }
0x1: {  	(tag) =	ssettag $0x0;
	lr =	simm.s32 $0x1  }
0x2: {  	[smem:$0x3F93] =	sst lr;
	_ =	strace $0xD0000000  }
0x3: {  	_ = 	snop  }
0x4: {  	_ = 	snop  }
0x5: {  	_ = 	snop  }
0x6: {  	_ = 	snop  }
0x7: {  	_ = 	snop  }
__scs_overlays_trampoline_lowered:
0x8: {  	[smem:$0x3FA2] =	sst s0  }
0x9: {  	[smem:$0x3FA3] =	sst s1  }
0xa: {  	[smem:$0x3FA4] =	sst s2  }
0xb: {  	[smem:$0x3FA5] =	sst s3  }
0xc: {  	[smem:$0x3FA6] =	sst s4  }
0xd: {  	[smem:$0x3FA7] =	sst s5  }
0xe: {  	[smem:$0x3FA8] =	sst s6  }
0xf: {  	[smem:$0x3FA9] =	sst s7  }
0x10: {  	[smem:$0x3FAA] =	sst s8  }
0x11: {  	[smem:$0x3FAB] =	sst s9;
	s0 =	simm.s32 @!p0 $0x0  }
0x12: {  	s1 =	sld [smem:$0x3F91];
	s0 =	simm.s32 @p0 $0x1  }
0x13: {  	[smem:$0x3FAC] =	sst s0;
	s0 =	simm.s32 @!p1 $0x0  }
0x14: {  	s2 =	sld [smem:$0x3F90];
	s0 =	simm.s32 @p1 $0x1  }
0x15: {  	[smem:$0x3FAD] =	sst s0;
	s0 =	simm.s32 @!p2 $0x0  }
0x16: {  	s3 =	sld [smem:$0x3FDB];
	s0 =	simm.s32 @p2 $0x1  }
0x17: {  	s4 =	simm.s32 $0x1BF5;
	[smem:$0x3FAF] =	sst s0  }
0x18: {  	s0 =	sld [smem:$0x3F92];
	_ =	swait.ge [sflag:s4], $0x0  }
0x19: {  	s7 =	sld [smem:$0x3F93]  }
0x1a: {  	s8 =	sadd.s32 $0xFFFFE003, lr  }
0x1b: {  	s9 =	sadd.s32 $0xFFFFFEF7, lr;
	s5 =	simm.s32 $0xFFFFFFFF;
	p2 =	slt.u32 s8, $0xFFFFF086  }
0x1c: {  	p1 =	slt.u32 s9, $0xF7A;
	s5 =	simm.s32 @!p2 $0x0  }
0x1d: {  	s5 =	simm.s32 @p1 $0x1;
	p0 =	seq.s32 s7, s2  }
0x1e: {  	s7 =	smul.u32 @!p0 $0xF7A, s2;
	p2 =	seq.s32 @!p0 s5, $0x0  }
0x1f: {  	s9 =	smul.u32 $0xF7A, s1;
	s8 =	simm.s32 @!p0 $0x1BF5;
	p2 =	por !p2, p0  }
0x20: {  	[sflag:s8] =	ssyncset.s32 @!p0 $0xFFFFF086;
	s6 =	sadd.s32 @!p0 s3, s7;
	s7 =	simm.s32 @!p0 $0x108  }
0x21: {  	s3 =	sadd.s32 s3, s9;
	s6 =	sadd.s32 @!p0 $0x88, s6;
	s7 =	simm.s32 @p2 $0x1082  }
0x22: {  	[simem:s7], [sflag:s8] =	dma.local @!p0 [hbm:s6], $0xF7A  }
0x23: {  	s9 =	sor.u32 $0xD0000000, s2;
	s6 =	simm.s32 $0x108;
	_ =	swait.ge @!p0 [sflag:s8], $0x0  }
0x24: {  	s3 =	sadd.s32 $0x88, s3;
	s6 =	simm.s32 @!p1 $0x1082;
	[sflag:s4] =	ssyncset.s32 $0xFFFFF086  }
0x25: {  	[simem:s6], [sflag:s4] =	dma.local [hbm:s3], $0xF7A  }
0x26: {  	[smem:$0x3F93] =	sst s1;
	(tag) =	ssettag s2;
	_ =	strace s9  }
0x27: {  	s1 =	sld [smem:$0x3FA3]  }
0x28: {  	s2 =	sld [smem:$0x3FA4]  }
0x29: {  	s4 =	sld [smem:$0x3FA6]  }
0x2a: {  	p0 =	seq.s32 s5, $0x0;
	s5 =	sld [smem:$0x3FA7]  }
0x2b: {  	s6 =	sld [smem:$0x3FA8]  }
0x2c: {  	s7 =	sld [smem:$0x3FA9]  }
0x2d: {  	s3 =	simm.s32 $0x108;
	s8 =	sld [smem:$0x3FAA]  }
0x2e: {  	s3 =	simm.s32 @!p0 $0x1082;
	s9 =	sld [smem:$0x3FAB]  }
0x2f: {  	lr =	sadd.s32 s0, s3;
	s0 =	sld [smem:$0x3FA2]  }
0x30: {  	s3 =	sld [smem:$0x3FA5]  }
0x31: {  	[smem:$0x3FAE] =	sst s10  }
0x32: {  	s10 =	sld [smem:$0x3FAC];
	_ =	sdelay $0x3  }
0x33: {  	p0 =	seq.s32 s10, $0x1;
	s10 =	sld [smem:$0x3FAE];
	_ =	sdelay $0x3  }
0x34: {  	[smem:$0x3FAE] =	sst s10  }
0x35: {  	s10 =	sld [smem:$0x3FAD];
	_ =	sdelay $0x3  }
0x36: {  	p1 =	seq.s32 s10, $0x1;
	s10 =	sld [smem:$0x3FAE];
	_ =	sdelay $0x3  }
0x37: {  	[smem:$0x3FAE] =	sst s10  }
0x38: {  	s10 =	sld [smem:$0x3FAF]  }
0x39: {  	_ = 	snop;
	(pc) =	sbr.ind lr, $3  }
0x3a: {  	_ = 	snop  }
0x3b: {  	_ = 	snop  }
0x3c: {  	p2 =	seq.s32 s10, $0x1;
	s10 =	sld [smem:$0x3FAE]  }
0x3d: {  	_ =	shalt  }
0x3e: {  	_ =	shalt  }
0x3f: {  	_ =	shalt  }
0x40: {  	_ =	shalt  }
0x41: {  	_ =	shalt  }
0x42: {  	_ =	shalt  }
0x43: {  	_ =	shalt  }
0x44: {  	_ =	shalt  }
0x45: {  	_ =	shalt  }
0x46: {  	_ =	shalt  }
0x47: {  	_ =	shalt  }
0x48: {  	_ =	shalt  }
0x49: {  	_ =	shalt  }
0x4a: {  	_ =	shalt  }
0x4b: {  	_ =	shalt  }
0x4c: {  	_ =	shalt  }
0x4d: {  	_ =	shalt  }
0x4e: {  	_ =	shalt  }
0x4f: {  	_ =	shalt  }
0x50: {  	_ =	shalt  }
0x51: {  	_ =	shalt  }
0x52: {  	_ =	shalt  }
0x53: {  	_ =	shalt  }
0x54: {  	_ =	shalt  }
0x55: {  	_ =	shalt  }
0x56: {  	_ =	shalt  }
0x57: {  	_ =	shalt  }
0x58: {  	_ =	shalt  }
0x59: {  	_ =	shalt  }
0x5a: {  	_ =	shalt  }
0x5b: {  	_ =	shalt  }
0x5c: {  	_ =	shalt  }
0x5d: {  	_ =	shalt  }
0x5e: {  	_ =	shalt  }
0x5f: {  	_ =	shalt  }
0x60: {  	_ =	shalt  }
0x61: {  	_ =	shalt  }
0x62: {  	_ =	shalt  }
0x63: {  	_ =	shalt  }
0x64: {  	_ =	shalt  }
0x65: {  	_ =	shalt  }
0x66: {  	_ =	shalt  }
0x67: {  	_ =	shalt  }
0x68: {  	_ =	shalt  }
0x69: {  	_ =	shalt  }
0x6a: {  	_ =	shalt  }
0x6b: {  	_ =	shalt  }
0x6c: {  	_ =	shalt  }
0x6d: {  	_ =	shalt  }
0x6e: {  	_ =	shalt  }
0x6f: {  	_ =	shalt  }
0x70: {  	_ =	shalt  }
0x71: {  	_ =	shalt  }
0x72: {  	_ =	shalt  }
0x73: {  	_ =	shalt  }
0x74: {  	_ =	shalt  }
0x75: {  	_ =	shalt  }
0x76: {  	_ =	shalt  }
0x77: {  	_ =	shalt  }
0x78: {  	_ =	shalt  }
0x79: {  	_ =	shalt  }
0x7a: {  	_ =	shalt  }
0x7b: {  	_ =	shalt  }
0x7c: {  	_ =	shalt  }
0x7d: {  	_ =	shalt  }
0x7e: {  	_ =	shalt  }
0x7f: {  	_ =	shalt  }
0x80: {  	_ =	shalt  }
0x81: {  	_ =	shalt  }
0x82: {  	_ =	shalt  }
0x83: {  	_ =	shalt  }
0x84: {  	_ =	shalt  }
0x85: {  	_ =	shalt  }
0x86: {  	_ =	shalt  }
0x87: {  	_ =	shalt  }
.Lfunc_end0:
.L_simem_size_0:
called_computation_lowered:
.L_overlay_start_0:
0x88: {  	s2 =	sld [smem:$0x3FD9]  }
0x89: {  	s3 =	sld [smem:$0x3FFE];
	_ =	sdelay $0x1  }
0x8a: {  	s1 =	srdreg.scid  }
0x8b: {  	s0 =	sand.u32 $0x1, s1  }
0x8c: {  	s14 =	sshll.u32 s0, $0xA;
	s2 =	sadd.s32 s3, s2  }
0x8d: {  	s2 =	sadd.s32 s2, s14  }
0x8e: {  	[smem:$0x3FBA] =	sst s2  }
0x8f: {  	_ = 	snop  }
0x90: {  	s2 =	sld [smem:$0x3FD0];
	_ =	sdelay $0x2  }
0x91: {  	s15 =	simm.s32 $0xB;
	s4 =	simm.s32 $0x10  }
0x92: {  	[smem:s4], [sflag:s15] =	dma.local [hbm:s2], $0x1  }
0x93: {  	_ =	swait.eq [sflag:s15], $0x1  }
0x94: {  	[sflag:s15] =	ssyncset.done $0x0  }
0x95: {  	[sflag:s15] =	ssyncadd.s32 $0xFFFFFFFF  }
0x96: {  	s16 =	sld [smem:$0x11];
	(tm) =	ssettm $0x1  }
0x97: {  	s17 =	sld [smem:$0x3FFB];
	_ =	sdelay $0x3  }
0x98: {  	_ =	strace s17  }
0x99: {  	s3 =	sld [smem:$0x3FFC];
	_ =	sdelay $0x3  }
0x9a: {  	_ =	strace s3  }
0x9b: {  	s3 =	sld [smem:$0x3FFD];
	_ =	sdelay $0x3  }
0x9c: {  	_ =	strace s3  }
0x9d: {  	_ =	strace $0x8FFFFFFF  }
0x9e: {  	s18 =	sld [smem:$0x3FDB];
	_ =	sdelay $0x1  }
0x9f: {  	s19 =	simm.s32 $_scs_section_size  }
0xa0: {  	s5 =	simm.s32 $_size__tile_overlayer_lowered;
	s6 =	simm.s32 $_tile_overlayer_lowered  }
0xa1: {  	s22 =	simm.s32 $0x1BFF;
	s21 =	sshll.u32 s6, $0x1;
	s3 =	sadd.s32 s19, s18  }
0xa2: {  	s7 =	simm.s32 $0x0;
	s20 =	sshll.u32 s5, $0x1;
	s5 =	sadd.s32 s21, s3  }
0xa3: {  	[timem:s7], [sflag:s22] =	dma.local [hbm:s5], s20  }
0xa4: {  	_ =	swait.ge [sflag:s22], s20  }
0xa5: {  	s4 =	ssub.s32 $0x0, s20;
	[sflag:s22] =	ssyncset.done $0x0  }
0xa6: {  	[sflag:s22] =	ssyncadd.s32 s4;
	_ =	sdelay $0x1  }
0xa7: {  	s23 =	simm.s32 $0x1B8B  }
0xa8: {  	_ =	swait.ge [sflag:s23], $0x1  }
0xa9: {  	[sflag:s23] =	ssyncset.done $0x0  }
0xaa: {  	s25 =	simm.s32 $0x1B8E;
	s24 =	sld [smem:$0x3FFE];
	[sflag:s23] =	ssyncadd.s32 $0xFFFFFFFF  }
0xab: {  	s26 =	simm.s32 $execute0_lowered;
	[smem:$0x3FD2] =	sst s25  }
0xac: {  	s5 =	sshll.u32 s26, $0x1;
	_ =	strace $0x80000046;
	[dreg:$0x1] =	wrdreg $0xFFFFFFFF  }
0xad: {  	s28 =	simm.s32 $_size_execute0_lowered;
	s3 =	sadd.s32 s3, s5;
	[dreg:$0x0] =	wrdreg $0x0  }
0xae: {  	s5 =	sshll.u32 s28, $0x1;
	[dreg:$0x2] =	wrdreg s3  }
0xaf: {  	[dreg:$0x3] =	wrdreg s5  }
0xb0: {  	[dreg:$0x4] =	wrdreg $0xC0  }
0xb1: {  	_ =	task [dreg:s7], $0x5FFFF  }
0xb2: {  	[dreg:$0x1] =	wrdreg $0xFFFFFFFF  }
0xb3: {  	[dreg:$0x0] =	wrdreg $0x60  }
0xb4: {  	[dreg:$0x2] =	wrdreg s16  }
0xb5: {  	[dreg:$0x3] =	wrdreg s24  }
0xb6: {  	[dreg:$0x4] =	wrdreg $0x9  }
0xb7: {  	_ =	task.clear_ibuf [dreg:s7], $0x5FFFF;
	_ =	strace $0x90000046  }
0xb8: {  	s29 =	simm.s32 $0x9;
	_ =	strace $0x8000004F  }
0xb9: {  	_ =	swait.ge [sflag:s29], $0x1  }
0xba: {  	[sflag:s29] =	ssyncadd.s32 $0xFFFFFFFF  }
0xbb: {  	_ =	strace $0x9000004F  }
0xbc: {  	_ =	sfence  }
0xbd: {  	s30 =	sld [smem:$0x0];
	_ =	sdelay $0x2  }
0xbe: {  	s31 =	sshll.u32 s1, $0xD;
	s1 =	sshrl.u32 s1, $0x2  }
0xbf: {  	s3 =	sand.u32 $0x4000, s31;
	s1 =	sadd.s32 s1, s30  }
0xc0: {  	s0 =	sor.u32 s3, s0;
	s1 =	sshll.u32 s1, $0x11  }
0xc1: {  	s0 =	sor.u32 s1, s0  }
0xc2: {  	s0 =	sadd.s32 $0x8F2B, s0  }
0xc3: {  	[sflag:s0] =	ssyncadd.remote.s32 $0x1  }
0xc4: {  	_ =	sfence.sel $0xFFFF  }
0xc5: {  	[dreg:$0x0] =	wrdreg $0xFFFFFFFF;
	(pc) =	sbr.abs _section_cstart, $3  }
0xc6: {  	[dreg:$0x1] =	wrdreg $0xFFFFFFFF  }
0xc7: {  	_ =	task.clear_ibuf [dreg:s7], $0x2FFFF;
	_ =	strace $0x9FFFFFFF  }
0xc8: {  	(tm) =	ssettm $0x7FFFFFFF  }
0xc9: {  	_ =	shalt  }
tec
execute0_lowered:
.L_overlay_start_1:
0x0: {  	(tag) =	ssettag $0x1  }
0x1: {  	s0 =	rddreg [dreg:$0x0]  }
0x2: {  	s4 =	rddreg [dreg:$0x1]  }
0x3: {  	s1 =	simm.s32 $0x0;
	[dreg:$0x3] =	wrdreg s0  }
0x4: {  	s2 =	srdreg.scid;
	s8 =	simm.s32 $0x100;
	s0 =	rddreg [dreg:$0x2]  }
0x5: {  	s9 =	simm.s32 $0x4;
	s10 =	simm.s32 $0x0;
	[smem:$0x7FF] =	sst s1  }
0x6: {  	s3 =	sadd.s32 $0x44A00, s4;
	s5 =	sand.u32 $0x1, s2;
	s4 =	sadd.s32 $0x48A00, s4  }
0x7: {  	s2 =	stileid.u32;
	_ =	strace $0x80000047;
	[dreg:$0x5] =	wrdreg s4  }
0x8: {  	s6 =	ssub.s32 $0x2, s5;
	s5 =	sshll.u32 s5, $0x4;
	[dreg:$0x4] =	wrdreg s8  }
0x9: {  	s8 =	simm.s32 $0x5;
	s7 =	sshrl.u32 s6, $0x1;
	s5 =	sor.u32 s2, s5  }
0xa: {  	s6 =	ssub.s32 s6, s7;
	s31 =	sshll.u32 s5, $0x9;
	s4 =	sshll.u32 s5, $0x4  }
0xb: {  	s7 =	simm.s32 $0x1;
	s5 =	sadd.s32 s3, s31;
	s6 =	smax.u32 s6, $0x1  }
.LBB2_1:
0xc: {  	_ =	strace $0x80000048;
	s11 =	simm.s32 $0x1;
	p0 =	por $0x0, $0x0  }
0xd: {  	[tilespmem:s1], [sflag:$0x1] =	stream.linear.gather [hbm4b:s5+s1], $0x100, $0x200038;
	[tilespmem:$0x10200] =	vst v63  }
0xe: {  	s11 =	simm.s32 @p0 $0x0  }
0xf: {  	p4 =	por $0x1, $0x1;
	s20 =	sand.u32 $0x1, s1;
	p1 =	sne.s32 s11, $0x0  }
0x10: {  	p2 =	por $0x1, $0x1;
	s18 =	simm.s32 $0xE;
	p0 =	por !p4, !p1  }
0x11: {  	s16 =	simm.s32 $0x0;
	p5 =	por $0x0, $0x0;
	p0 =	por !p0, !p0  }
0x12: {  	s23 =	sadd.s32 $0x0, s4;
	s30 =	sadd.s32 $0x1, s20;
	s12 =	sadd.s32 @p0 s4, s11  }
0x13: {  	_ =	strace $0x90000048;
	s13 =	sand.u32 @p0 $0x1, s7;
	s12 =	sshll.u32 @p0 s12, $0x5  }
0x14: {  	_ =	strace @p0 $0x80000049;
	s15 =	simm.s32 @p0 $0x0;
	s12 =	sand.u32 @p0 $0x1FFFFFE0, s12  }
0x15: {  	s14 =	sshll.u32 @p0 s13, $0x8;
	s13 =	sadd.s32 @p0 $0x1, s13;
	s12 =	sadd.s32 @p0 s3, s12  }
0x16: {  	[tilespmem:s14], [sflag:s13] =	stream.linear.gather @p0 [hbm4b:s12+s15], $0x100, $0x200038;
	[tilespmem:$0x10200] =	vst v63  }
0x17: {  	p3 =	por p2, p2;
	s21 =	sshll.u32 s20, $0xF;
	_ =	strace @p0 $0x90000049  }
0x18: {  	s16 =	sand.u32 $0x100, s16;
	p2 =	por p5, p5;
	_ =	strace $0x8000004A  }
0x19: {  	s17 =	sadd.s32 $0x1, s11;
	s22 =	sor.u32 $0x200, s21;
	_ =	swait.ge [sflag:s30], $0x100  }
0x1a: {  	s21 =	simm.s32 $0x1;
	p6 =	por p1, p1;
	[sflag:s30] =	ssyncset.done $0x0  }
0x1b: {  	p1 =	por p3, p3;
	p4 =	por $0x1, $0x1;
	[sflag:s30] =	ssyncadd.s32 $0xFFFFFF00  }
0x1c: {  	s12 =	simm.s32 $0xF;
	s15 =	sand.u32 @!p3 $0x1, s1;
	_ =	strace $0x9000004A  }
0x1d: {  	s13 =	simm.s32 $0x1;
	p3 =	seq.s32 s17, $0x10;
	_ =	strace $0x8000004B  }
0x1e: {  	s13 =	simm.s32 @!p0 $0x0;
	s17 =	simm.s32 @p3 $0x0;
	s19 =	rddreg [dreg:$0x4]  }
0x1f: {  	p0 =	por $0x0, $0x0;
	s14 =	sadd.s32 $0x1, s13;
	s31 =	rddreg [dreg:$0x3]  }
0x20: {  	[tilespmem:s22], [sflag:$0x5] =	stream.indirect.gather [hbm4b:s31+s19], $0x80, s16, s19, $0x2000b8;
	[tilespmem:$0x10200] =	vst v63  }
0x21: {  	p3 =	sne.s32 s11, s17;
	s21 =	simm.s32 @!p0 $0x0;
	_ =	swait.ge [sflag:s8], $0x8000  }
0x22: {  	p5 =	por !p4, !p3;
	p4 =	por $0x0, $0x0;
	[sflag:s8] =	ssyncset.done $0x0  }
0x23: {  	s13 =	simm.s32 $0x0;
	p6 =	por p4, p6;
	[sflag:s8] =	ssyncadd.s32 $0xFFFF8000  }
0x24: {  	s16 =	simm.s32 $0x0;
	s19 =	simm.s32 $0x0;
	_ =	strace $0x9000004B  }
.LBB2_2:
0x25: {  	_ =	strace @p6 $0x8000004C;
	s13 =	sadd.s32 s21, s13;
	s21 =	smov.u32 s12  }
0x26: {  	s12 =	smov.u32 s18;
	s18 =	sadd.s32 $0xFFFFFFFF, s18;
	p0 =	por p3, p3  }
0x27: {  	s28 =	sshll.u32 @p6 s23, $0xC;
	s20 =	sadd.s32 @p6 $0x3, s20;
	s24 =	simm.s32 @!p0 $0x0  }
0x28: {  	s25 =	rddreg [dreg:$0x5];
	s28 =	sand.u32 @p6 $0x1FFFF000, s28;
	s24 =	simm.s32 @p0 $0x1  }
0x29: {  	s25 =	sadd.s32 @p6 s25, s28;
	s28 =	simm.s32 @p6 $0x0;
	p0 =	sne.s32 s18, $0x0  }
0x2a: {  	[hbm4b:s25+s28] =	stream.linear.scatter @p6 [tilespmem:s22], [sflag:s20], $0x8000, $0x200038;
	[tilespmem:$0x10200] =	vst v63  }
0x2b: {  	s20 =	sadd.s32 @!p1 $0x3, s15;
	s15 =	simm.s32 @!p0 $0x0  }
0x2c: {  	s26 =	simm.s32 $0x1;
	[smem:$0x7FC] =	sst s24;
	s15 =	simm.s32 @p0 $0x1  }
0x2d: {  	s26 =	simm.s32 @!p6 $0x0;
	_ =	strace @p6 $0x9000004C;
	[smem:$0x7FD] =	sst s15  }
0x2e: {  	p5 =	por !p5, !p5;
	s19 =	sadd.s32 s26, s19;
	_ =	strace @!p1 $0x8000004D  }
0x2f: {  	s24 =	sand.u32 @!p2 $0x1, s13;
	s22 =	sand.u32 @p5 $0x1, s14;
	_ =	swait.ge @!p1 [sflag:s20], $0x8000  }
0x30: {  	s15 =	smov.u32 s24;
	s24 =	sadd.s32 @p5 s4, s17;
	[sflag:s20] =	ssyncset.done @!p1 $0x0  }
0x31: {  	s25 =	sshll.u32 @p5 s22, $0x8;
	s24 =	sshll.u32 @p5 s24, $0x5;
	[sflag:s20] =	ssyncadd.s32 @!p1 $0xFFFF8000  }
0x32: {  	s20 =	sadd.s32 @p5 $0x1, s22;
	s22 =	sand.u32 @p5 $0x1FFFFFE0, s24;
	_ =	strace @!p1 $0x9000004D  }
0x33: {  	s24 =	simm.s32 @p5 $0x0;
	s22 =	sadd.s32 @p5 s3, s22;
	_ =	strace @p5 $0x80000049  }
0x34: {  	[tilespmem:s25], [sflag:s20] =	stream.linear.gather @p5 [hbm4b:s22+s24], $0x100, $0x200038;
	[tilespmem:$0x10200] =	vst v63  }
0x35: {  	s16 =	sadd.s32 s26, s16;
	s26 =	sand.u32 $0x1, s19;
	_ =	strace @p5 $0x90000049  }
0x36: {  	s24 =	sadd.s32 $0x1, s26;
	_ =	strace $0x8000004A  }
0x37: {  	_ =	swait.ge [sflag:s24], $0x100  }
0x38: {  	[sflag:s24] =	ssyncset.done $0x0  }
0x39: {  	s20 =	simm.s32 $0x1;
	[sflag:s24] =	ssyncadd.s32 $0xFFFFFF00  }
0x3a: {  	s20 =	simm.s32 @!p5 $0x0;
	_ =	strace $0x9000004A  }
0x3b: {  	s14 =	sadd.s32 s20, s14;
	s20 =	sand.u32 $0x1, s16;
	_ =	strace $0x8000004B  }
0x3c: {  	s29 =	sshll.u32 s19, $0x8;
	s25 =	sshll.u32 s20, $0xF;
	s26 =	rddreg [dreg:$0x4]  }
0x3d: {  	s29 =	sand.u32 $0x100, s29;
	s22 =	sor.u32 $0x200, s25;
	s30 =	rddreg [dreg:$0x3]  }
0x3e: {  	[tilespmem:s22], [sflag:$0x5] =	stream.indirect.gather [hbm4b:s30+s26], $0x80, s29, s26, $0x2000b8;
	[tilespmem:$0x10200] =	vst v63  }
0x3f: {  	_ =	swait.ge [sflag:s8], $0x8000  }
0x40: {  	s31 =	sadd.s32 $0x1, s17;
	[sflag:s8] =	ssyncset.done $0x0  }
0x41: {  	s23 =	sadd.s32 s4, s11;
	s11 =	smov.u32 s17;
	[sflag:s8] =	ssyncadd.s32 $0xFFFF8000  }
0x42: {  	p3 =	seq.s32 s31, $0x10;
	s17 =	smov.u32 s31;
	_ =	strace $0x9000004B  }
0x43: {  	s17 =	simm.s32 @p3 $0x0;
	s31 =	sld [smem:$0x7FD]  }
0x44: {  	p6 =	sne.s32 s12, $0x1;
	p0 =	sne.s32 s21, $0x10;
	p3 =	sne.s32 s11, s17  }
0x45: {  	p5 =	por !p6, !p3;
	p6 =	seq.s32 s21, $0x1;
	s21 =	simm.s32 $0x1  }
0x46: {  	s21 =	simm.s32 @!p0 $0x0;
	p0 =	seq.s32 s31, $0x1  }
.Ltmp0:
0x47: {  	s30 =	sld [smem:$0x7FC];
	(pc) =	sbr.rel @p0 .LBB2_2-.Ltmp0, $4  }
0x48: {  	_ = 	snop  }
0x49: {  	p4 =	seq.s32 s12, $0x10  }
0x4a: {  	p1 =	por p2, p2;
	p2 =	por p4, p4;
	p4 =	seq.s32 s30, $0x1  }
0x4b: {  	p6 =	por p6, p4  }
0x4c: {  	_ =	strace @p6 $0x8000004C;
	s23 =	sshll.u32 @p6 s23, $0xC  }
0x4d: {  	s18 =	rddreg [dreg:$0x5];
	s23 =	sand.u32 @p6 $0x1FFFF000, s23  }
0x4e: {  	s20 =	sadd.s32 @p6 $0x3, s20;
	s18 =	sadd.s32 @p6 s18, s23;
	s23 =	simm.s32 @p6 $0x0  }
0x4f: {  	[hbm4b:s18+s23] =	stream.linear.scatter @p6 [tilespmem:s22], [sflag:s20], $0x8000, $0x200038;
	[tilespmem:$0x10200] =	vst v63  }
0x50: {  	p0 =	por !p5, !p5;
	_ =	strace @p6 $0x9000004C  }
0x51: {  	s15 =	sadd.s32 @!p1 $0x3, s15;
	s17 =	sadd.s32 @p0 s4, s17;
	_ =	strace @!p1 $0x8000004D  }
0x52: {  	s14 =	sand.u32 @p0 $0x1, s14;
	s17 =	sshll.u32 @p0 s17, $0x5;
	_ =	swait.ge @!p1 [sflag:s15], $0x8000  }
0x53: {  	s18 =	simm.s32 $0x1;
	s20 =	sshll.u32 @p0 s14, $0x8;
	[sflag:s15] =	ssyncset.done @!p1 $0x0  }
0x54: {  	s14 =	sadd.s32 @p0 $0x1, s14;
	s18 =	simm.s32 @!p6 $0x0;
	[sflag:s15] =	ssyncadd.s32 @!p1 $0xFFFF8000  }
0x55: {  	s19 =	sadd.s32 s18, s19;
	s15 =	sand.u32 @p0 $0x1FFFFFE0, s17;
	_ =	strace @!p1 $0x9000004D  }
0x56: {  	s17 =	simm.s32 @p0 $0x0;
	s15 =	sadd.s32 @p0 s3, s15;
	_ =	strace @p0 $0x80000049  }
0x57: {  	[tilespmem:s20], [sflag:s14] =	stream.linear.gather @p0 [hbm4b:s15+s17], $0x100, $0x200038;
	[tilespmem:$0x10200] =	vst v63  }
0x58: {  	s25 =	sand.u32 $0x1, s19;
	_ =	strace @p0 $0x90000049  }
0x59: {  	s14 =	sadd.s32 $0x1, s25;
	_ =	strace $0x8000004A  }
0x5a: {  	_ =	swait.ge [sflag:s14], $0x100  }
0x5b: {  	[sflag:s14] =	ssyncset.done $0x0  }
0x5c: {  	[sflag:s14] =	ssyncadd.s32 $0xFFFFFF00  }
0x5d: {  	s26 =	sadd.s32 s18, s16;
	_ =	strace $0x9000004A  }
0x5e: {  	s14 =	sand.u32 $0x1, s26;
	_ =	strace $0x8000004B  }
0x5f: {  	s30 =	sshll.u32 s19, $0x8;
	s31 =	sshll.u32 s14, $0xF;
	s28 =	rddreg [dreg:$0x4]  }
0x60: {  	s17 =	sand.u32 $0x100, s30;
	s18 =	sor.u32 $0x200, s31;
	s29 =	rddreg [dreg:$0x3]  }
0x61: {  	[tilespmem:s18], [sflag:$0x5] =	stream.indirect.gather [hbm4b:s29+s28], $0x80, s17, s28, $0x2000b8;
	[tilespmem:$0x10200] =	vst v63  }
0x62: {  	_ =	swait.ge [sflag:s8], $0x8000  }
0x63: {  	[sflag:s8] =	ssyncset.done $0x0  }
0x64: {  	p5 =	por p3, p3;
	p6 =	seq.s32 s12, $0x1;
	[sflag:s8] =	ssyncadd.s32 $0xFFFF8000  }
0x65: {  	s11 =	sadd.s32 s4, s11;
	p0 =	por p6, p5;
	_ =	strace $0x9000004B  }
0x66: {  	s11 =	sshll.u32 @p0 s11, $0xC;
	_ =	strace @p0 $0x8000004C  }
0x67: {  	s13 =	sadd.s32 s21, s13;
	s11 =	sand.u32 @p0 $0x1FFFF000, s11;
	s12 =	rddreg [dreg:$0x5]  }
0x68: {  	s14 =	sadd.s32 @p0 $0x3, s14;
	s11 =	sadd.s32 @p0 s12, s11;
	s12 =	simm.s32 @p0 $0x0  }
0x69: {  	[hbm4b:s11+s12] =	stream.linear.scatter @p0 [tilespmem:s18], [sflag:s14], $0x8000, $0x200038;
	[tilespmem:$0x10200] =	vst v63  }
0x6a: {  	p1 =	por p2, p2;
	s11 =	sand.u32 @!p2 $0x1, s13;
	_ =	strace @p0 $0x9000004C  }
0x6b: {  	s11 =	sadd.s32 @!p1 $0x3, s11;
	_ =	strace @!p1 $0x8000004D  }
0x6c: {  	_ =	swait.ge @!p1 [sflag:s11], $0x8000  }
0x6d: {  	[sflag:s11] =	ssyncset.done @!p1 $0x0  }
0x6e: {  	s10 =	sadd.s32 $0x1, s10;
	[sflag:s11] =	ssyncadd.s32 @!p1 $0xFFFF8000  }
0x6f: {  	p0 =	sne.s32 s10, s6;
	_ =	strace @!p1 $0x9000004D  }
.Ltmp1:
0x70: {  	_ =	strace $0x8000004E;
	(pc) =	sbr.rel @p0 .LBB2_1-.Ltmp1, $4  }
0x71: {  	_ =	swait.ge [sflag:s9], $0x8000  }
0x72: {  	[sflag:s9] =	ssyncset.done $0x0  }
0x73: {  	[sflag:s9] =	ssyncadd.s32 $0xFFFF8000  }
0x74: {  	_ =	strace $0x9000004E  }
0x75: {  	_ =	sfence.sel $0x180000  }
0x76: {  	[bflag:$0x0] =	sbarrier.arrive $0xFFFF  }
0x77: {  	p0 =	sne.s32 s2, $0x0;
	_ =	strace $0x90000047  }
0x78: {  	s0 =	sadd.s32 @!p0 $0x100000, s0;
	[bflag:$0x2] =	sbarrier.arrive $0xFFFF  }
0x79: {  	[sflag:s0] =	ssyncadd.tile.s32 @!p0 $0x1;
	_ =	shalt  }
.Lfunc_end2:
_tile_overlayer_lowered:
.L_overlay_start_2:
0x7a: {  	(tag) =	ssettag $0x2  }
0x7b: {  	s0 =	rddreg [dreg:$0x0];
	s2 =	stileid.u32  }
0x7c: {  	s1 =	rddreg [dreg:$0x1];
	p0 =	sne.s32 s2, $0x0  }
0x7d: {  	s3 =	rddreg [dreg:$0x2];
	[bflag:$0x3] =	sbarrier.arrive $0xFFFF;
	s2 =	simm.s32 @!p0 $0x1C01  }
0x7e: {  	[timem:s3], [sflag:s2] =	dma.local @!p0 [hbm:s0], s1  }
0x7f: {  	s0 =	simm.s32 @!p0 $0x1  }
0x80: {  	_ =	swait.ge @!p0 [sflag:s0], s1  }
0x81: {  	s1 =	ssub.s32 @!p0 $0x0, s1;
	[sflag:s0] =	ssyncset.done @!p0 $0x0  }
0x82: {  	[sflag:s0] =	ssyncadd.s32 @!p0 s1  }
0x83: {  	[bflag:$0x3] =	sbarrier.arrive $0xFFFF  }
0x84: {  	_ =	shalt  }

// kernel: kernel.16.cloned.1.call-start
scs
__scs_entry_jumppad:
0x0: {  	(pc) =	sbr.rel $0x88, $3  }
0x1: {  	(tag) =	ssettag $0x0;
	lr =	simm.s32 $0x1  }
0x2: {  	[smem:$0x3F93] =	sst lr;
	_ =	strace $0xD0000000  }
0x3: {  	_ = 	snop  }
0x4: {  	_ = 	snop  }
0x5: {  	_ = 	snop  }
0x6: {  	_ = 	snop  }
0x7: {  	_ = 	snop  }
__scs_overlays_trampoline_lowered:
0x8: {  	[smem:$0x3FA2] =	sst s0  }
0x9: {  	[smem:$0x3FA3] =	sst s1  }
0xa: {  	[smem:$0x3FA4] =	sst s2  }
0xb: {  	[smem:$0x3FA5] =	sst s3  }
0xc: {  	[smem:$0x3FA6] =	sst s4  }
0xd: {  	[smem:$0x3FA7] =	sst s5  }
0xe: {  	[smem:$0x3FA8] =	sst s6  }
0xf: {  	[smem:$0x3FA9] =	sst s7  }
0x10: {  	[smem:$0x3FAA] =	sst s8  }
0x11: {  	[smem:$0x3FAB] =	sst s9;
	s0 =	simm.s32 @!p0 $0x0  }
0x12: {  	s1 =	sld [smem:$0x3F91];
	s0 =	simm.s32 @p0 $0x1  }
0x13: {  	[smem:$0x3FAC] =	sst s0;
	s0 =	simm.s32 @!p1 $0x0  }
0x14: {  	s2 =	sld [smem:$0x3F90];
	s0 =	simm.s32 @p1 $0x1  }
0x15: {  	[smem:$0x3FAD] =	sst s0;
	s0 =	simm.s32 @!p2 $0x0  }
0x16: {  	s3 =	sld [smem:$0x3FDB];
	s0 =	simm.s32 @p2 $0x1  }
0x17: {  	s4 =	simm.s32 $0x1BF5;
	[smem:$0x3FAF] =	sst s0  }
0x18: {  	s0 =	sld [smem:$0x3F92];
	_ =	swait.ge [sflag:s4], $0x0  }
0x19: {  	s7 =	sld [smem:$0x3F93]  }
0x1a: {  	s8 =	sadd.s32 $0xFFFFE003, lr  }
0x1b: {  	s9 =	sadd.s32 $0xFFFFFEF7, lr;
	s5 =	simm.s32 $0xFFFFFFFF;
	p2 =	slt.u32 s8, $0xFFFFF086  }
0x1c: {  	p1 =	slt.u32 s9, $0xF7A;
	s5 =	simm.s32 @!p2 $0x0  }
0x1d: {  	s5 =	simm.s32 @p1 $0x1;
	p0 =	seq.s32 s7, s2  }
0x1e: {  	s7 =	smul.u32 @!p0 $0xF7A, s2;
	p2 =	seq.s32 @!p0 s5, $0x0  }
0x1f: {  	s9 =	smul.u32 $0xF7A, s1;
	s8 =	simm.s32 @!p0 $0x1BF5;
	p2 =	por !p2, p0  }
0x20: {  	[sflag:s8] =	ssyncset.s32 @!p0 $0xFFFFF086;
	s6 =	sadd.s32 @!p0 s3, s7;
	s7 =	simm.s32 @!p0 $0x108  }
0x21: {  	s3 =	sadd.s32 s3, s9;
	s6 =	sadd.s32 @!p0 $0x88, s6;
	s7 =	simm.s32 @p2 $0x1082  }
0x22: {  	[simem:s7], [sflag:s8] =	dma.local @!p0 [hbm:s6], $0xF7A  }
0x23: {  	s9 =	sor.u32 $0xD0000000, s2;
	s6 =	simm.s32 $0x108;
	_ =	swait.ge @!p0 [sflag:s8], $0x0  }
0x24: {  	s3 =	sadd.s32 $0x88, s3;
	s6 =	simm.s32 @!p1 $0x1082;
	[sflag:s4] =	ssyncset.s32 $0xFFFFF086  }
0x25: {  	[simem:s6], [sflag:s4] =	dma.local [hbm:s3], $0xF7A  }
0x26: {  	[smem:$0x3F93] =	sst s1;
	(tag) =	ssettag s2;
	_ =	strace s9  }
0x27: {  	s1 =	sld [smem:$0x3FA3]  }
0x28: {  	s2 =	sld [smem:$0x3FA4]  }
0x29: {  	s4 =	sld [smem:$0x3FA6]  }
0x2a: {  	p0 =	seq.s32 s5, $0x0;
	s5 =	sld [smem:$0x3FA7]  }
0x2b: {  	s6 =	sld [smem:$0x3FA8]  }
0x2c: {  	s7 =	sld [smem:$0x3FA9]  }
0x2d: {  	s3 =	simm.s32 $0x108;
	s8 =	sld [smem:$0x3FAA]  }
0x2e: {  	s3 =	simm.s32 @!p0 $0x1082;
	s9 =	sld [smem:$0x3FAB]  }
0x2f: {  	lr =	sadd.s32 s0, s3;
	s0 =	sld [smem:$0x3FA2]  }
0x30: {  	s3 =	sld [smem:$0x3FA5]  }
0x31: {  	[smem:$0x3FAE] =	sst s10  }
0x32: {  	s10 =	sld [smem:$0x3FAC];
	_ =	sdelay $0x3  }
0x33: {  	p0 =	seq.s32 s10, $0x1;
	s10 =	sld [smem:$0x3FAE];
	_ =	sdelay $0x3  }
0x34: {  	[smem:$0x3FAE] =	sst s10  }
0x35: {  	s10 =	sld [smem:$0x3FAD];
	_ =	sdelay $0x3  }
0x36: {  	p1 =	seq.s32 s10, $0x1;
	s10 =	sld [smem:$0x3FAE];
	_ =	sdelay $0x3  }
0x37: {  	[smem:$0x3FAE] =	sst s10  }
0x38: {  	s10 =	sld [smem:$0x3FAF]  }
0x39: {  	_ = 	snop;
	(pc) =	sbr.ind lr, $3  }
0x3a: {  	_ = 	snop  }
0x3b: {  	_ = 	snop  }
0x3c: {  	p2 =	seq.s32 s10, $0x1;
	s10 =	sld [smem:$0x3FAE]  }
0x3d: {  	_ =	shalt  }
0x3e: {  	_ =	shalt  }
0x3f: {  	_ =	shalt  }
0x40: {  	_ =	shalt  }
0x41: {  	_ =	shalt  }
0x42: {  	_ =	shalt  }
0x43: {  	_ =	shalt  }
0x44: {  	_ =	shalt  }
0x45: {  	_ =	shalt  }
0x46: {  	_ =	shalt  }
0x47: {  	_ =	shalt  }
0x48: {  	_ =	shalt  }
0x49: {  	_ =	shalt  }
0x4a: {  	_ =	shalt  }
0x4b: {  	_ =	shalt  }
0x4c: {  	_ =	shalt  }
0x4d: {  	_ =	shalt  }
0x4e: {  	_ =	shalt  }
0x4f: {  	_ =	shalt  }
0x50: {  	_ =	shalt  }
0x51: {  	_ =	shalt  }
0x52: {  	_ =	shalt  }
0x53: {  	_ =	shalt  }
0x54: {  	_ =	shalt  }
0x55: {  	_ =	shalt  }
0x56: {  	_ =	shalt  }
0x57: {  	_ =	shalt  }
0x58: {  	_ =	shalt  }
0x59: {  	_ =	shalt  }
0x5a: {  	_ =	shalt  }
0x5b: {  	_ =	shalt  }
0x5c: {  	_ =	shalt  }
0x5d: {  	_ =	shalt  }
0x5e: {  	_ =	shalt  }
0x5f: {  	_ =	shalt  }
0x60: {  	_ =	shalt  }
0x61: {  	_ =	shalt  }
0x62: {  	_ =	shalt  }
0x63: {  	_ =	shalt  }
0x64: {  	_ =	shalt  }
0x65: {  	_ =	shalt  }
0x66: {  	_ =	shalt  }
0x67: {  	_ =	shalt  }
0x68: {  	_ =	shalt  }
0x69: {  	_ =	shalt  }
0x6a: {  	_ =	shalt  }
0x6b: {  	_ =	shalt  }
0x6c: {  	_ =	shalt  }
0x6d: {  	_ =	shalt  }
0x6e: {  	_ =	shalt  }
0x6f: {  	_ =	shalt  }
0x70: {  	_ =	shalt  }
0x71: {  	_ =	shalt  }
0x72: {  	_ =	shalt  }
0x73: {  	_ =	shalt  }
0x74: {  	_ =	shalt  }
0x75: {  	_ =	shalt  }
0x76: {  	_ =	shalt  }
0x77: {  	_ =	shalt  }
0x78: {  	_ =	shalt  }
0x79: {  	_ =	shalt  }
0x7a: {  	_ =	shalt  }
0x7b: {  	_ =	shalt  }
0x7c: {  	_ =	shalt  }
0x7d: {  	_ =	shalt  }
0x7e: {  	_ =	shalt  }
0x7f: {  	_ =	shalt  }
0x80: {  	_ =	shalt  }
0x81: {  	_ =	shalt  }
0x82: {  	_ =	shalt  }
0x83: {  	_ =	shalt  }
0x84: {  	_ =	shalt  }
0x85: {  	_ =	shalt  }
0x86: {  	_ =	shalt  }
0x87: {  	_ =	shalt  }
.Lfunc_end0:
.L_simem_size_0:
called_computation.1_lowered:
.L_overlay_start_0:
0x88: {  	s2 =	sld [smem:$0x3FD9]  }
0x89: {  	s3 =	sld [smem:$0x3FFE];
	_ =	sdelay $0x1  }
0x8a: {  	s1 =	srdreg.scid  }
0x8b: {  	s0 =	sand.u32 $0x1, s1  }
0x8c: {  	s17 =	sshll.u32 s0, $0xA;
	s2 =	sadd.s32 s3, s2  }
0x8d: {  	s2 =	sadd.s32 s2, s17  }
0x8e: {  	[smem:$0x3FBA] =	sst s2  }
0x8f: {  	_ = 	snop  }
0x90: {  	(tm) =	ssettm $0x1  }
0x91: {  	s18 =	sld [smem:$0x3FFB];
	_ =	sdelay $0x3  }
0x92: {  	_ =	strace s18  }
0x93: {  	s2 =	sld [smem:$0x3FFC];
	_ =	sdelay $0x3  }
0x94: {  	_ =	strace s2  }
0x95: {  	s2 =	sld [smem:$0x3FFD];
	_ =	sdelay $0x3  }
0x96: {  	_ =	strace s2  }
0x97: {  	_ =	strace $0x8FFFFFFF  }
0x98: {  	s19 =	sld [smem:$0x3FDB];
	_ =	sdelay $0x1  }
0x99: {  	s20 =	simm.s32 $_scs_section_size  }
0x9a: {  	s4 =	simm.s32 $_size__tile_overlayer_lowered;
	s5 =	simm.s32 $_tile_overlayer_lowered  }
0x9b: {  	s6 =	simm.s32 $0x1BFF;
	s21 =	sshll.u32 s5, $0x1;
	s3 =	sadd.s32 s20, s19  }
0x9c: {  	s22 =	simm.s32 $0x0;
	s4 =	sshll.u32 s4, $0x1;
	s5 =	sadd.s32 s21, s3  }
0x9d: {  	[timem:s22], [sflag:s6] =	dma.local [hbm:s5], s4  }
0x9e: {  	_ =	swait.ge [sflag:s6], s4  }
0x9f: {  	s4 =	ssub.s32 $0x0, s4;
	[sflag:s6] =	ssyncset.done $0x0  }
0xa0: {  	[sflag:s6] =	ssyncadd.s32 s4;
	_ =	sdelay $0x1  }
0xa1: {  	s23 =	simm.s32 $0x1B8B  }
0xa2: {  	_ =	swait.ge [sflag:s23], $0x1  }
0xa3: {  	[sflag:s23] =	ssyncset.done $0x0  }
0xa4: {  	[sflag:s23] =	ssyncadd.s32 $0xFFFFFFFF  }
0xa5: {  	s4 =	sld [smem:$0x0]  }
0xa6: {  	s5 =	sand.u32 $0xFFFFFFFE, s1  }
0xa7: {  	p0 =	sne.s32 s1, s5  }
0xa8: {  	s5 =	sshll.u32 @p0 s5, $0xE  }
0xa9: {  	s5 =	sadd.s32 @p0 $0x11B8D, s5;
	s6 =	sshll.u32 @p0 s4, $0x11  }
0xaa: {  	s5 =	sor.u32 @p0 s6, s5  }
0xab: {  	[sflag:s5] =	ssyncadd.remote.s32 @p0 $0x1;
	_ =	sdelay $0x1  }
0xac: {  	s5 =	simm.s32 @p0 $0x1B8D  }
0xad: {  	_ =	swait.eq @p0 [sflag:s5], $0x1  }
0xae: {  	[sflag:s5] =	ssyncadd.s32 @p0 $0xFFFFFFFF  }
0xaf: {  	s6 =	sshll.u32 @!p0 s1, $0xE  }
0xb0: {  	s6 =	sor.u32 @!p0 $0x4000, s6;
	s5 =	simm.s32 @!p0 $0x1B8D  }
0xb1: {  	s4 =	sshll.u32 @!p0 s4, $0x11;
	s6 =	sadd.s32 @!p0 $0x11B8D, s6;
	_ =	swait.eq @!p0 [sflag:s5], $0x1  }
0xb2: {  	s4 =	sor.u32 @!p0 s4, s6;
	[sflag:s5] =	ssyncadd.s32 @!p0 $0xFFFFFFFF  }
0xb3: {  	s25 =	simm.s32 $0x1B8E;
	s24 =	sld [smem:$0x3FFE];
	[sflag:s4] =	ssyncadd.remote.s32 @!p0 $0x1  }
0xb4: {  	s26 =	simm.s32 $execute0_lowered;
	[smem:$0x3FD2] =	sst s25  }
0xb5: {  	s5 =	sshll.u32 s26, $0x1;
	_ =	strace $0x80000050;
	[dreg:$0x1] =	wrdreg $0xFFFFFFFF  }
0xb6: {  	s28 =	simm.s32 $_size_execute0_lowered;
	s3 =	sadd.s32 s3, s5;
	[dreg:$0x0] =	wrdreg $0x0  }
0xb7: {  	s5 =	sshll.u32 s28, $0x1;
	[dreg:$0x2] =	wrdreg s3  }
0xb8: {  	[dreg:$0x3] =	wrdreg s5  }
0xb9: {  	[dreg:$0x4] =	wrdreg $0xC0  }
0xba: {  	_ =	task [dreg:s22], $0x5FFFF  }
0xbb: {  	[dreg:$0x1] =	wrdreg $0xFFFFFFFF  }
0xbc: {  	[dreg:$0x0] =	wrdreg $0x60  }
0xbd: {  	[dreg:$0x2] =	wrdreg s24  }
0xbe: {  	[dreg:$0x3] =	wrdreg $0xA  }
0xbf: {  	_ =	task.clear_ibuf [dreg:s22], $0x4FFFF;
	_ =	strace $0x90000050  }
0xc0: {  	s29 =	simm.s32 $0xA;
	_ =	strace $0x80000059  }
0xc1: {  	_ =	swait.ge [sflag:s29], $0x1  }
0xc2: {  	[sflag:s29] =	ssyncadd.s32 $0xFFFFFFFF  }
0xc3: {  	_ =	strace $0x90000059  }
0xc4: {  	_ =	sfence  }
0xc5: {  	s30 =	sld [smem:$0x0];
	_ =	sdelay $0x2  }
0xc6: {  	s31 =	sshll.u32 s1, $0xD;
	s1 =	sshrl.u32 s1, $0x2  }
0xc7: {  	s4 =	sand.u32 $0x4000, s31;
	s1 =	sadd.s32 s1, s30  }
0xc8: {  	s0 =	sor.u32 s4, s0;
	s1 =	sshll.u32 s1, $0x11  }
0xc9: {  	s0 =	sor.u32 s1, s0  }
0xca: {  	s0 =	sadd.s32 $0x8F2B, s0  }
0xcb: {  	[sflag:s0] =	ssyncadd.remote.s32 $0x1  }
0xcc: {  	_ =	sfence.sel $0xFFFF  }
0xcd: {  	[dreg:$0x0] =	wrdreg $0xFFFFFFFF;
	(pc) =	sbr.abs _section_cstart, $3  }
0xce: {  	[dreg:$0x1] =	wrdreg $0xFFFFFFFF  }
0xcf: {  	_ =	task.clear_ibuf [dreg:s22], $0x2FFFF;
	_ =	strace $0x9FFFFFFF  }
0xd0: {  	(tm) =	ssettm $0x7FFFFFFF  }
0xd1: {  	_ =	shalt  }
tec
execute0_lowered:
.L_overlay_start_1:
0x0: {  	(tag) =	ssettag $0x1  }
0x1: {  	s4 =	rddreg [dreg:$0x0]  }
0x2: {  	s0 =	rddreg [dreg:$0x1];
	s1 =	simm.s32 $0x0;
	s5 =	srdreg.scid  }
0x3: {  	s8 =	simm.s32 $0x100;
	s9 =	simm.s32 $0x4;
	s10 =	simm.s32 $0x0  }
0x4: {  	[smem:$0x7FF] =	sst s1;
	s2 =	sadd.s32 $0x24A00, s4;
	s3 =	sadd.s32 $0x248A00, s4  }
0x5: {  	s4 =	sadd.s32 $0x24CA00, s4;
	_ =	strace $0x80000051;
	[dreg:$0x2] =	wrdreg s2  }
0x6: {  	s5 =	sand.u32 $0x1, s5;
	s2 =	stileid.u32;
	[dreg:$0x4] =	wrdreg s4  }
0x7: {  	s6 =	ssub.s32 $0x2, s5;
	s5 =	sshll.u32 s5, $0x4;
	[dreg:$0x3] =	wrdreg s8  }
0x8: {  	s8 =	simm.s32 $0x5;
	s7 =	sshrl.u32 s6, $0x1;
	s5 =	sor.u32 s2, s5  }
0x9: {  	s6 =	ssub.s32 s6, s7;
	s31 =	sshll.u32 s5, $0x9;
	s4 =	sshll.u32 s5, $0x4  }
0xa: {  	s7 =	simm.s32 $0x1;
	s5 =	sadd.s32 s3, s31;
	s6 =	smax.u32 s6, $0x1  }
.LBB2_1:
0xb: {  	_ =	strace $0x80000052;
	s11 =	simm.s32 $0x1;
	p0 =	por $0x0, $0x0  }
0xc: {  	[tilespmem:s1], [sflag:$0x1] =	stream.linear.gather [hbm4b:s5+s1], $0x100, $0x200038;
	[tilespmem:$0x10200] =	vst v63  }
0xd: {  	s11 =	simm.s32 @p0 $0x0  }
0xe: {  	p4 =	por $0x1, $0x1;
	s20 =	sand.u32 $0x1, s1;
	p1 =	sne.s32 s11, $0x0  }
0xf: {  	p2 =	por $0x1, $0x1;
	s18 =	simm.s32 $0xE;
	p0 =	por !p4, !p1  }
0x10: {  	s16 =	simm.s32 $0x0;
	p5 =	por $0x0, $0x0;
	p0 =	por !p0, !p0  }
0x11: {  	s23 =	sadd.s32 $0x0, s4;
	s30 =	sadd.s32 $0x1, s20;
	s12 =	sadd.s32 @p0 s4, s11  }
0x12: {  	_ =	strace $0x90000052;
	s13 =	sand.u32 @p0 $0x1, s7;
	s12 =	sshll.u32 @p0 s12, $0x5  }
0x13: {  	_ =	strace @p0 $0x80000053;
	s15 =	simm.s32 @p0 $0x0;
	s12 =	sand.u32 @p0 $0x1FFFFFE0, s12  }
0x14: {  	s14 =	sshll.u32 @p0 s13, $0x8;
	s13 =	sadd.s32 @p0 $0x1, s13;
	s12 =	sadd.s32 @p0 s3, s12  }
0x15: {  	[tilespmem:s14], [sflag:s13] =	stream.linear.gather @p0 [hbm4b:s12+s15], $0x100, $0x200038;
	[tilespmem:$0x10200] =	vst v63  }
0x16: {  	p3 =	por p2, p2;
	s21 =	sshll.u32 s20, $0xF;
	_ =	strace @p0 $0x90000053  }
0x17: {  	s16 =	sand.u32 $0x100, s16;
	p2 =	por p5, p5;
	_ =	strace $0x80000054  }
0x18: {  	s17 =	sadd.s32 $0x1, s11;
	s22 =	sor.u32 $0x200, s21;
	_ =	swait.ge [sflag:s30], $0x100  }
0x19: {  	s21 =	simm.s32 $0x1;
	p6 =	por p1, p1;
	[sflag:s30] =	ssyncset.done $0x0  }
0x1a: {  	p1 =	por p3, p3;
	p4 =	por $0x1, $0x1;
	[sflag:s30] =	ssyncadd.s32 $0xFFFFFF00  }
0x1b: {  	s12 =	simm.s32 $0xF;
	s15 =	sand.u32 @!p3 $0x1, s1;
	_ =	strace $0x90000054  }
0x1c: {  	s13 =	simm.s32 $0x1;
	p3 =	seq.s32 s17, $0x10;
	_ =	strace $0x80000055  }
0x1d: {  	s13 =	simm.s32 @!p0 $0x0;
	s17 =	simm.s32 @p3 $0x0;
	s19 =	rddreg [dreg:$0x3]  }
0x1e: {  	p0 =	por $0x0, $0x0;
	s14 =	sadd.s32 $0x1, s13;
	s31 =	rddreg [dreg:$0x2]  }
0x1f: {  	[tilespmem:s22], [sflag:$0x5] =	stream.indirect.gather [hbm4b:s31+s19], $0x80, s16, s19, $0x2000b8;
	[tilespmem:$0x10200] =	vst v63  }
0x20: {  	p3 =	sne.s32 s11, s17;
	s21 =	simm.s32 @!p0 $0x0;
	_ =	swait.ge [sflag:s8], $0x8000  }
0x21: {  	p5 =	por !p4, !p3;
	p4 =	por $0x0, $0x0;
	[sflag:s8] =	ssyncset.done $0x0  }
0x22: {  	s13 =	simm.s32 $0x0;
	p6 =	por p4, p6;
	[sflag:s8] =	ssyncadd.s32 $0xFFFF8000  }
0x23: {  	s16 =	simm.s32 $0x0;
	s19 =	simm.s32 $0x0;
	_ =	strace $0x90000055  }
.LBB2_2:
0x24: {  	_ =	strace @p6 $0x80000056;
	s13 =	sadd.s32 s21, s13;
	s21 =	smov.u32 s12  }
0x25: {  	s12 =	smov.u32 s18;
	s18 =	sadd.s32 $0xFFFFFFFF, s18;
	p0 =	por p3, p3  }
0x26: {  	s28 =	sshll.u32 @p6 s23, $0xC;
	s20 =	sadd.s32 @p6 $0x3, s20;
	s24 =	simm.s32 @!p0 $0x0  }
0x27: {  	s25 =	rddreg [dreg:$0x4];
	s28 =	sand.u32 @p6 $0x1FFFF000, s28;
	s24 =	simm.s32 @p0 $0x1  }
0x28: {  	s25 =	sadd.s32 @p6 s25, s28;
	s28 =	simm.s32 @p6 $0x0;
	p0 =	sne.s32 s18, $0x0  }
0x29: {  	[hbm4b:s25+s28] =	stream.linear.scatter @p6 [tilespmem:s22], [sflag:s20], $0x8000, $0x200038;
	[tilespmem:$0x10200] =	vst v63  }
0x2a: {  	s20 =	sadd.s32 @!p1 $0x3, s15;
	s15 =	simm.s32 @!p0 $0x0  }
0x2b: {  	s26 =	simm.s32 $0x1;
	[smem:$0x7FC] =	sst s24;
	s15 =	simm.s32 @p0 $0x1  }
0x2c: {  	s26 =	simm.s32 @!p6 $0x0;
	_ =	strace @p6 $0x90000056;
	[smem:$0x7FD] =	sst s15  }
0x2d: {  	p5 =	por !p5, !p5;
	s19 =	sadd.s32 s26, s19;
	_ =	strace @!p1 $0x80000057  }
0x2e: {  	s24 =	sand.u32 @!p2 $0x1, s13;
	s22 =	sand.u32 @p5 $0x1, s14;
	_ =	swait.ge @!p1 [sflag:s20], $0x8000  }
0x2f: {  	s15 =	smov.u32 s24;
	s24 =	sadd.s32 @p5 s4, s17;
	[sflag:s20] =	ssyncset.done @!p1 $0x0  }
0x30: {  	s25 =	sshll.u32 @p5 s22, $0x8;
	s24 =	sshll.u32 @p5 s24, $0x5;
	[sflag:s20] =	ssyncadd.s32 @!p1 $0xFFFF8000  }
0x31: {  	s20 =	sadd.s32 @p5 $0x1, s22;
	s22 =	sand.u32 @p5 $0x1FFFFFE0, s24;
	_ =	strace @!p1 $0x90000057  }
0x32: {  	s24 =	simm.s32 @p5 $0x0;
	s22 =	sadd.s32 @p5 s3, s22;
	_ =	strace @p5 $0x80000053  }
0x33: {  	[tilespmem:s25], [sflag:s20] =	stream.linear.gather @p5 [hbm4b:s22+s24], $0x100, $0x200038;
	[tilespmem:$0x10200] =	vst v63  }
0x34: {  	s16 =	sadd.s32 s26, s16;
	s26 =	sand.u32 $0x1, s19;
	_ =	strace @p5 $0x90000053  }
0x35: {  	s24 =	sadd.s32 $0x1, s26;
	_ =	strace $0x80000054  }
0x36: {  	_ =	swait.ge [sflag:s24], $0x100  }
0x37: {  	[sflag:s24] =	ssyncset.done $0x0  }
0x38: {  	s20 =	simm.s32 $0x1;
	[sflag:s24] =	ssyncadd.s32 $0xFFFFFF00  }
0x39: {  	s20 =	simm.s32 @!p5 $0x0;
	_ =	strace $0x90000054  }
0x3a: {  	s14 =	sadd.s32 s20, s14;
	s20 =	sand.u32 $0x1, s16;
	_ =	strace $0x80000055  }
0x3b: {  	s29 =	sshll.u32 s19, $0x8;
	s25 =	sshll.u32 s20, $0xF;
	s26 =	rddreg [dreg:$0x3]  }
0x3c: {  	s29 =	sand.u32 $0x100, s29;
	s22 =	sor.u32 $0x200, s25;
	s30 =	rddreg [dreg:$0x2]  }
0x3d: {  	[tilespmem:s22], [sflag:$0x5] =	stream.indirect.gather [hbm4b:s30+s26], $0x80, s29, s26, $0x2000b8;
	[tilespmem:$0x10200] =	vst v63  }
0x3e: {  	_ =	swait.ge [sflag:s8], $0x8000  }
0x3f: {  	s31 =	sadd.s32 $0x1, s17;
	[sflag:s8] =	ssyncset.done $0x0  }
0x40: {  	s23 =	sadd.s32 s4, s11;
	s11 =	smov.u32 s17;
	[sflag:s8] =	ssyncadd.s32 $0xFFFF8000  }
0x41: {  	p3 =	seq.s32 s31, $0x10;
	s17 =	smov.u32 s31;
	_ =	strace $0x90000055  }
0x42: {  	s17 =	simm.s32 @p3 $0x0;
	s31 =	sld [smem:$0x7FD]  }
0x43: {  	p6 =	sne.s32 s12, $0x1;
	p0 =	sne.s32 s21, $0x10;
	p3 =	sne.s32 s11, s17  }
0x44: {  	p5 =	por !p6, !p3;
	p6 =	seq.s32 s21, $0x1;
	s21 =	simm.s32 $0x1  }
0x45: {  	s21 =	simm.s32 @!p0 $0x0;
	p0 =	seq.s32 s31, $0x1  }
.Ltmp0:
0x46: {  	s30 =	sld [smem:$0x7FC];
	(pc) =	sbr.rel @p0 .LBB2_2-.Ltmp0, $4  }
0x47: {  	_ = 	snop  }
0x48: {  	p4 =	seq.s32 s12, $0x10  }
0x49: {  	p1 =	por p2, p2;
	p2 =	por p4, p4;
	p4 =	seq.s32 s30, $0x1  }
0x4a: {  	p6 =	por p6, p4  }
0x4b: {  	_ =	strace @p6 $0x80000056;
	s23 =	sshll.u32 @p6 s23, $0xC  }
0x4c: {  	s18 =	rddreg [dreg:$0x4];
	s23 =	sand.u32 @p6 $0x1FFFF000, s23  }
0x4d: {  	s20 =	sadd.s32 @p6 $0x3, s20;
	s18 =	sadd.s32 @p6 s18, s23;
	s23 =	simm.s32 @p6 $0x0  }
0x4e: {  	[hbm4b:s18+s23] =	stream.linear.scatter @p6 [tilespmem:s22], [sflag:s20], $0x8000, $0x200038;
	[tilespmem:$0x10200] =	vst v63  }
0x4f: {  	p0 =	por !p5, !p5;
	_ =	strace @p6 $0x90000056  }
0x50: {  	s15 =	sadd.s32 @!p1 $0x3, s15;
	s17 =	sadd.s32 @p0 s4, s17;
	_ =	strace @!p1 $0x80000057  }
0x51: {  	s14 =	sand.u32 @p0 $0x1, s14;
	s17 =	sshll.u32 @p0 s17, $0x5;
	_ =	swait.ge @!p1 [sflag:s15], $0x8000  }
0x52: {  	s18 =	simm.s32 $0x1;
	s20 =	sshll.u32 @p0 s14, $0x8;
	[sflag:s15] =	ssyncset.done @!p1 $0x0  }
0x53: {  	s14 =	sadd.s32 @p0 $0x1, s14;
	s18 =	simm.s32 @!p6 $0x0;
	[sflag:s15] =	ssyncadd.s32 @!p1 $0xFFFF8000  }
0x54: {  	s19 =	sadd.s32 s18, s19;
	s15 =	sand.u32 @p0 $0x1FFFFFE0, s17;
	_ =	strace @!p1 $0x90000057  }
0x55: {  	s17 =	simm.s32 @p0 $0x0;
	s15 =	sadd.s32 @p0 s3, s15;
	_ =	strace @p0 $0x80000053  }
0x56: {  	[tilespmem:s20], [sflag:s14] =	stream.linear.gather @p0 [hbm4b:s15+s17], $0x100, $0x200038;
	[tilespmem:$0x10200] =	vst v63  }
0x57: {  	s25 =	sand.u32 $0x1, s19;
	_ =	strace @p0 $0x90000053  }
0x58: {  	s14 =	sadd.s32 $0x1, s25;
	_ =	strace $0x80000054  }
0x59: {  	_ =	swait.ge [sflag:s14], $0x100  }
0x5a: {  	[sflag:s14] =	ssyncset.done $0x0  }
0x5b: {  	[sflag:s14] =	ssyncadd.s32 $0xFFFFFF00  }
0x5c: {  	s26 =	sadd.s32 s18, s16;
	_ =	strace $0x90000054  }
0x5d: {  	s14 =	sand.u32 $0x1, s26;
	_ =	strace $0x80000055  }
0x5e: {  	s30 =	sshll.u32 s19, $0x8;
	s31 =	sshll.u32 s14, $0xF;
	s28 =	rddreg [dreg:$0x3]  }
0x5f: {  	s17 =	sand.u32 $0x100, s30;
	s18 =	sor.u32 $0x200, s31;
	s29 =	rddreg [dreg:$0x2]  }
0x60: {  	[tilespmem:s18], [sflag:$0x5] =	stream.indirect.gather [hbm4b:s29+s28], $0x80, s17, s28, $0x2000b8;
	[tilespmem:$0x10200] =	vst v63  }
0x61: {  	_ =	swait.ge [sflag:s8], $0x8000  }
0x62: {  	[sflag:s8] =	ssyncset.done $0x0  }
0x63: {  	p5 =	por p3, p3;
	p6 =	seq.s32 s12, $0x1;
	[sflag:s8] =	ssyncadd.s32 $0xFFFF8000  }
0x64: {  	s11 =	sadd.s32 s4, s11;
	p0 =	por p6, p5;
	_ =	strace $0x90000055  }
0x65: {  	s11 =	sshll.u32 @p0 s11, $0xC;
	_ =	strace @p0 $0x80000056  }
0x66: {  	s13 =	sadd.s32 s21, s13;
	s11 =	sand.u32 @p0 $0x1FFFF000, s11;
	s12 =	rddreg [dreg:$0x4]  }
0x67: {  	s14 =	sadd.s32 @p0 $0x3, s14;
	s11 =	sadd.s32 @p0 s12, s11;
	s12 =	simm.s32 @p0 $0x0  }
0x68: {  	[hbm4b:s11+s12] =	stream.linear.scatter @p0 [tilespmem:s18], [sflag:s14], $0x8000, $0x200038;
	[tilespmem:$0x10200] =	vst v63  }
0x69: {  	p1 =	por p2, p2;
	s11 =	sand.u32 @!p2 $0x1, s13;
	_ =	strace @p0 $0x90000056  }
0x6a: {  	s11 =	sadd.s32 @!p1 $0x3, s11;
	_ =	strace @!p1 $0x80000057  }
0x6b: {  	_ =	swait.ge @!p1 [sflag:s11], $0x8000  }
0x6c: {  	[sflag:s11] =	ssyncset.done @!p1 $0x0  }
0x6d: {  	s10 =	sadd.s32 $0x1, s10;
	[sflag:s11] =	ssyncadd.s32 @!p1 $0xFFFF8000  }
0x6e: {  	p0 =	sne.s32 s10, s6;
	_ =	strace @!p1 $0x90000057  }
.Ltmp1:
0x6f: {  	_ =	strace $0x80000058;
	(pc) =	sbr.rel @p0 .LBB2_1-.Ltmp1, $4  }
0x70: {  	_ =	swait.ge [sflag:s9], $0x8000  }
0x71: {  	[sflag:s9] =	ssyncset.done $0x0  }
0x72: {  	[sflag:s9] =	ssyncadd.s32 $0xFFFF8000  }
0x73: {  	_ =	strace $0x90000058  }
0x74: {  	_ =	sfence.sel $0x180000  }
0x75: {  	[bflag:$0x0] =	sbarrier.arrive $0xFFFF  }
0x76: {  	p0 =	sne.s32 s2, $0x0;
	_ =	strace $0x90000051  }
0x77: {  	s0 =	sadd.s32 @!p0 $0x100000, s0;
	[bflag:$0x2] =	sbarrier.arrive $0xFFFF  }
0x78: {  	[sflag:s0] =	ssyncadd.tile.s32 @!p0 $0x1;
	_ =	shalt  }
.Lfunc_end2:
_tile_overlayer_lowered:
.L_overlay_start_2:
0x79: {  	(tag) =	ssettag $0x2  }
0x7a: {  	s0 =	rddreg [dreg:$0x0];
	s2 =	stileid.u32  }
0x7b: {  	s1 =	rddreg [dreg:$0x1];
	p0 =	sne.s32 s2, $0x0  }
0x7c: {  	s3 =	rddreg [dreg:$0x2];
	[bflag:$0x3] =	sbarrier.arrive $0xFFFF;
	s2 =	simm.s32 @!p0 $0x1C01  }
0x7d: {  	[timem:s3], [sflag:s2] =	dma.local @!p0 [hbm:s0], s1  }
0x7e: {  	s0 =	simm.s32 @!p0 $0x1  }
0x7f: {  	_ =	swait.ge @!p0 [sflag:s0], s1  }
0x80: {  	s1 =	ssub.s32 @!p0 $0x0, s1;
	[sflag:s0] =	ssyncset.done @!p0 $0x0  }
0x81: {  	[sflag:s0] =	ssyncadd.s32 @!p0 s1  }
0x82: {  	[bflag:$0x3] =	sbarrier.arrive $0xFFFF  }
0x83: {  	_ =	shalt  }

// kernel: kernel.19.cloned.1.call-start
scs
__scs_entry_jumppad:
0x0: {  	(pc) =	sbr.rel $0x88, $3  }
0x1: {  	(tag) =	ssettag $0x0;
	lr =	simm.s32 $0x1  }
0x2: {  	[smem:$0x3F93] =	sst lr;
	_ =	strace $0xD0000000  }
0x3: {  	_ = 	snop  }
0x4: {  	_ = 	snop  }
0x5: {  	_ = 	snop  }
0x6: {  	_ = 	snop  }
0x7: {  	_ = 	snop  }
__scs_overlays_trampoline_lowered:
0x8: {  	[smem:$0x3FA2] =	sst s0  }
0x9: {  	[smem:$0x3FA3] =	sst s1  }
0xa: {  	[smem:$0x3FA4] =	sst s2  }
0xb: {  	[smem:$0x3FA5] =	sst s3  }
0xc: {  	[smem:$0x3FA6] =	sst s4  }
0xd: {  	[smem:$0x3FA7] =	sst s5  }
0xe: {  	[smem:$0x3FA8] =	sst s6  }
0xf: {  	[smem:$0x3FA9] =	sst s7  }
0x10: {  	[smem:$0x3FAA] =	sst s8  }
0x11: {  	[smem:$0x3FAB] =	sst s9;
	s0 =	simm.s32 @!p0 $0x0  }
0x12: {  	s1 =	sld [smem:$0x3F91];
	s0 =	simm.s32 @p0 $0x1  }
0x13: {  	[smem:$0x3FAC] =	sst s0;
	s0 =	simm.s32 @!p1 $0x0  }
0x14: {  	s2 =	sld [smem:$0x3F90];
	s0 =	simm.s32 @p1 $0x1  }
0x15: {  	[smem:$0x3FAD] =	sst s0;
	s0 =	simm.s32 @!p2 $0x0  }
0x16: {  	s3 =	sld [smem:$0x3FDB];
	s0 =	simm.s32 @p2 $0x1  }
0x17: {  	s4 =	simm.s32 $0x1BF5;
	[smem:$0x3FAF] =	sst s0  }
0x18: {  	s0 =	sld [smem:$0x3F92];
	_ =	swait.ge [sflag:s4], $0x0  }
0x19: {  	s7 =	sld [smem:$0x3F93]  }
0x1a: {  	s8 =	sadd.s32 $0xFFFFE003, lr  }
0x1b: {  	s9 =	sadd.s32 $0xFFFFFEF7, lr;
	s5 =	simm.s32 $0xFFFFFFFF;
	p2 =	slt.u32 s8, $0xFFFFF086  }
0x1c: {  	p1 =	slt.u32 s9, $0xF7A;
	s5 =	simm.s32 @!p2 $0x0  }
0x1d: {  	s5 =	simm.s32 @p1 $0x1;
	p0 =	seq.s32 s7, s2  }
0x1e: {  	s7 =	smul.u32 @!p0 $0xF7A, s2;
	p2 =	seq.s32 @!p0 s5, $0x0  }
0x1f: {  	s9 =	smul.u32 $0xF7A, s1;
	s8 =	simm.s32 @!p0 $0x1BF5;
	p2 =	por !p2, p0  }
0x20: {  	[sflag:s8] =	ssyncset.s32 @!p0 $0xFFFFF086;
	s6 =	sadd.s32 @!p0 s3, s7;
	s7 =	simm.s32 @!p0 $0x108  }
0x21: {  	s3 =	sadd.s32 s3, s9;
	s6 =	sadd.s32 @!p0 $0x88, s6;
	s7 =	simm.s32 @p2 $0x1082  }
0x22: {  	[simem:s7], [sflag:s8] =	dma.local @!p0 [hbm:s6], $0xF7A  }
0x23: {  	s9 =	sor.u32 $0xD0000000, s2;
	s6 =	simm.s32 $0x108;
	_ =	swait.ge @!p0 [sflag:s8], $0x0  }
0x24: {  	s3 =	sadd.s32 $0x88, s3;
	s6 =	simm.s32 @!p1 $0x1082;
	[sflag:s4] =	ssyncset.s32 $0xFFFFF086  }
0x25: {  	[simem:s6], [sflag:s4] =	dma.local [hbm:s3], $0xF7A  }
0x26: {  	[smem:$0x3F93] =	sst s1;
	(tag) =	ssettag s2;
	_ =	strace s9  }
0x27: {  	s1 =	sld [smem:$0x3FA3]  }
0x28: {  	s2 =	sld [smem:$0x3FA4]  }
0x29: {  	s4 =	sld [smem:$0x3FA6]  }
0x2a: {  	p0 =	seq.s32 s5, $0x0;
	s5 =	sld [smem:$0x3FA7]  }
0x2b: {  	s6 =	sld [smem:$0x3FA8]  }
0x2c: {  	s7 =	sld [smem:$0x3FA9]  }
0x2d: {  	s3 =	simm.s32 $0x108;
	s8 =	sld [smem:$0x3FAA]  }
0x2e: {  	s3 =	simm.s32 @!p0 $0x1082;
	s9 =	sld [smem:$0x3FAB]  }
0x2f: {  	lr =	sadd.s32 s0, s3;
	s0 =	sld [smem:$0x3FA2]  }
0x30: {  	s3 =	sld [smem:$0x3FA5]  }
0x31: {  	[smem:$0x3FAE] =	sst s10  }
0x32: {  	s10 =	sld [smem:$0x3FAC];
	_ =	sdelay $0x3  }
0x33: {  	p0 =	seq.s32 s10, $0x1;
	s10 =	sld [smem:$0x3FAE];
	_ =	sdelay $0x3  }
0x34: {  	[smem:$0x3FAE] =	sst s10  }
0x35: {  	s10 =	sld [smem:$0x3FAD];
	_ =	sdelay $0x3  }
0x36: {  	p1 =	seq.s32 s10, $0x1;
	s10 =	sld [smem:$0x3FAE];
	_ =	sdelay $0x3  }
0x37: {  	[smem:$0x3FAE] =	sst s10  }
0x38: {  	s10 =	sld [smem:$0x3FAF]  }
0x39: {  	_ = 	snop;
	(pc) =	sbr.ind lr, $3  }
0x3a: {  	_ = 	snop  }
0x3b: {  	_ = 	snop  }
0x3c: {  	p2 =	seq.s32 s10, $0x1;
	s10 =	sld [smem:$0x3FAE]  }
0x3d: {  	_ =	shalt  }
0x3e: {  	_ =	shalt  }
0x3f: {  	_ =	shalt  }
0x40: {  	_ =	shalt  }
0x41: {  	_ =	shalt  }
0x42: {  	_ =	shalt  }
0x43: {  	_ =	shalt  }
0x44: {  	_ =	shalt  }
0x45: {  	_ =	shalt  }
0x46: {  	_ =	shalt  }
0x47: {  	_ =	shalt  }
0x48: {  	_ =	shalt  }
0x49: {  	_ =	shalt  }
0x4a: {  	_ =	shalt  }
0x4b: {  	_ =	shalt  }
0x4c: {  	_ =	shalt  }
0x4d: {  	_ =	shalt  }
0x4e: {  	_ =	shalt  }
0x4f: {  	_ =	shalt  }
0x50: {  	_ =	shalt  }
0x51: {  	_ =	shalt  }
0x52: {  	_ =	shalt  }
0x53: {  	_ =	shalt  }
0x54: {  	_ =	shalt  }
0x55: {  	_ =	shalt  }
0x56: {  	_ =	shalt  }
0x57: {  	_ =	shalt  }
0x58: {  	_ =	shalt  }
0x59: {  	_ =	shalt  }
0x5a: {  	_ =	shalt  }
0x5b: {  	_ =	shalt  }
0x5c: {  	_ =	shalt  }
0x5d: {  	_ =	shalt  }
0x5e: {  	_ =	shalt  }
0x5f: {  	_ =	shalt  }
0x60: {  	_ =	shalt  }
0x61: {  	_ =	shalt  }
0x62: {  	_ =	shalt  }
0x63: {  	_ =	shalt  }
0x64: {  	_ =	shalt  }
0x65: {  	_ =	shalt  }
0x66: {  	_ =	shalt  }
0x67: {  	_ =	shalt  }
0x68: {  	_ =	shalt  }
0x69: {  	_ =	shalt  }
0x6a: {  	_ =	shalt  }
0x6b: {  	_ =	shalt  }
0x6c: {  	_ =	shalt  }
0x6d: {  	_ =	shalt  }
0x6e: {  	_ =	shalt  }
0x6f: {  	_ =	shalt  }
0x70: {  	_ =	shalt  }
0x71: {  	_ =	shalt  }
0x72: {  	_ =	shalt  }
0x73: {  	_ =	shalt  }
0x74: {  	_ =	shalt  }
0x75: {  	_ =	shalt  }
0x76: {  	_ =	shalt  }
0x77: {  	_ =	shalt  }
0x78: {  	_ =	shalt  }
0x79: {  	_ =	shalt  }
0x7a: {  	_ =	shalt  }
0x7b: {  	_ =	shalt  }
0x7c: {  	_ =	shalt  }
0x7d: {  	_ =	shalt  }
0x7e: {  	_ =	shalt  }
0x7f: {  	_ =	shalt  }
0x80: {  	_ =	shalt  }
0x81: {  	_ =	shalt  }
0x82: {  	_ =	shalt  }
0x83: {  	_ =	shalt  }
0x84: {  	_ =	shalt  }
0x85: {  	_ =	shalt  }
0x86: {  	_ =	shalt  }
0x87: {  	_ =	shalt  }
.Lfunc_end0:
.L_simem_size_0:
called_computation.2_lowered:
.L_overlay_start_0:
0x88: {  	s2 =	sld [smem:$0x3FD9]  }
0x89: {  	s3 =	sld [smem:$0x3FFE];
	_ =	sdelay $0x1  }
0x8a: {  	s1 =	srdreg.scid  }
0x8b: {  	s0 =	sand.u32 $0x1, s1  }
0x8c: {  	s14 =	sshll.u32 s0, $0xA;
	s2 =	sadd.s32 s3, s2  }
0x8d: {  	s2 =	sadd.s32 s2, s14  }
0x8e: {  	[smem:$0x3FBA] =	sst s2  }
0x8f: {  	_ = 	snop  }
0x90: {  	s2 =	sld [smem:$0x3FD0];
	_ =	sdelay $0x2  }
0x91: {  	s15 =	simm.s32 $0xB;
	s4 =	simm.s32 $0x10  }
0x92: {  	[smem:s4], [sflag:s15] =	dma.local [hbm:s2], $0x1  }
0x93: {  	_ =	swait.eq [sflag:s15], $0x1  }
0x94: {  	[sflag:s15] =	ssyncset.done $0x0  }
0x95: {  	[sflag:s15] =	ssyncadd.s32 $0xFFFFFFFF  }
0x96: {  	s16 =	sld [smem:$0x12];
	(tm) =	ssettm $0x1  }
0x97: {  	s17 =	sld [smem:$0x3FFB];
	_ =	sdelay $0x3  }
0x98: {  	_ =	strace s17  }
0x99: {  	s3 =	sld [smem:$0x3FFC];
	_ =	sdelay $0x3  }
0x9a: {  	_ =	strace s3  }
0x9b: {  	s3 =	sld [smem:$0x3FFD];
	_ =	sdelay $0x3  }
0x9c: {  	_ =	strace s3  }
0x9d: {  	_ =	strace $0x8FFFFFFF  }
0x9e: {  	s18 =	sld [smem:$0x3FDB];
	_ =	sdelay $0x1  }
0x9f: {  	s19 =	simm.s32 $_scs_section_size  }
0xa0: {  	s5 =	simm.s32 $_size__tile_overlayer_lowered;
	s6 =	simm.s32 $_tile_overlayer_lowered  }
0xa1: {  	s22 =	simm.s32 $0x1BFF;
	s21 =	sshll.u32 s6, $0x1;
	s3 =	sadd.s32 s19, s18  }
0xa2: {  	s7 =	simm.s32 $0x0;
	s20 =	sshll.u32 s5, $0x1;
	s5 =	sadd.s32 s21, s3  }
0xa3: {  	[timem:s7], [sflag:s22] =	dma.local [hbm:s5], s20  }
0xa4: {  	_ =	swait.ge [sflag:s22], s20  }
0xa5: {  	s4 =	ssub.s32 $0x0, s20;
	[sflag:s22] =	ssyncset.done $0x0  }
0xa6: {  	[sflag:s22] =	ssyncadd.s32 s4;
	_ =	sdelay $0x1  }
0xa7: {  	s23 =	simm.s32 $0x1B8B  }
0xa8: {  	_ =	swait.ge [sflag:s23], $0x1  }
0xa9: {  	[sflag:s23] =	ssyncset.done $0x0  }
0xaa: {  	s25 =	simm.s32 $0x1B8E;
	s24 =	sld [smem:$0x3FFE];
	[sflag:s23] =	ssyncadd.s32 $0xFFFFFFFF  }
0xab: {  	s26 =	simm.s32 $execute0_lowered;
	[smem:$0x3FD2] =	sst s25  }
0xac: {  	s5 =	sshll.u32 s26, $0x1;
	_ =	strace $0x8000005A;
	[dreg:$0x1] =	wrdreg $0xFFFFFFFF  }
0xad: {  	s28 =	simm.s32 $_size_execute0_lowered;
	s3 =	sadd.s32 s3, s5;
	[dreg:$0x0] =	wrdreg $0x0  }
0xae: {  	s5 =	sshll.u32 s28, $0x1;
	[dreg:$0x2] =	wrdreg s3  }
0xaf: {  	[dreg:$0x3] =	wrdreg s5  }
0xb0: {  	[dreg:$0x4] =	wrdreg $0xC0  }
0xb1: {  	_ =	task [dreg:s7], $0x5FFFF  }
0xb2: {  	[dreg:$0x1] =	wrdreg $0xFFFFFFFF  }
0xb3: {  	[dreg:$0x0] =	wrdreg $0x60  }
0xb4: {  	[dreg:$0x2] =	wrdreg s16  }
0xb5: {  	[dreg:$0x3] =	wrdreg s24  }
0xb6: {  	[dreg:$0x4] =	wrdreg $0x9  }
0xb7: {  	_ =	task.clear_ibuf [dreg:s7], $0x5FFFF;
	_ =	strace $0x9000005A  }
0xb8: {  	s29 =	simm.s32 $0x9;
	_ =	strace $0x80000063  }
0xb9: {  	_ =	swait.ge [sflag:s29], $0x1  }
0xba: {  	[sflag:s29] =	ssyncadd.s32 $0xFFFFFFFF  }
0xbb: {  	_ =	strace $0x90000063  }
0xbc: {  	_ =	sfence  }
0xbd: {  	s30 =	sld [smem:$0x0];
	_ =	sdelay $0x2  }
0xbe: {  	s31 =	sshll.u32 s1, $0xD;
	s1 =	sshrl.u32 s1, $0x2  }
0xbf: {  	s3 =	sand.u32 $0x4000, s31;
	s1 =	sadd.s32 s1, s30  }
0xc0: {  	s0 =	sor.u32 s3, s0;
	s1 =	sshll.u32 s1, $0x11  }
0xc1: {  	s0 =	sor.u32 s1, s0  }
0xc2: {  	s0 =	sadd.s32 $0x8F2B, s0  }
0xc3: {  	[sflag:s0] =	ssyncadd.remote.s32 $0x1  }
0xc4: {  	_ =	sfence.sel $0xFFFF  }
0xc5: {  	[dreg:$0x0] =	wrdreg $0xFFFFFFFF;
	(pc) =	sbr.abs _section_cstart, $3  }
0xc6: {  	[dreg:$0x1] =	wrdreg $0xFFFFFFFF  }
0xc7: {  	_ =	task.clear_ibuf [dreg:s7], $0x2FFFF;
	_ =	strace $0x9FFFFFFF  }
0xc8: {  	(tm) =	ssettm $0x7FFFFFFF  }
0xc9: {  	_ =	shalt  }
tec
execute0_lowered:
.L_overlay_start_1:
0x0: {  	(tag) =	ssettag $0x1  }
0x1: {  	s0 =	rddreg [dreg:$0x0]  }
0x2: {  	s4 =	rddreg [dreg:$0x1]  }
0x3: {  	s1 =	simm.s32 $0x0;
	[dreg:$0x3] =	wrdreg s0  }
0x4: {  	s2 =	srdreg.scid;
	s8 =	simm.s32 $0x100;
	s0 =	rddreg [dreg:$0x2]  }
0x5: {  	s9 =	simm.s32 $0x4;
	s10 =	simm.s32 $0x0;
	[smem:$0x7FF] =	sst s1  }
0x6: {  	s3 =	sadd.s32 $0x44A00, s4;
	s5 =	sand.u32 $0x1, s2;
	s4 =	sadd.s32 $0x48A00, s4  }
0x7: {  	s2 =	stileid.u32;
	_ =	strace $0x8000005B;
	[dreg:$0x5] =	wrdreg s4  }
0x8: {  	s6 =	ssub.s32 $0x2, s5;
	s5 =	sshll.u32 s5, $0x4;
	[dreg:$0x4] =	wrdreg s8  }
0x9: {  	s8 =	simm.s32 $0x5;
	s7 =	sshrl.u32 s6, $0x1;
	s5 =	sor.u32 s2, s5  }
0xa: {  	s6 =	ssub.s32 s6, s7;
	s31 =	sshll.u32 s5, $0x9;
	s4 =	sshll.u32 s5, $0x4  }
0xb: {  	s7 =	simm.s32 $0x1;
	s5 =	sadd.s32 s3, s31;
	s6 =	smax.u32 s6, $0x1  }
.LBB2_1:
0xc: {  	_ =	strace $0x8000005C;
	s11 =	simm.s32 $0x1;
	p0 =	por $0x0, $0x0  }
0xd: {  	[tilespmem:s1], [sflag:$0x1] =	stream.linear.gather [hbm4b:s5+s1], $0x100, $0x200038;
	[tilespmem:$0x10200] =	vst v63  }
0xe: {  	s11 =	simm.s32 @p0 $0x0  }
0xf: {  	p4 =	por $0x1, $0x1;
	s20 =	sand.u32 $0x1, s1;
	p1 =	sne.s32 s11, $0x0  }
0x10: {  	p2 =	por $0x1, $0x1;
	s18 =	simm.s32 $0xE;
	p0 =	por !p4, !p1  }
0x11: {  	s16 =	simm.s32 $0x0;
	p5 =	por $0x0, $0x0;
	p0 =	por !p0, !p0  }
0x12: {  	s23 =	sadd.s32 $0x0, s4;
	s30 =	sadd.s32 $0x1, s20;
	s12 =	sadd.s32 @p0 s4, s11  }
0x13: {  	_ =	strace $0x9000005C;
	s13 =	sand.u32 @p0 $0x1, s7;
	s12 =	sshll.u32 @p0 s12, $0x5  }
0x14: {  	_ =	strace @p0 $0x8000005D;
	s15 =	simm.s32 @p0 $0x0;
	s12 =	sand.u32 @p0 $0x1FFFFFE0, s12  }
0x15: {  	s14 =	sshll.u32 @p0 s13, $0x8;
	s13 =	sadd.s32 @p0 $0x1, s13;
	s12 =	sadd.s32 @p0 s3, s12  }
0x16: {  	[tilespmem:s14], [sflag:s13] =	stream.linear.gather @p0 [hbm4b:s12+s15], $0x100, $0x200038;
	[tilespmem:$0x10200] =	vst v63  }
0x17: {  	p3 =	por p2, p2;
	s21 =	sshll.u32 s20, $0xF;
	_ =	strace @p0 $0x9000005D  }
0x18: {  	s16 =	sand.u32 $0x100, s16;
	p2 =	por p5, p5;
	_ =	strace $0x8000005E  }
0x19: {  	s17 =	sadd.s32 $0x1, s11;
	s22 =	sor.u32 $0x200, s21;
	_ =	swait.ge [sflag:s30], $0x100  }
0x1a: {  	s21 =	simm.s32 $0x1;
	p6 =	por p1, p1;
	[sflag:s30] =	ssyncset.done $0x0  }
0x1b: {  	p1 =	por p3, p3;
	p4 =	por $0x1, $0x1;
	[sflag:s30] =	ssyncadd.s32 $0xFFFFFF00  }
0x1c: {  	s12 =	simm.s32 $0xF;
	s15 =	sand.u32 @!p3 $0x1, s1;
	_ =	strace $0x9000005E  }
0x1d: {  	s13 =	simm.s32 $0x1;
	p3 =	seq.s32 s17, $0x10;
	_ =	strace $0x8000005F  }
0x1e: {  	s13 =	simm.s32 @!p0 $0x0;
	s17 =	simm.s32 @p3 $0x0;
	s19 =	rddreg [dreg:$0x4]  }
0x1f: {  	p0 =	por $0x0, $0x0;
	s14 =	sadd.s32 $0x1, s13;
	s31 =	rddreg [dreg:$0x3]  }
0x20: {  	[tilespmem:s22], [sflag:$0x5] =	stream.indirect.gather [hbm4b:s31+s19], $0x80, s16, s19, $0x2000b8;
	[tilespmem:$0x10200] =	vst v63  }
0x21: {  	p3 =	sne.s32 s11, s17;
	s21 =	simm.s32 @!p0 $0x0;
	_ =	swait.ge [sflag:s8], $0x8000  }
0x22: {  	p5 =	por !p4, !p3;
	p4 =	por $0x0, $0x0;
	[sflag:s8] =	ssyncset.done $0x0  }
0x23: {  	s13 =	simm.s32 $0x0;
	p6 =	por p4, p6;
	[sflag:s8] =	ssyncadd.s32 $0xFFFF8000  }
0x24: {  	s16 =	simm.s32 $0x0;
	s19 =	simm.s32 $0x0;
	_ =	strace $0x9000005F  }
.LBB2_2:
0x25: {  	_ =	strace @p6 $0x80000060;
	s13 =	sadd.s32 s21, s13;
	s21 =	smov.u32 s12  }
0x26: {  	s12 =	smov.u32 s18;
	s18 =	sadd.s32 $0xFFFFFFFF, s18;
	p0 =	por p3, p3  }
0x27: {  	s28 =	sshll.u32 @p6 s23, $0xC;
	s20 =	sadd.s32 @p6 $0x3, s20;
	s24 =	simm.s32 @!p0 $0x0  }
0x28: {  	s25 =	rddreg [dreg:$0x5];
	s28 =	sand.u32 @p6 $0x1FFFF000, s28;
	s24 =	simm.s32 @p0 $0x1  }
0x29: {  	s25 =	sadd.s32 @p6 s25, s28;
	s28 =	simm.s32 @p6 $0x0;
	p0 =	sne.s32 s18, $0x0  }
0x2a: {  	[hbm4b:s25+s28] =	stream.linear.scatter @p6 [tilespmem:s22], [sflag:s20], $0x8000, $0x200038;
	[tilespmem:$0x10200] =	vst v63  }
0x2b: {  	s20 =	sadd.s32 @!p1 $0x3, s15;
	s15 =	simm.s32 @!p0 $0x0  }
0x2c: {  	s26 =	simm.s32 $0x1;
	[smem:$0x7FC] =	sst s24;
	s15 =	simm.s32 @p0 $0x1  }
0x2d: {  	s26 =	simm.s32 @!p6 $0x0;
	_ =	strace @p6 $0x90000060;
	[smem:$0x7FD] =	sst s15  }
0x2e: {  	p5 =	por !p5, !p5;
	s19 =	sadd.s32 s26, s19;
	_ =	strace @!p1 $0x80000061  }
0x2f: {  	s24 =	sand.u32 @!p2 $0x1, s13;
	s22 =	sand.u32 @p5 $0x1, s14;
	_ =	swait.ge @!p1 [sflag:s20], $0x8000  }
0x30: {  	s15 =	smov.u32 s24;
	s24 =	sadd.s32 @p5 s4, s17;
	[sflag:s20] =	ssyncset.done @!p1 $0x0  }
0x31: {  	s25 =	sshll.u32 @p5 s22, $0x8;
	s24 =	sshll.u32 @p5 s24, $0x5;
	[sflag:s20] =	ssyncadd.s32 @!p1 $0xFFFF8000  }
0x32: {  	s20 =	sadd.s32 @p5 $0x1, s22;
	s22 =	sand.u32 @p5 $0x1FFFFFE0, s24;
	_ =	strace @!p1 $0x90000061  }
0x33: {  	s24 =	simm.s32 @p5 $0x0;
	s22 =	sadd.s32 @p5 s3, s22;
	_ =	strace @p5 $0x8000005D  }
0x34: {  	[tilespmem:s25], [sflag:s20] =	stream.linear.gather @p5 [hbm4b:s22+s24], $0x100, $0x200038;
	[tilespmem:$0x10200] =	vst v63  }
0x35: {  	s16 =	sadd.s32 s26, s16;
	s26 =	sand.u32 $0x1, s19;
	_ =	strace @p5 $0x9000005D  }
0x36: {  	s24 =	sadd.s32 $0x1, s26;
	_ =	strace $0x8000005E  }
0x37: {  	_ =	swait.ge [sflag:s24], $0x100  }
0x38: {  	[sflag:s24] =	ssyncset.done $0x0  }
0x39: {  	s20 =	simm.s32 $0x1;
	[sflag:s24] =	ssyncadd.s32 $0xFFFFFF00  }
0x3a: {  	s20 =	simm.s32 @!p5 $0x0;
	_ =	strace $0x9000005E  }
0x3b: {  	s14 =	sadd.s32 s20, s14;
	s20 =	sand.u32 $0x1, s16;
	_ =	strace $0x8000005F  }
0x3c: {  	s29 =	sshll.u32 s19, $0x8;
	s25 =	sshll.u32 s20, $0xF;
	s26 =	rddreg [dreg:$0x4]  }
0x3d: {  	s29 =	sand.u32 $0x100, s29;
	s22 =	sor.u32 $0x200, s25;
	s30 =	rddreg [dreg:$0x3]  }
0x3e: {  	[tilespmem:s22], [sflag:$0x5] =	stream.indirect.gather [hbm4b:s30+s26], $0x80, s29, s26, $0x2000b8;
	[tilespmem:$0x10200] =	vst v63  }
0x3f: {  	_ =	swait.ge [sflag:s8], $0x8000  }
0x40: {  	s31 =	sadd.s32 $0x1, s17;
	[sflag:s8] =	ssyncset.done $0x0  }
0x41: {  	s23 =	sadd.s32 s4, s11;
	s11 =	smov.u32 s17;
	[sflag:s8] =	ssyncadd.s32 $0xFFFF8000  }
0x42: {  	p3 =	seq.s32 s31, $0x10;
	s17 =	smov.u32 s31;
	_ =	strace $0x9000005F  }
0x43: {  	s17 =	simm.s32 @p3 $0x0;
	s31 =	sld [smem:$0x7FD]  }
0x44: {  	p6 =	sne.s32 s12, $0x1;
	p0 =	sne.s32 s21, $0x10;
	p3 =	sne.s32 s11, s17  }
0x45: {  	p5 =	por !p6, !p3;
	p6 =	seq.s32 s21, $0x1;
	s21 =	simm.s32 $0x1  }
0x46: {  	s21 =	simm.s32 @!p0 $0x0;
	p0 =	seq.s32 s31, $0x1  }
.Ltmp0:
0x47: {  	s30 =	sld [smem:$0x7FC];
	(pc) =	sbr.rel @p0 .LBB2_2-.Ltmp0, $4  }
0x48: {  	_ = 	snop  }
0x49: {  	p4 =	seq.s32 s12, $0x10  }
0x4a: {  	p1 =	por p2, p2;
	p2 =	por p4, p4;
	p4 =	seq.s32 s30, $0x1  }
0x4b: {  	p6 =	por p6, p4  }
0x4c: {  	_ =	strace @p6 $0x80000060;
	s23 =	sshll.u32 @p6 s23, $0xC  }
0x4d: {  	s18 =	rddreg [dreg:$0x5];
	s23 =	sand.u32 @p6 $0x1FFFF000, s23  }
0x4e: {  	s20 =	sadd.s32 @p6 $0x3, s20;
	s18 =	sadd.s32 @p6 s18, s23;
	s23 =	simm.s32 @p6 $0x0  }
0x4f: {  	[hbm4b:s18+s23] =	stream.linear.scatter @p6 [tilespmem:s22], [sflag:s20], $0x8000, $0x200038;
	[tilespmem:$0x10200] =	vst v63  }
0x50: {  	p0 =	por !p5, !p5;
	_ =	strace @p6 $0x90000060  }
0x51: {  	s15 =	sadd.s32 @!p1 $0x3, s15;
	s17 =	sadd.s32 @p0 s4, s17;
	_ =	strace @!p1 $0x80000061  }
0x52: {  	s14 =	sand.u32 @p0 $0x1, s14;
	s17 =	sshll.u32 @p0 s17, $0x5;
	_ =	swait.ge @!p1 [sflag:s15], $0x8000  }
0x53: {  	s18 =	simm.s32 $0x1;
	s20 =	sshll.u32 @p0 s14, $0x8;
	[sflag:s15] =	ssyncset.done @!p1 $0x0  }
0x54: {  	s14 =	sadd.s32 @p0 $0x1, s14;
	s18 =	simm.s32 @!p6 $0x0;
	[sflag:s15] =	ssyncadd.s32 @!p1 $0xFFFF8000  }
0x55: {  	s19 =	sadd.s32 s18, s19;
	s15 =	sand.u32 @p0 $0x1FFFFFE0, s17;
	_ =	strace @!p1 $0x90000061  }
0x56: {  	s17 =	simm.s32 @p0 $0x0;
	s15 =	sadd.s32 @p0 s3, s15;
	_ =	strace @p0 $0x8000005D  }
0x57: {  	[tilespmem:s20], [sflag:s14] =	stream.linear.gather @p0 [hbm4b:s15+s17], $0x100, $0x200038;
	[tilespmem:$0x10200] =	vst v63  }
0x58: {  	s25 =	sand.u32 $0x1, s19;
	_ =	strace @p0 $0x9000005D  }
0x59: {  	s14 =	sadd.s32 $0x1, s25;
	_ =	strace $0x8000005E  }
0x5a: {  	_ =	swait.ge [sflag:s14], $0x100  }
0x5b: {  	[sflag:s14] =	ssyncset.done $0x0  }
0x5c: {  	[sflag:s14] =	ssyncadd.s32 $0xFFFFFF00  }
0x5d: {  	s26 =	sadd.s32 s18, s16;
	_ =	strace $0x9000005E  }
0x5e: {  	s14 =	sand.u32 $0x1, s26;
	_ =	strace $0x8000005F  }
0x5f: {  	s30 =	sshll.u32 s19, $0x8;
	s31 =	sshll.u32 s14, $0xF;
	s28 =	rddreg [dreg:$0x4]  }
0x60: {  	s17 =	sand.u32 $0x100, s30;
	s18 =	sor.u32 $0x200, s31;
	s29 =	rddreg [dreg:$0x3]  }
0x61: {  	[tilespmem:s18], [sflag:$0x5] =	stream.indirect.gather [hbm4b:s29+s28], $0x80, s17, s28, $0x2000b8;
	[tilespmem:$0x10200] =	vst v63  }
0x62: {  	_ =	swait.ge [sflag:s8], $0x8000  }
0x63: {  	[sflag:s8] =	ssyncset.done $0x0  }
0x64: {  	p5 =	por p3, p3;
	p6 =	seq.s32 s12, $0x1;
	[sflag:s8] =	ssyncadd.s32 $0xFFFF8000  }
0x65: {  	s11 =	sadd.s32 s4, s11;
	p0 =	por p6, p5;
	_ =	strace $0x9000005F  }
0x66: {  	s11 =	sshll.u32 @p0 s11, $0xC;
	_ =	strace @p0 $0x80000060  }
0x67: {  	s13 =	sadd.s32 s21, s13;
	s11 =	sand.u32 @p0 $0x1FFFF000, s11;
	s12 =	rddreg [dreg:$0x5]  }
0x68: {  	s14 =	sadd.s32 @p0 $0x3, s14;
	s11 =	sadd.s32 @p0 s12, s11;
	s12 =	simm.s32 @p0 $0x0  }
0x69: {  	[hbm4b:s11+s12] =	stream.linear.scatter @p0 [tilespmem:s18], [sflag:s14], $0x8000, $0x200038;
	[tilespmem:$0x10200] =	vst v63  }
0x6a: {  	p1 =	por p2, p2;
	s11 =	sand.u32 @!p2 $0x1, s13;
	_ =	strace @p0 $0x90000060  }
0x6b: {  	s11 =	sadd.s32 @!p1 $0x3, s11;
	_ =	strace @!p1 $0x80000061  }
0x6c: {  	_ =	swait.ge @!p1 [sflag:s11], $0x8000  }
0x6d: {  	[sflag:s11] =	ssyncset.done @!p1 $0x0  }
0x6e: {  	s10 =	sadd.s32 $0x1, s10;
	[sflag:s11] =	ssyncadd.s32 @!p1 $0xFFFF8000  }
0x6f: {  	p0 =	sne.s32 s10, s6;
	_ =	strace @!p1 $0x90000061  }
.Ltmp1:
0x70: {  	_ =	strace $0x80000062;
	(pc) =	sbr.rel @p0 .LBB2_1-.Ltmp1, $4  }
0x71: {  	_ =	swait.ge [sflag:s9], $0x8000  }
0x72: {  	[sflag:s9] =	ssyncset.done $0x0  }
0x73: {  	[sflag:s9] =	ssyncadd.s32 $0xFFFF8000  }
0x74: {  	_ =	strace $0x90000062  }
0x75: {  	_ =	sfence.sel $0x180000  }
0x76: {  	[bflag:$0x0] =	sbarrier.arrive $0xFFFF  }
0x77: {  	p0 =	sne.s32 s2, $0x0;
	_ =	strace $0x9000005B  }
0x78: {  	s0 =	sadd.s32 @!p0 $0x100000, s0;
	[bflag:$0x2] =	sbarrier.arrive $0xFFFF  }
0x79: {  	[sflag:s0] =	ssyncadd.tile.s32 @!p0 $0x1;
	_ =	shalt  }
.Lfunc_end2:
_tile_overlayer_lowered:
.L_overlay_start_2:
0x7a: {  	(tag) =	ssettag $0x2  }
0x7b: {  	s0 =	rddreg [dreg:$0x0];
	s2 =	stileid.u32  }
0x7c: {  	s1 =	rddreg [dreg:$0x1];
	p0 =	sne.s32 s2, $0x0  }
0x7d: {  	s3 =	rddreg [dreg:$0x2];
	[bflag:$0x3] =	sbarrier.arrive $0xFFFF;
	s2 =	simm.s32 @!p0 $0x1C01  }
0x7e: {  	[timem:s3], [sflag:s2] =	dma.local @!p0 [hbm:s0], s1  }
0x7f: {  	s0 =	simm.s32 @!p0 $0x1  }
0x80: {  	_ =	swait.ge @!p0 [sflag:s0], s1  }
0x81: {  	s1 =	ssub.s32 @!p0 $0x0, s1;
	[sflag:s0] =	ssyncset.done @!p0 $0x0  }
0x82: {  	[sflag:s0] =	ssyncadd.s32 @!p0 s1  }
0x83: {  	[bflag:$0x3] =	sbarrier.arrive $0xFFFF  }
0x84: {  	_ =	shalt  }

</sc_bundles>
